<compile_context>
chip_gen: v7x
topology: tpu7x:2x2x1
jax: 0.10.2.dev20260603
libtpu: 0.0.44.dev20260713+nightly
codegen_flags: <defaults>
</compile_context>

<pallas_src>
import functools

import jax
import jax.numpy as jnp
from jax import lax
from jax.experimental import pallas as pl
from jax.experimental.pallas import tpu as pltpu
from jax.experimental.pallas import tpu_sc as plsc

BATCH = 4096
N_FIELDS = 26
EMBED_DIM = 64
B = BATCH * N_FIELDS
NW = 32
BPW = B // NW
CH = 128
NCH = BPW // CH
NBUF = 6


NUM_EMB = 1000000
BQ = 8192
NQBLK = -(-NUM_EMB // (2 * BQ))
NPAIR = NQBLK * BQ


def _pack_body(lo_ref, hi_ref, out_ref):
    for s in range(0, BQ, 1024):
        out_ref[s : s + 1024, :EMBED_DIM] = jnp.swapaxes(
            lo_ref[:, s : s + 1024], 0, 1
        )
        out_ref[s : s + 1024, EMBED_DIM:] = jnp.swapaxes(
            hi_ref[:, s : s + 1024], 0, 1
        )


def _pack_pairs(table):
    table_t = table.T
    return pl.pallas_call(
        _pack_body,
        grid=(NQBLK,),
        in_specs=[
            pl.BlockSpec((EMBED_DIM, BQ), lambda i: (0, 2 * i)),
            pl.BlockSpec(
                (EMBED_DIM, BQ),
                lambda i: (0, jnp.minimum(2 * i + 1, NUM_EMB // BQ - 1)),
            ),
        ],
        out_specs=pl.BlockSpec((BQ, 2 * EMBED_DIM), lambda i: (i, 0)),
        out_shape=jax.ShapeDtypeStruct((NPAIR, 2 * EMBED_DIM), jnp.float32),
        compiler_params=pltpu.CompilerParams(dimension_semantics=("parallel",)),
    )(table_t, table_t)


def _select_body(pairs_ref, p_ref, out_ref):
    x = pairs_ref[...]
    pcol = p_ref[...][0, 0][:, None]
    sel = jnp.where(pcol > 0, x[:, EMBED_DIM:], x[:, :EMBED_DIM])
    out_ref[...] = jnp.swapaxes(sel, 0, 1)[None]


def _select_pack_out(pairs, hi_half):
    return pl.pallas_call(
        _select_body,
        grid=(N_FIELDS,),
        in_specs=[
            pl.BlockSpec((BATCH, 2 * EMBED_DIM), lambda i: (i, 0)),
            pl.BlockSpec((1, 1, BATCH), lambda i: (i, 0, 0)),
        ],
        out_specs=pl.BlockSpec((1, EMBED_DIM, BATCH), lambda i: (i, 0, 0)),
        out_shape=jax.ShapeDtypeStruct((N_FIELDS, EMBED_DIM, BATCH), jnp.float32),
        compiler_params=pltpu.CompilerParams(dimension_semantics=("parallel",)),
    )(pairs, hi_half.reshape(N_FIELDS, 1, BATCH))


def kernel(indices, table):
    idx = indices.T.reshape(B).astype(jnp.int32)
    blk, rem = idx // (2 * BQ), idx % (2 * BQ)
    hi_half, qq = rem // BQ, rem % BQ
    qidx = (blk * BQ + qq).reshape(NW, NCH, CH)
    table_pairs = _pack_pairs(table)

    mesh = plsc.VectorSubcoreMesh(core_axis_name="c", subcore_axis_name="s")

    @functools.partial(
        pl.kernel,
        out_type=jax.ShapeDtypeStruct((B, 2 * EMBED_DIM), jnp.float32),
        mesh=mesh,
        scratch_types=[
            pltpu.VMEM((NCH, CH), jnp.int32),
            pltpu.VMEM((NBUF, CH, 2 * EMBED_DIM), jnp.float32),
            pltpu.SemaphoreType.DMA,
            pltpu.SemaphoreType.DMA((NBUF,)),
            pltpu.SemaphoreType.DMA((NBUF,)),
        ],
    )
    def gather_kernel(table_hbm, idx_hbm, out_hbm, idx_v, rows_v, isem, gsem, wsem):
        wid = lax.axis_index("s") * 2 + lax.axis_index("c")
        base = wid * BPW
        cp = pltpu.make_async_copy(idx_hbm.at[wid], idx_v, isem)
        cp.start()
        cp.wait()

        def gather_cp(c, b):
            return pltpu.make_async_copy(
                table_hbm.at[idx_v.at[c]], rows_v.at[b], gsem.at[b]
            )

        def write_cp(c, b):
            return pltpu.make_async_copy(
                rows_v.at[b], out_hbm.at[pl.ds(base + c * CH, CH)], wsem.at[b]
            )

        for b in range(NBUF):
            gather_cp(b, b).start()

        for c in range(NCH):
            b = c % NBUF
            gather_cp(c, b).wait()
            write_cp(c, b).start()
            n = c + NBUF
            if n < NCH:
                write_cp(c, b).wait()
                gather_cp(n, b).start()

        for c in range(NCH - NBUF, NCH):
            b = c % NBUF
            write_cp(c, b).wait()

    pairs = gather_kernel(table_pairs, qidx)
    out_t = _select_pack_out(pairs, hi_half)
    return out_t.transpose(2, 0, 1)

# --- scband reference (transcript-rebuilt; emitter-appended) ---
"""Pipeline reference for scband-clustered-splitted-embedding-76003741270554 (READ-ONLY COPY).

The authoritative reference and input builder live on the scoring server;
editing this copy changes nothing except your own understanding.
"""

import jax, jax.numpy as jnp
import numpy as np

NUM_EMBEDDINGS = 1000000
EMBED_DIM = 64
BATCH = 4096
N_FIELDS = 26

def setup_inputs(seed: int = 0) -> dict:
    key = jax.random.key(seed)
    k_idx, k_tab = jax.random.split(key)
    indices = jax.random.randint(k_idx, (BATCH, N_FIELDS), 0, NUM_EMBEDDINGS, dtype=jnp.int64)
    table = jax.random.normal(k_tab, (NUM_EMBEDDINGS, EMBED_DIM), dtype=jnp.float32) * 0.01
    return {"indices": indices, "table": table}

def reference(indices, table):
    # ClusteredSplittedEmbedding forward: row-gather from the (clustered / split)
    # embedding table. The split over clusters is a storage-layout detail; the
    # math is a plain embedding lookup: out[b, f, :] = table[indices[b, f], :].
    out = jnp.take(table, indices, axis=0)
    return out

if __name__ == "__main__":
    import jax
    _d = setup_inputs()
    print(jax.jit(kernel)(*tuple(_d.values())))

</pallas_src>

<mosaic_0001>
#map = affine_map<(d0, d1) -> (0, 0)>
#map1 = affine_map<(d0, d1) -> (0, 0, 0)>
module attributes {stable_mosaic.version = 14 : i64} {
  func.func @gather_kernel(%arg0: i32, %arg1: i32, %arg2: memref<507904x128xf32, #tpu.memory_space<hbm>>, %arg3: memref<32x26x128xi32, #tpu.memory_space<hbm>>, %arg4: memref<106496x128xf32, #tpu.memory_space<hbm>>, %arg5: memref<26x128xi32, #tpu.memory_space<vmem>>, %arg6: memref<6x128x128xf32, #tpu.memory_space<vmem>>, %arg7: memref<!tpu.dma_semaphore, #tpu.memory_space<semaphore_mem>>, %arg8: memref<6x!tpu.dma_semaphore, #tpu.memory_space<semaphore_mem>>, %arg9: memref<6x!tpu.dma_semaphore, #tpu.memory_space<semaphore_mem>>) attributes {dimension_semantics = [#tpu.dimension_semantics<core_parallel>, #tpu.dimension_semantics<subcore_parallel>], iteration_bounds = array<i64: 2, 16>, scalar_prefetch = 0 : i64, scratch_operands = 5 : i64, tpu.core_type = #tpu.core_type<sc_vector_subcore>, window_params = [{transform_indices = #map}, {transform_indices = #map1}, {transform_indices = #map}]} {
    %mul3A = arith.constant 2 : i32
    %mul3A_0 = arith.muli %arg1, %mul3A : i32
    %add3A = arith.addi %mul3A_0, %arg0 : i32
    %mul3A_1 = arith.constant 3328 : i32
    %mul3A_2 = arith.muli %add3A, %mul3A_1 : i32
    %dma_start3A = arith.constant 0 : i32
    %dma_start3A_3 = arith.constant 0 : i32
    %dma_start3A_4 = tpu.memref_slice %arg3[%add3A, %dma_start3A, %dma_start3A_3] : memref<32x26x128xi32, #tpu.memory_space<hbm>> -> memref<1x26x128xi32, #tpu.memory_space<hbm>>
    %dma_start3A_5 = tpu.memref_squeeze %dma_start3A_4 : memref<1x26x128xi32, #tpu.memory_space<hbm>> -> memref<26x128xi32, #tpu.memory_space<hbm>>
    %dma_start3A_6 = arith.constant 0 : i32
    %dma_start3A_7 = arith.constant 0 : i32
    %dma_start3A_8 = tpu.memref_slice %arg3[%add3A, %dma_start3A_6, %dma_start3A_7] : memref<32x26x128xi32, #tpu.memory_space<hbm>> -> memref<1x26x128xi32, #tpu.memory_space<hbm>>
    %dma_start3A_9 = tpu.memref_squeeze %dma_start3A_8 : memref<1x26x128xi32, #tpu.memory_space<hbm>> -> memref<26x128xi32, #tpu.memory_space<hbm>>
    tpu.enqueue_dma source(%dma_start3A_9 : memref<26x128xi32, #tpu.memory_space<hbm>>) target(%arg5 : memref<26x128xi32, #tpu.memory_space<vmem>>) target_semaphore(%arg7 : memref<!tpu.dma_semaphore, #tpu.memory_space<semaphore_mem>>)
    %dma_wait3A = arith.constant 0 : i32
    %dma_wait3A_10 = arith.constant 0 : i32
    %dma_wait3A_11 = tpu.memref_slice %arg3[%add3A, %dma_wait3A, %dma_wait3A_10] : memref<32x26x128xi32, #tpu.memory_space<hbm>> -> memref<1x26x128xi32, #tpu.memory_space<hbm>>
    %dma_wait3A_12 = tpu.memref_squeeze %dma_wait3A_11 : memref<1x26x128xi32, #tpu.memory_space<hbm>> -> memref<26x128xi32, #tpu.memory_space<hbm>>
    %dma_wait3A_13 = arith.constant 0 : i32
    %dma_wait3A_14 = arith.constant 0 : i32
    %dma_wait3A_15 = tpu.memref_slice %arg3[%add3A, %dma_wait3A_13, %dma_wait3A_14] : memref<32x26x128xi32, #tpu.memory_space<hbm>> -> memref<1x26x128xi32, #tpu.memory_space<hbm>>
    %dma_wait3A_16 = tpu.memref_squeeze %dma_wait3A_15 : memref<1x26x128xi32, #tpu.memory_space<hbm>> -> memref<26x128xi32, #tpu.memory_space<hbm>>
    tpu.wait_dma2 semaphore(%arg7 : memref<!tpu.dma_semaphore, #tpu.memory_space<semaphore_mem>>) src(%dma_wait3A_16 : memref<26x128xi32, #tpu.memory_space<hbm>>) dst(%arg5 : memref<26x128xi32, #tpu.memory_space<vmem>>)
    %dma_start3A_17 = arith.constant 0 : i32
    %dma_start3A_18 = arith.constant 0 : i32
    %dma_start3A_19 = arith.constant 0 : i32
    %dma_start3A_20 = arith.constant 0 : i32
    %dma_start3A_21 = arith.constant 0 : i32
    %dma_start3A_22 = tpu.memref_slice %arg6[%dma_start3A_18, %dma_start3A_20, %dma_start3A_21] : memref<6x128x128xf32, #tpu.memory_space<vmem>> -> memref<1x128x128xf32, #tpu.memory_space<vmem>>
    %dma_start3A_23 = tpu.memref_squeeze %dma_start3A_22 : memref<1x128x128xf32, #tpu.memory_space<vmem>> -> memref<128x128xf32, #tpu.memory_space<vmem>>
    %dma_start3A_24 = arith.constant 0 : i32
    %dma_start3A_25 = tpu.memref_slice %arg5[%dma_start3A_17, %dma_start3A_24] : memref<26x128xi32, #tpu.memory_space<vmem>> -> memref<1x128xi32, #tpu.memory_space<vmem>>
    %dma_start3A_26 = tpu.memref_squeeze %dma_start3A_25 : memref<1x128xi32, #tpu.memory_space<vmem>> -> memref<128xi32, #tpu.memory_space<vmem>>
    %dma_start3A_27 = arith.constant 0 : i32
    %dma_start3A_28 = arith.constant 0 : i32
    %dma_start3A_29 = tpu.memref_slice %arg2[%dma_start3A_27, %dma_start3A_28] : memref<507904x128xf32, #tpu.memory_space<hbm>> -> memref<507904x128xf32, #tpu.memory_space<hbm>>
    %dma_start3A_30 = tpu.memref_slice %arg8[%dma_start3A_19] : memref<6x!tpu.dma_semaphore, #tpu.memory_space<semaphore_mem>> -> memref<1x!tpu.dma_semaphore, #tpu.memory_space<semaphore_mem>>
    %dma_start3A_31 = tpu.memref_squeeze %dma_start3A_30 : memref<1x!tpu.dma_semaphore, #tpu.memory_space<semaphore_mem>> -> memref<!tpu.dma_semaphore, #tpu.memory_space<semaphore_mem>>
    tpu.enqueue_indirect_dma source(%dma_start3A_29 : memref<507904x128xf32, #tpu.memory_space<hbm>>) target(%dma_start3A_23 : memref<128x128xf32, #tpu.memory_space<vmem>>) offsets(%dma_start3A_26 : memref<128xi32, #tpu.memory_space<vmem>>) semaphore(%dma_start3A_31 : memref<!tpu.dma_semaphore, #tpu.memory_space<semaphore_mem>>)
    %dma_start3A_32 = arith.constant 1 : i32
    %dma_start3A_33 = arith.constant 1 : i32
    %dma_start3A_34 = arith.constant 1 : i32
    %dma_start3A_35 = arith.constant 0 : i32
    %dma_start3A_36 = arith.constant 0 : i32
    %dma_start3A_37 = tpu.memref_slice %arg6[%dma_start3A_33, %dma_start3A_35, %dma_start3A_36] : memref<6x128x128xf32, #tpu.memory_space<vmem>> -> memref<1x128x128xf32, #tpu.memory_space<vmem>>
    %dma_start3A_38 = tpu.memref_squeeze %dma_start3A_37 : memref<1x128x128xf32, #tpu.memory_space<vmem>> -> memref<128x128xf32, #tpu.memory_space<vmem>>
    %dma_start3A_39 = arith.constant 0 : i32
    %dma_start3A_40 = tpu.memref_slice %arg5[%dma_start3A_32, %dma_start3A_39] : memref<26x128xi32, #tpu.memory_space<vmem>> -> memref<1x128xi32, #tpu.memory_space<vmem>>
    %dma_start3A_41 = tpu.memref_squeeze %dma_start3A_40 : memref<1x128xi32, #tpu.memory_space<vmem>> -> memref<128xi32, #tpu.memory_space<vmem>>
    %dma_start3A_42 = arith.constant 0 : i32
    %dma_start3A_43 = arith.constant 0 : i32
    %dma_start3A_44 = tpu.memref_slice %arg2[%dma_start3A_42, %dma_start3A_43] : memref<507904x128xf32, #tpu.memory_space<hbm>> -> memref<507904x128xf32, #tpu.memory_space<hbm>>
    %dma_start3A_45 = tpu.memref_slice %arg8[%dma_start3A_34] : memref<6x!tpu.dma_semaphore, #tpu.memory_space<semaphore_mem>> -> memref<1x!tpu.dma_semaphore, #tpu.memory_space<semaphore_mem>>
    %dma_start3A_46 = tpu.memref_squeeze %dma_start3A_45 : memref<1x!tpu.dma_semaphore, #tpu.memory_space<semaphore_mem>> -> memref<!tpu.dma_semaphore, #tpu.memory_space<semaphore_mem>>
    tpu.enqueue_indirect_dma source(%dma_start3A_44 : memref<507904x128xf32, #tpu.memory_space<hbm>>) target(%dma_start3A_38 : memref<128x128xf32, #tpu.memory_space<vmem>>) offsets(%dma_start3A_41 : memref<128xi32, #tpu.memory_space<vmem>>) semaphore(%dma_start3A_46 : memref<!tpu.dma_semaphore, #tpu.memory_space<semaphore_mem>>)
    %dma_start3A_47 = arith.constant 2 : i32
    %dma_start3A_48 = arith.constant 2 : i32
    %dma_start3A_49 = arith.constant 2 : i32
    %dma_start3A_50 = arith.constant 0 : i32
    %dma_start3A_51 = arith.constant 0 : i32
    %dma_start3A_52 = tpu.memref_slice %arg6[%dma_start3A_48, %dma_start3A_50, %dma_start3A_51] : memref<6x128x128xf32, #tpu.memory_space<vmem>> -> memref<1x128x128xf32, #tpu.memory_space<vmem>>
    %dma_start3A_53 = tpu.memref_squeeze %dma_start3A_52 : memref<1x128x128xf32, #tpu.memory_space<vmem>> -> memref<128x128xf32, #tpu.memory_space<vmem>>
    %dma_start3A_54 = arith.constant 0 : i32
    %dma_start3A_55 = tpu.memref_slice %arg5[%dma_start3A_47, %dma_start3A_54] : memref<26x128xi32, #tpu.memory_space<vmem>> -> memref<1x128xi32, #tpu.memory_space<vmem>>
    %dma_start3A_56 = tpu.memref_squeeze %dma_start3A_55 : memref<1x128xi32, #tpu.memory_space<vmem>> -> memref<128xi32, #tpu.memory_space<vmem>>
    %dma_start3A_57 = arith.constant 0 : i32
    %dma_start3A_58 = arith.constant 0 : i32
    %dma_start3A_59 = tpu.memref_slice %arg2[%dma_start3A_57, %dma_start3A_58] : memref<507904x128xf32, #tpu.memory_space<hbm>> -> memref<507904x128xf32, #tpu.memory_space<hbm>>
    %dma_start3A_60 = tpu.memref_slice %arg8[%dma_start3A_49] : memref<6x!tpu.dma_semaphore, #tpu.memory_space<semaphore_mem>> -> memref<1x!tpu.dma_semaphore, #tpu.memory_space<semaphore_mem>>
    %dma_start3A_61 = tpu.memref_squeeze %dma_start3A_60 : memref<1x!tpu.dma_semaphore, #tpu.memory_space<semaphore_mem>> -> memref<!tpu.dma_semaphore, #tpu.memory_space<semaphore_mem>>
    tpu.enqueue_indirect_dma source(%dma_start3A_59 : memref<507904x128xf32, #tpu.memory_space<hbm>>) target(%dma_start3A_53 : memref<128x128xf32, #tpu.memory_space<vmem>>) offsets(%dma_start3A_56 : memref<128xi32, #tpu.memory_space<vmem>>) semaphore(%dma_start3A_61 : memref<!tpu.dma_semaphore, #tpu.memory_space<semaphore_mem>>)
    %dma_start3A_62 = arith.constant 3 : i32
    %dma_start3A_63 = arith.constant 3 : i32
    %dma_start3A_64 = arith.constant 3 : i32
    %dma_start3A_65 = arith.constant 0 : i32
    %dma_start3A_66 = arith.constant 0 : i32
    %dma_start3A_67 = tpu.memref_slice %arg6[%dma_start3A_63, %dma_start3A_65, %dma_start3A_66] : memref<6x128x128xf32, #tpu.memory_space<vmem>> -> memref<1x128x128xf32, #tpu.memory_space<vmem>>
    %dma_start3A_68 = tpu.memref_squeeze %dma_start3A_67 : memref<1x128x128xf32, #tpu.memory_space<vmem>> -> memref<128x128xf32, #tpu.memory_space<vmem>>
    %dma_start3A_69 = arith.constant 0 : i32
    %dma_start3A_70 = tpu.memref_slice %arg5[%dma_start3A_62, %dma_start3A_69] : memref<26x128xi32, #tpu.memory_space<vmem>> -> memref<1x128xi32, #tpu.memory_space<vmem>>
    %dma_start3A_71 = tpu.memref_squeeze %dma_start3A_70 : memref<1x128xi32, #tpu.memory_space<vmem>> -> memref<128xi32, #tpu.memory_space<vmem>>
    %dma_start3A_72 = arith.constant 0 : i32
    %dma_start3A_73 = arith.constant 0 : i32
    %dma_start3A_74 = tpu.memref_slice %arg2[%dma_start3A_72, %dma_start3A_73] : memref<507904x128xf32, #tpu.memory_space<hbm>> -> memref<507904x128xf32, #tpu.memory_space<hbm>>
    %dma_start3A_75 = tpu.memref_slice %arg8[%dma_start3A_64] : memref<6x!tpu.dma_semaphore, #tpu.memory_space<semaphore_mem>> -> memref<1x!tpu.dma_semaphore, #tpu.memory_space<semaphore_mem>>
    %dma_start3A_76 = tpu.memref_squeeze %dma_start3A_75 : memref<1x!tpu.dma_semaphore, #tpu.memory_space<semaphore_mem>> -> memref<!tpu.dma_semaphore, #tpu.memory_space<semaphore_mem>>
    tpu.enqueue_indirect_dma source(%dma_start3A_74 : memref<507904x128xf32, #tpu.memory_space<hbm>>) target(%dma_start3A_68 : memref<128x128xf32, #tpu.memory_space<vmem>>) offsets(%dma_start3A_71 : memref<128xi32, #tpu.memory_space<vmem>>) semaphore(%dma_start3A_76 : memref<!tpu.dma_semaphore, #tpu.memory_space<semaphore_mem>>)
    %dma_start3A_77 = arith.constant 4 : i32
    %dma_start3A_78 = arith.constant 4 : i32
    %dma_start3A_79 = arith.constant 4 : i32
    %dma_start3A_80 = arith.constant 0 : i32
    %dma_start3A_81 = arith.constant 0 : i32
    %dma_start3A_82 = tpu.memref_slice %arg6[%dma_start3A_78, %dma_start3A_80, %dma_start3A_81] : memref<6x128x128xf32, #tpu.memory_space<vmem>> -> memref<1x128x128xf32, #tpu.memory_space<vmem>>
    %dma_start3A_83 = tpu.memref_squeeze %dma_start3A_82 : memref<1x128x128xf32, #tpu.memory_space<vmem>> -> memref<128x128xf32, #tpu.memory_space<vmem>>
    %dma_start3A_84 = arith.constant 0 : i32
    %dma_start3A_85 = tpu.memref_slice %arg5[%dma_start3A_77, %dma_start3A_84] : memref<26x128xi32, #tpu.memory_space<vmem>> -> memref<1x128xi32, #tpu.memory_space<vmem>>
    %dma_start3A_86 = tpu.memref_squeeze %dma_start3A_85 : memref<1x128xi32, #tpu.memory_space<vmem>> -> memref<128xi32, #tpu.memory_space<vmem>>
    %dma_start3A_87 = arith.constant 0 : i32
    %dma_start3A_88 = arith.constant 0 : i32
    %dma_start3A_89 = tpu.memref_slice %arg2[%dma_start3A_87, %dma_start3A_88] : memref<507904x128xf32, #tpu.memory_space<hbm>> -> memref<507904x128xf32, #tpu.memory_space<hbm>>
    %dma_start3A_90 = tpu.memref_slice %arg8[%dma_start3A_79] : memref<6x!tpu.dma_semaphore, #tpu.memory_space<semaphore_mem>> -> memref<1x!tpu.dma_semaphore, #tpu.memory_space<semaphore_mem>>
    %dma_start3A_91 = tpu.memref_squeeze %dma_start3A_90 : memref<1x!tpu.dma_semaphore, #tpu.memory_space<semaphore_mem>> -> memref<!tpu.dma_semaphore, #tpu.memory_space<semaphore_mem>>
    tpu.enqueue_indirect_dma source(%dma_start3A_89 : memref<507904x128xf32, #tpu.memory_space<hbm>>) target(%dma_start3A_83 : memref<128x128xf32, #tpu.memory_space<vmem>>) offsets(%dma_start3A_86 : memref<128xi32, #tpu.memory_space<vmem>>) semaphore(%dma_start3A_91 : memref<!tpu.dma_semaphore, #tpu.memory_space<semaphore_mem>>)
    %dma_start3A_92 = arith.constant 5 : i32
    %dma_start3A_93 = arith.constant 5 : i32
    %dma_start3A_94 = arith.constant 5 : i32
    %dma_start3A_95 = arith.constant 0 : i32
    %dma_start3A_96 = arith.constant 0 : i32
    %dma_start3A_97 = tpu.memref_slice %arg6[%dma_start3A_93, %dma_start3A_95, %dma_start3A_96] : memref<6x128x128xf32, #tpu.memory_space<vmem>> -> memref<1x128x128xf32, #tpu.memory_space<vmem>>
    %dma_start3A_98 = tpu.memref_squeeze %dma_start3A_97 : memref<1x128x128xf32, #tpu.memory_space<vmem>> -> memref<128x128xf32, #tpu.memory_space<vmem>>
    %dma_start3A_99 = arith.constant 0 : i32
    %dma_start3A_100 = tpu.memref_slice %arg5[%dma_start3A_92, %dma_start3A_99] : memref<26x128xi32, #tpu.memory_space<vmem>> -> memref<1x128xi32, #tpu.memory_space<vmem>>
    %dma_start3A_101 = tpu.memref_squeeze %dma_start3A_100 : memref<1x128xi32, #tpu.memory_space<vmem>> -> memref<128xi32, #tpu.memory_space<vmem>>
    %dma_start3A_102 = arith.constant 0 : i32
    %dma_start3A_103 = arith.constant 0 : i32
    %dma_start3A_104 = tpu.memref_slice %arg2[%dma_start3A_102, %dma_start3A_103] : memref<507904x128xf32, #tpu.memory_space<hbm>> -> memref<507904x128xf32, #tpu.memory_space<hbm>>
    %dma_start3A_105 = tpu.memref_slice %arg8[%dma_start3A_94] : memref<6x!tpu.dma_semaphore, #tpu.memory_space<semaphore_mem>> -> memref<1x!tpu.dma_semaphore, #tpu.memory_space<semaphore_mem>>
    %dma_start3A_106 = tpu.memref_squeeze %dma_start3A_105 : memref<1x!tpu.dma_semaphore, #tpu.memory_space<semaphore_mem>> -> memref<!tpu.dma_semaphore, #tpu.memory_space<semaphore_mem>>
    tpu.enqueue_indirect_dma source(%dma_start3A_104 : memref<507904x128xf32, #tpu.memory_space<hbm>>) target(%dma_start3A_98 : memref<128x128xf32, #tpu.memory_space<vmem>>) offsets(%dma_start3A_101 : memref<128xi32, #tpu.memory_space<vmem>>) semaphore(%dma_start3A_106 : memref<!tpu.dma_semaphore, #tpu.memory_space<semaphore_mem>>)
    %dma_wait3A_107 = arith.constant 0 : i32
    %dma_wait3A_108 = arith.constant 0 : i32
    %dma_wait3A_109 = arith.constant 0 : i32
    %dma_wait3A_110 = arith.constant 0 : i32
    %dma_wait3A_111 = arith.constant 0 : i32
    %dma_wait3A_112 = tpu.memref_slice %arg6[%dma_wait3A_108, %dma_wait3A_110, %dma_wait3A_111] : memref<6x128x128xf32, #tpu.memory_space<vmem>> -> memref<1x128x128xf32, #tpu.memory_space<vmem>>
    %dma_wait3A_113 = tpu.memref_squeeze %dma_wait3A_112 : memref<1x128x128xf32, #tpu.memory_space<vmem>> -> memref<128x128xf32, #tpu.memory_space<vmem>>
    %dma_wait3A_114 = arith.constant 0 : i32
    %dma_wait3A_115 = tpu.memref_slice %arg5[%dma_wait3A_107, %dma_wait3A_114] : memref<26x128xi32, #tpu.memory_space<vmem>> -> memref<1x128xi32, #tpu.memory_space<vmem>>
    %dma_wait3A_116 = tpu.memref_squeeze %dma_wait3A_115 : memref<1x128xi32, #tpu.memory_space<vmem>> -> memref<128xi32, #tpu.memory_space<vmem>>
    %dma_wait3A_117 = arith.constant 0 : i32
    %dma_wait3A_118 = arith.constant 0 : i32
    %dma_wait3A_119 = tpu.memref_slice %arg2[%dma_wait3A_117, %dma_wait3A_118] : memref<507904x128xf32, #tpu.memory_space<hbm>> -> memref<507904x128xf32, #tpu.memory_space<hbm>>
    %dma_wait3A_120 = tpu.memref_slice %arg8[%dma_wait3A_109] : memref<6x!tpu.dma_semaphore, #tpu.memory_space<semaphore_mem>> -> memref<1x!tpu.dma_semaphore, #tpu.memory_space<semaphore_mem>>
    %dma_wait3A_121 = tpu.memref_squeeze %dma_wait3A_120 : memref<1x!tpu.dma_semaphore, #tpu.memory_space<semaphore_mem>> -> memref<!tpu.dma_semaphore, #tpu.memory_space<semaphore_mem>>
    tpu.wait_indirect_dma semaphore(%dma_wait3A_121 : memref<!tpu.dma_semaphore, #tpu.memory_space<semaphore_mem>>) src(%dma_wait3A_119 : memref<507904x128xf32, #tpu.memory_space<hbm>>) dst(%dma_wait3A_113 : memref<128x128xf32, #tpu.memory_space<vmem>>)
    %add3A_122 = arith.constant 0 : i32
    %add3A_123 = arith.addi %mul3A_2, %add3A_122 : i32
    %dma_start3A_124 = arith.constant 0 : i32
    %dma_start3A_125 = arith.constant 0 : i32
    %dma_start3A_126 = arith.constant 0 : i32
    %dma_start3A_127 = arith.constant 0 : i32
    %dma_start3A_128 = tpu.memref_slice %arg6[%dma_start3A_124, %dma_start3A_126, %dma_start3A_127] : memref<6x128x128xf32, #tpu.memory_space<vmem>> -> memref<1x128x128xf32, #tpu.memory_space<vmem>>
    %dma_start3A_129 = tpu.memref_squeeze %dma_start3A_128 : memref<1x128x128xf32, #tpu.memory_space<vmem>> -> memref<128x128xf32, #tpu.memory_space<vmem>>
    %dma_start3A_130 = arith.constant 0 : i32
    %dma_start3A_131 = tpu.memref_slice %arg4[%add3A_123, %dma_start3A_130] : memref<106496x128xf32, #tpu.memory_space<hbm>> -> memref<128x128xf32, #tpu.memory_space<hbm>>
    %dma_start3A_132 = tpu.memref_slice %arg9[%dma_start3A_125] : memref<6x!tpu.dma_semaphore, #tpu.memory_space<semaphore_mem>> -> memref<1x!tpu.dma_semaphore, #tpu.memory_space<semaphore_mem>>
    %dma_start3A_133 = tpu.memref_squeeze %dma_start3A_132 : memref<1x!tpu.dma_semaphore, #tpu.memory_space<semaphore_mem>> -> memref<!tpu.dma_semaphore, #tpu.memory_space<semaphore_mem>>
    %dma_start3A_134 = arith.constant 0 : i32
    %dma_start3A_135 = tpu.memref_slice %arg4[%add3A_123, %dma_start3A_134] : memref<106496x128xf32, #tpu.memory_space<hbm>> -> memref<128x128xf32, #tpu.memory_space<hbm>>
    %dma_start3A_136 = arith.constant 0 : i32
    %dma_start3A_137 = arith.constant 0 : i32
    %dma_start3A_138 = tpu.memref_slice %arg6[%dma_start3A_124, %dma_start3A_136, %dma_start3A_137] : memref<6x128x128xf32, #tpu.memory_space<vmem>> -> memref<1x128x128xf32, #tpu.memory_space<vmem>>
    %dma_start3A_139 = tpu.memref_squeeze %dma_start3A_138 : memref<1x128x128xf32, #tpu.memory_space<vmem>> -> memref<128x128xf32, #tpu.memory_space<vmem>>
    tpu.enqueue_dma source(%dma_start3A_139 : memref<128x128xf32, #tpu.memory_space<vmem>>) target(%dma_start3A_135 : memref<128x128xf32, #tpu.memory_space<hbm>>) target_semaphore(%dma_start3A_133 : memref<!tpu.dma_semaphore, #tpu.memory_space<semaphore_mem>>)
    %add3A_140 = arith.constant 0 : i32
    %add3A_141 = arith.addi %mul3A_2, %add3A_140 : i32
    %dma_wait3A_142 = arith.constant 0 : i32
    %dma_wait3A_143 = arith.constant 0 : i32
    %dma_wait3A_144 = arith.constant 0 : i32
    %dma_wait3A_145 = arith.constant 0 : i32
    %dma_wait3A_146 = tpu.memref_slice %arg6[%dma_wait3A_142, %dma_wait3A_144, %dma_wait3A_145] : memref<6x128x128xf32, #tpu.memory_space<vmem>> -> memref<1x128x128xf32, #tpu.memory_space<vmem>>
    %dma_wait3A_147 = tpu.memref_squeeze %dma_wait3A_146 : memref<1x128x128xf32, #tpu.memory_space<vmem>> -> memref<128x128xf32, #tpu.memory_space<vmem>>
    %dma_wait3A_148 = arith.constant 0 : i32
    %dma_wait3A_149 = tpu.memref_slice %arg4[%add3A_141, %dma_wait3A_148] : memref<106496x128xf32, #tpu.memory_space<hbm>> -> memref<128x128xf32, #tpu.memory_space<hbm>>
    %dma_wait3A_150 = tpu.memref_slice %arg9[%dma_wait3A_143] : memref<6x!tpu.dma_semaphore, #tpu.memory_space<semaphore_mem>> -> memref<1x!tpu.dma_semaphore, #tpu.memory_space<semaphore_mem>>
    %dma_wait3A_151 = tpu.memref_squeeze %dma_wait3A_150 : memref<1x!tpu.dma_semaphore, #tpu.memory_space<semaphore_mem>> -> memref<!tpu.dma_semaphore, #tpu.memory_space<semaphore_mem>>
    %dma_wait3A_152 = arith.constant 0 : i32
    %dma_wait3A_153 = tpu.memref_slice %arg4[%add3A_141, %dma_wait3A_152] : memref<106496x128xf32, #tpu.memory_space<hbm>> -> memref<128x128xf32, #tpu.memory_space<hbm>>
    %dma_wait3A_154 = arith.constant 0 : i32
    %dma_wait3A_155 = arith.constant 0 : i32
    %dma_wait3A_156 = tpu.memref_slice %arg6[%dma_wait3A_142, %dma_wait3A_154, %dma_wait3A_155] : memref<6x128x128xf32, #tpu.memory_space<vmem>> -> memref<1x128x128xf32, #tpu.memory_space<vmem>>
    %dma_wait3A_157 = tpu.memref_squeeze %dma_wait3A_156 : memref<1x128x128xf32, #tpu.memory_space<vmem>> -> memref<128x128xf32, #tpu.memory_space<vmem>>
    tpu.wait_dma2 semaphore(%dma_wait3A_151 : memref<!tpu.dma_semaphore, #tpu.memory_space<semaphore_mem>>) src(%dma_wait3A_157 : memref<128x128xf32, #tpu.memory_space<vmem>>) dst(%dma_wait3A_153 : memref<128x128xf32, #tpu.memory_space<hbm>>)
    %dma_start3A_158 = arith.constant 6 : i32
    %dma_start3A_159 = arith.constant 0 : i32
    %dma_start3A_160 = arith.constant 0 : i32
    %dma_start3A_161 = arith.constant 0 : i32
    %dma_start3A_162 = arith.constant 0 : i32
    %dma_start3A_163 = tpu.memref_slice %arg6[%dma_start3A_159, %dma_start3A_161, %dma_start3A_162] : memref<6x128x128xf32, #tpu.memory_space<vmem>> -> memref<1x128x128xf32, #tpu.memory_space<vmem>>
    %dma_start3A_164 = tpu.memref_squeeze %dma_start3A_163 : memref<1x128x128xf32, #tpu.memory_space<vmem>> -> memref<128x128xf32, #tpu.memory_space<vmem>>
    %dma_start3A_165 = arith.constant 0 : i32
    %dma_start3A_166 = tpu.memref_slice %arg5[%dma_start3A_158, %dma_start3A_165] : memref<26x128xi32, #tpu.memory_space<vmem>> -> memref<1x128xi32, #tpu.memory_space<vmem>>
    %dma_start3A_167 = tpu.memref_squeeze %dma_start3A_166 : memref<1x128xi32, #tpu.memory_space<vmem>> -> memref<128xi32, #tpu.memory_space<vmem>>
    %dma_start3A_168 = arith.constant 0 : i32
    %dma_start3A_169 = arith.constant 0 : i32
    %dma_start3A_170 = tpu.memref_slice %arg2[%dma_start3A_168, %dma_start3A_169] : memref<507904x128xf32, #tpu.memory_space<hbm>> -> memref<507904x128xf32, #tpu.memory_space<hbm>>
    %dma_start3A_171 = tpu.memref_slice %arg8[%dma_start3A_160] : memref<6x!tpu.dma_semaphore, #tpu.memory_space<semaphore_mem>> -> memref<1x!tpu.dma_semaphore, #tpu.memory_space<semaphore_mem>>
    %dma_start3A_172 = tpu.memref_squeeze %dma_start3A_171 : memref<1x!tpu.dma_semaphore, #tpu.memory_space<semaphore_mem>> -> memref<!tpu.dma_semaphore, #tpu.memory_space<semaphore_mem>>
    tpu.enqueue_indirect_dma source(%dma_start3A_170 : memref<507904x128xf32, #tpu.memory_space<hbm>>) target(%dma_start3A_164 : memref<128x128xf32, #tpu.memory_space<vmem>>) offsets(%dma_start3A_167 : memref<128xi32, #tpu.memory_space<vmem>>) semaphore(%dma_start3A_172 : memref<!tpu.dma_semaphore, #tpu.memory_space<semaphore_mem>>)
    %dma_wait3A_173 = arith.constant 1 : i32
    %dma_wait3A_174 = arith.constant 1 : i32
    %dma_wait3A_175 = arith.constant 1 : i32
    %dma_wait3A_176 = arith.constant 0 : i32
    %dma_wait3A_177 = arith.constant 0 : i32
    %dma_wait3A_178 = tpu.memref_slice %arg6[%dma_wait3A_174, %dma_wait3A_176, %dma_wait3A_177] : memref<6x128x128xf32, #tpu.memory_space<vmem>> -> memref<1x128x128xf32, #tpu.memory_space<vmem>>
    %dma_wait3A_179 = tpu.memref_squeeze %dma_wait3A_178 : memref<1x128x128xf32, #tpu.memory_space<vmem>> -> memref<128x128xf32, #tpu.memory_space<vmem>>
    %dma_wait3A_180 = arith.constant 0 : i32
    %dma_wait3A_181 = tpu.memref_slice %arg5[%dma_wait3A_173, %dma_wait3A_180] : memref<26x128xi32, #tpu.memory_space<vmem>> -> memref<1x128xi32, #tpu.memory_space<vmem>>
    %dma_wait3A_182 = tpu.memref_squeeze %dma_wait3A_181 : memref<1x128xi32, #tpu.memory_space<vmem>> -> memref<128xi32, #tpu.memory_space<vmem>>
    %dma_wait3A_183 = arith.constant 0 : i32
    %dma_wait3A_184 = arith.constant 0 : i32
    %dma_wait3A_185 = tpu.memref_slice %arg2[%dma_wait3A_183, %dma_wait3A_184] : memref<507904x128xf32, #tpu.memory_space<hbm>> -> memref<507904x128xf32, #tpu.memory_space<hbm>>
    %dma_wait3A_186 = tpu.memref_slice %arg8[%dma_wait3A_175] : memref<6x!tpu.dma_semaphore, #tpu.memory_space<semaphore_mem>> -> memref<1x!tpu.dma_semaphore, #tpu.memory_space<semaphore_mem>>
    %dma_wait3A_187 = tpu.memref_squeeze %dma_wait3A_186 : memref<1x!tpu.dma_semaphore, #tpu.memory_space<semaphore_mem>> -> memref<!tpu.dma_semaphore, #tpu.memory_space<semaphore_mem>>
    tpu.wait_indirect_dma semaphore(%dma_wait3A_187 : memref<!tpu.dma_semaphore, #tpu.memory_space<semaphore_mem>>) src(%dma_wait3A_185 : memref<507904x128xf32, #tpu.memory_space<hbm>>) dst(%dma_wait3A_179 : memref<128x128xf32, #tpu.memory_space<vmem>>)
    %add3A_188 = arith.constant 128 : i32
    %add3A_189 = arith.addi %mul3A_2, %add3A_188 : i32
    %dma_start3A_190 = arith.constant 1 : i32
    %dma_start3A_191 = arith.constant 1 : i32
    %dma_start3A_192 = arith.constant 0 : i32
    %dma_start3A_193 = arith.constant 0 : i32
    %dma_start3A_194 = tpu.memref_slice %arg6[%dma_start3A_190, %dma_start3A_192, %dma_start3A_193] : memref<6x128x128xf32, #tpu.memory_space<vmem>> -> memref<1x128x128xf32, #tpu.memory_space<vmem>>
    %dma_start3A_195 = tpu.memref_squeeze %dma_start3A_194 : memref<1x128x128xf32, #tpu.memory_space<vmem>> -> memref<128x128xf32, #tpu.memory_space<vmem>>
    %dma_start3A_196 = arith.constant 0 : i32
    %dma_start3A_197 = tpu.memref_slice %arg4[%add3A_189, %dma_start3A_196] : memref<106496x128xf32, #tpu.memory_space<hbm>> -> memref<128x128xf32, #tpu.memory_space<hbm>>
    %dma_start3A_198 = tpu.memref_slice %arg9[%dma_start3A_191] : memref<6x!tpu.dma_semaphore, #tpu.memory_space<semaphore_mem>> -> memref<1x!tpu.dma_semaphore, #tpu.memory_space<semaphore_mem>>
    %dma_start3A_199 = tpu.memref_squeeze %dma_start3A_198 : memref<1x!tpu.dma_semaphore, #tpu.memory_space<semaphore_mem>> -> memref<!tpu.dma_semaphore, #tpu.memory_space<semaphore_mem>>
    %dma_start3A_200 = arith.constant 0 : i32
    %dma_start3A_201 = tpu.memref_slice %arg4[%add3A_189, %dma_start3A_200] : memref<106496x128xf32, #tpu.memory_space<hbm>> -> memref<128x128xf32, #tpu.memory_space<hbm>>
    %dma_start3A_202 = arith.constant 0 : i32
    %dma_start3A_203 = arith.constant 0 : i32
    %dma_start3A_204 = tpu.memref_slice %arg6[%dma_start3A_190, %dma_start3A_202, %dma_start3A_203] : memref<6x128x128xf32, #tpu.memory_space<vmem>> -> memref<1x128x128xf32, #tpu.memory_space<vmem>>
    %dma_start3A_205 = tpu.memref_squeeze %dma_start3A_204 : memref<1x128x128xf32, #tpu.memory_space<vmem>> -> memref<128x128xf32, #tpu.memory_space<vmem>>
    tpu.enqueue_dma source(%dma_start3A_205 : memref<128x128xf32, #tpu.memory_space<vmem>>) target(%dma_start3A_201 : memref<128x128xf32, #tpu.memory_space<hbm>>) target_semaphore(%dma_start3A_199 : memref<!tpu.dma_semaphore, #tpu.memory_space<semaphore_mem>>)
    %add3A_206 = arith.constant 128 : i32
    %add3A_207 = arith.addi %mul3A_2, %add3A_206 : i32
    %dma_wait3A_208 = arith.constant 1 : i32
    %dma_wait3A_209 = arith.constant 1 : i32
    %dma_wait3A_210 = arith.constant 0 : i32
    %dma_wait3A_211 = arith.constant 0 : i32
    %dma_wait3A_212 = tpu.memref_slice %arg6[%dma_wait3A_208, %dma_wait3A_210, %dma_wait3A_211] : memref<6x128x128xf32, #tpu.memory_space<vmem>> -> memref<1x128x128xf32, #tpu.memory_space<vmem>>
    %dma_wait3A_213 = tpu.memref_squeeze %dma_wait3A_212 : memref<1x128x128xf32, #tpu.memory_space<vmem>> -> memref<128x128xf32, #tpu.memory_space<vmem>>
    %dma_wait3A_214 = arith.constant 0 : i32
    %dma_wait3A_215 = tpu.memref_slice %arg4[%add3A_207, %dma_wait3A_214] : memref<106496x128xf32, #tpu.memory_space<hbm>> -> memref<128x128xf32, #tpu.memory_space<hbm>>
    %dma_wait3A_216 = tpu.memref_slice %arg9[%dma_wait3A_209] : memref<6x!tpu.dma_semaphore, #tpu.memory_space<semaphore_mem>> -> memref<1x!tpu.dma_semaphore, #tpu.memory_space<semaphore_mem>>
    %dma_wait3A_217 = tpu.memref_squeeze %dma_wait3A_216 : memref<1x!tpu.dma_semaphore, #tpu.memory_space<semaphore_mem>> -> memref<!tpu.dma_semaphore, #tpu.memory_space<semaphore_mem>>
    %dma_wait3A_218 = arith.constant 0 : i32
    %dma_wait3A_219 = tpu.memref_slice %arg4[%add3A_207, %dma_wait3A_218] : memref<106496x128xf32, #tpu.memory_space<hbm>> -> memref<128x128xf32, #tpu.memory_space<hbm>>
    %dma_wait3A_220 = arith.constant 0 : i32
    %dma_wait3A_221 = arith.constant 0 : i32
    %dma_wait3A_222 = tpu.memref_slice %arg6[%dma_wait3A_208, %dma_wait3A_220, %dma_wait3A_221] : memref<6x128x128xf32, #tpu.memory_space<vmem>> -> memref<1x128x128xf32, #tpu.memory_space<vmem>>
    %dma_wait3A_223 = tpu.memref_squeeze %dma_wait3A_222 : memref<1x128x128xf32, #tpu.memory_space<vmem>> -> memref<128x128xf32, #tpu.memory_space<vmem>>
    tpu.wait_dma2 semaphore(%dma_wait3A_217 : memref<!tpu.dma_semaphore, #tpu.memory_space<semaphore_mem>>) src(%dma_wait3A_223 : memref<128x128xf32, #tpu.memory_space<vmem>>) dst(%dma_wait3A_219 : memref<128x128xf32, #tpu.memory_space<hbm>>)
    %dma_start3A_224 = arith.constant 7 : i32
    %dma_start3A_225 = arith.constant 1 : i32
    %dma_start3A_226 = arith.constant 1 : i32
    %dma_start3A_227 = arith.constant 0 : i32
    %dma_start3A_228 = arith.constant 0 : i32
    %dma_start3A_229 = tpu.memref_slice %arg6[%dma_start3A_225, %dma_start3A_227, %dma_start3A_228] : memref<6x128x128xf32, #tpu.memory_space<vmem>> -> memref<1x128x128xf32, #tpu.memory_space<vmem>>
    %dma_start3A_230 = tpu.memref_squeeze %dma_start3A_229 : memref<1x128x128xf32, #tpu.memory_space<vmem>> -> memref<128x128xf32, #tpu.memory_space<vmem>>
    %dma_start3A_231 = arith.constant 0 : i32
    %dma_start3A_232 = tpu.memref_slice %arg5[%dma_start3A_224, %dma_start3A_231] : memref<26x128xi32, #tpu.memory_space<vmem>> -> memref<1x128xi32, #tpu.memory_space<vmem>>
    %dma_start3A_233 = tpu.memref_squeeze %dma_start3A_232 : memref<1x128xi32, #tpu.memory_space<vmem>> -> memref<128xi32, #tpu.memory_space<vmem>>
    %dma_start3A_234 = arith.constant 0 : i32
    %dma_start3A_235 = arith.constant 0 : i32
    %dma_start3A_236 = tpu.memref_slice %arg2[%dma_start3A_234, %dma_start3A_235] : memref<507904x128xf32, #tpu.memory_space<hbm>> -> memref<507904x128xf32, #tpu.memory_space<hbm>>
    %dma_start3A_237 = tpu.memref_slice %arg8[%dma_start3A_226] : memref<6x!tpu.dma_semaphore, #tpu.memory_space<semaphore_mem>> -> memref<1x!tpu.dma_semaphore, #tpu.memory_space<semaphore_mem>>
    %dma_start3A_238 = tpu.memref_squeeze %dma_start3A_237 : memref<1x!tpu.dma_semaphore, #tpu.memory_space<semaphore_mem>> -> memref<!tpu.dma_semaphore, #tpu.memory_space<semaphore_mem>>
    tpu.enqueue_indirect_dma source(%dma_start3A_236 : memref<507904x128xf32, #tpu.memory_space<hbm>>) target(%dma_start3A_230 : memref<128x128xf32, #tpu.memory_space<vmem>>) offsets(%dma_start3A_233 : memref<128xi32, #tpu.memory_space<vmem>>) semaphore(%dma_start3A_238 : memref<!tpu.dma_semaphore, #tpu.memory_space<semaphore_mem>>)
    %dma_wait3A_239 = arith.constant 2 : i32
    %dma_wait3A_240 = arith.constant 2 : i32
    %dma_wait3A_241 = arith.constant 2 : i32
    %dma_wait3A_242 = arith.constant 0 : i32
    %dma_wait3A_243 = arith.constant 0 : i32
    %dma_wait3A_244 = tpu.memref_slice %arg6[%dma_wait3A_240, %dma_wait3A_242, %dma_wait3A_243] : memref<6x128x128xf32, #tpu.memory_space<vmem>> -> memref<1x128x128xf32, #tpu.memory_space<vmem>>
    %dma_wait3A_245 = tpu.memref_squeeze %dma_wait3A_244 : memref<1x128x128xf32, #tpu.memory_space<vmem>> -> memref<128x128xf32, #tpu.memory_space<vmem>>
    %dma_wait3A_246 = arith.constant 0 : i32
    %dma_wait3A_247 = tpu.memref_slice %arg5[%dma_wait3A_239, %dma_wait3A_246] : memref<26x128xi32, #tpu.memory_space<vmem>> -> memref<1x128xi32, #tpu.memory_space<vmem>>
    %dma_wait3A_248 = tpu.memref_squeeze %dma_wait3A_247 : memref<1x128xi32, #tpu.memory_space<vmem>> -> memref<128xi32, #tpu.memory_space<vmem>>
    %dma_wait3A_249 = arith.constant 0 : i32
    %dma_wait3A_250 = arith.constant 0 : i32
    %dma_wait3A_251 = tpu.memref_slice %arg2[%dma_wait3A_249, %dma_wait3A_250] : memref<507904x128xf32, #tpu.memory_space<hbm>> -> memref<507904x128xf32, #tpu.memory_space<hbm>>
    %dma_wait3A_252 = tpu.memref_slice %arg8[%dma_wait3A_241] : memref<6x!tpu.dma_semaphore, #tpu.memory_space<semaphore_mem>> -> memref<1x!tpu.dma_semaphore, #tpu.memory_space<semaphore_mem>>
    %dma_wait3A_253 = tpu.memref_squeeze %dma_wait3A_252 : memref<1x!tpu.dma_semaphore, #tpu.memory_space<semaphore_mem>> -> memref<!tpu.dma_semaphore, #tpu.memory_space<semaphore_mem>>
    tpu.wait_indirect_dma semaphore(%dma_wait3A_253 : memref<!tpu.dma_semaphore, #tpu.memory_space<semaphore_mem>>) src(%dma_wait3A_251 : memref<507904x128xf32, #tpu.memory_space<hbm>>) dst(%dma_wait3A_245 : memref<128x128xf32, #tpu.memory_space<vmem>>)
    %add3A_254 = arith.constant 256 : i32
    %add3A_255 = arith.addi %mul3A_2, %add3A_254 : i32
    %dma_start3A_256 = arith.constant 2 : i32
    %dma_start3A_257 = arith.constant 2 : i32
    %dma_start3A_258 = arith.constant 0 : i32
    %dma_start3A_259 = arith.constant 0 : i32
    %dma_start3A_260 = tpu.memref_slice %arg6[%dma_start3A_256, %dma_start3A_258, %dma_start3A_259] : memref<6x128x128xf32, #tpu.memory_space<vmem>> -> memref<1x128x128xf32, #tpu.memory_space<vmem>>
    %dma_start3A_261 = tpu.memref_squeeze %dma_start3A_260 : memref<1x128x128xf32, #tpu.memory_space<vmem>> -> memref<128x128xf32, #tpu.memory_space<vmem>>
    %dma_start3A_262 = arith.constant 0 : i32
    %dma_start3A_263 = tpu.memref_slice %arg4[%add3A_255, %dma_start3A_262] : memref<106496x128xf32, #tpu.memory_space<hbm>> -> memref<128x128xf32, #tpu.memory_space<hbm>>
    %dma_start3A_264 = tpu.memref_slice %arg9[%dma_start3A_257] : memref<6x!tpu.dma_semaphore, #tpu.memory_space<semaphore_mem>> -> memref<1x!tpu.dma_semaphore, #tpu.memory_space<semaphore_mem>>
    %dma_start3A_265 = tpu.memref_squeeze %dma_start3A_264 : memref<1x!tpu.dma_semaphore, #tpu.memory_space<semaphore_mem>> -> memref<!tpu.dma_semaphore, #tpu.memory_space<semaphore_mem>>
    %dma_start3A_266 = arith.constant 0 : i32
    %dma_start3A_267 = tpu.memref_slice %arg4[%add3A_255, %dma_start3A_266] : memref<106496x128xf32, #tpu.memory_space<hbm>> -> memref<128x128xf32, #tpu.memory_space<hbm>>
    %dma_start3A_268 = arith.constant 0 : i32
    %dma_start3A_269 = arith.constant 0 : i32
    %dma_start3A_270 = tpu.memref_slice %arg6[%dma_start3A_256, %dma_start3A_268, %dma_start3A_269] : memref<6x128x128xf32, #tpu.memory_space<vmem>> -> memref<1x128x128xf32, #tpu.memory_space<vmem>>
    %dma_start3A_271 = tpu.memref_squeeze %dma_start3A_270 : memref<1x128x128xf32, #tpu.memory_space<vmem>> -> memref<128x128xf32, #tpu.memory_space<vmem>>
    tpu.enqueue_dma source(%dma_start3A_271 : memref<128x128xf32, #tpu.memory_space<vmem>>) target(%dma_start3A_267 : memref<128x128xf32, #tpu.memory_space<hbm>>) target_semaphore(%dma_start3A_265 : memref<!tpu.dma_semaphore, #tpu.memory_space<semaphore_mem>>)
    %add3A_272 = arith.constant 256 : i32
    %add3A_273 = arith.addi %mul3A_2, %add3A_272 : i32
    %dma_wait3A_274 = arith.constant 2 : i32
    %dma_wait3A_275 = arith.constant 2 : i32
    %dma_wait3A_276 = arith.constant 0 : i32
    %dma_wait3A_277 = arith.constant 0 : i32
    %dma_wait3A_278 = tpu.memref_slice %arg6[%dma_wait3A_274, %dma_wait3A_276, %dma_wait3A_277] : memref<6x128x128xf32, #tpu.memory_space<vmem>> -> memref<1x128x128xf32, #tpu.memory_space<vmem>>
    %dma_wait3A_279 = tpu.memref_squeeze %dma_wait3A_278 : memref<1x128x128xf32, #tpu.memory_space<vmem>> -> memref<128x128xf32, #tpu.memory_space<vmem>>
    %dma_wait3A_280 = arith.constant 0 : i32
    %dma_wait3A_281 = tpu.memref_slice %arg4[%add3A_273, %dma_wait3A_280] : memref<106496x128xf32, #tpu.memory_space<hbm>> -> memref<128x128xf32, #tpu.memory_space<hbm>>
    %dma_wait3A_282 = tpu.memref_slice %arg9[%dma_wait3A_275] : memref<6x!tpu.dma_semaphore, #tpu.memory_space<semaphore_mem>> -> memref<1x!tpu.dma_semaphore, #tpu.memory_space<semaphore_mem>>
    %dma_wait3A_283 = tpu.memref_squeeze %dma_wait3A_282 : memref<1x!tpu.dma_semaphore, #tpu.memory_space<semaphore_mem>> -> memref<!tpu.dma_semaphore, #tpu.memory_space<semaphore_mem>>
    %dma_wait3A_284 = arith.constant 0 : i32
    %dma_wait3A_285 = tpu.memref_slice %arg4[%add3A_273, %dma_wait3A_284] : memref<106496x128xf32, #tpu.memory_space<hbm>> -> memref<128x128xf32, #tpu.memory_space<hbm>>
    %dma_wait3A_286 = arith.constant 0 : i32
    %dma_wait3A_287 = arith.constant 0 : i32
    %dma_wait3A_288 = tpu.memref_slice %arg6[%dma_wait3A_274, %dma_wait3A_286, %dma_wait3A_287] : memref<6x128x128xf32, #tpu.memory_space<vmem>> -> memref<1x128x128xf32, #tpu.memory_space<vmem>>
    %dma_wait3A_289 = tpu.memref_squeeze %dma_wait3A_288 : memref<1x128x128xf32, #tpu.memory_space<vmem>> -> memref<128x128xf32, #tpu.memory_space<vmem>>
    tpu.wait_dma2 semaphore(%dma_wait3A_283 : memref<!tpu.dma_semaphore, #tpu.memory_space<semaphore_mem>>) src(%dma_wait3A_289 : memref<128x128xf32, #tpu.memory_space<vmem>>) dst(%dma_wait3A_285 : memref<128x128xf32, #tpu.memory_space<hbm>>)
    %dma_start3A_290 = arith.constant 8 : i32
    %dma_start3A_291 = arith.constant 2 : i32
    %dma_start3A_292 = arith.constant 2 : i32
    %dma_start3A_293 = arith.constant 0 : i32
    %dma_start3A_294 = arith.constant 0 : i32
    %dma_start3A_295 = tpu.memref_slice %arg6[%dma_start3A_291, %dma_start3A_293, %dma_start3A_294] : memref<6x128x128xf32, #tpu.memory_space<vmem>> -> memref<1x128x128xf32, #tpu.memory_space<vmem>>
    %dma_start3A_296 = tpu.memref_squeeze %dma_start3A_295 : memref<1x128x128xf32, #tpu.memory_space<vmem>> -> memref<128x128xf32, #tpu.memory_space<vmem>>
    %dma_start3A_297 = arith.constant 0 : i32
    %dma_start3A_298 = tpu.memref_slice %arg5[%dma_start3A_290, %dma_start3A_297] : memref<26x128xi32, #tpu.memory_space<vmem>> -> memref<1x128xi32, #tpu.memory_space<vmem>>
    %dma_start3A_299 = tpu.memref_squeeze %dma_start3A_298 : memref<1x128xi32, #tpu.memory_space<vmem>> -> memref<128xi32, #tpu.memory_space<vmem>>
    %dma_start3A_300 = arith.constant 0 : i32
    %dma_start3A_301 = arith.constant 0 : i32
    %dma_start3A_302 = tpu.memref_slice %arg2[%dma_start3A_300, %dma_start3A_301] : memref<507904x128xf32, #tpu.memory_space<hbm>> -> memref<507904x128xf32, #tpu.memory_space<hbm>>
    %dma_start3A_303 = tpu.memref_slice %arg8[%dma_start3A_292] : memref<6x!tpu.dma_semaphore, #tpu.memory_space<semaphore_mem>> -> memref<1x!tpu.dma_semaphore, #tpu.memory_space<semaphore_mem>>
    %dma_start3A_304 = tpu.memref_squeeze %dma_start3A_303 : memref<1x!tpu.dma_semaphore, #tpu.memory_space<semaphore_mem>> -> memref<!tpu.dma_semaphore, #tpu.memory_space<semaphore_mem>>
    tpu.enqueue_indirect_dma source(%dma_start3A_302 : memref<507904x128xf32, #tpu.memory_space<hbm>>) target(%dma_start3A_296 : memref<128x128xf32, #tpu.memory_space<vmem>>) offsets(%dma_start3A_299 : memref<128xi32, #tpu.memory_space<vmem>>) semaphore(%dma_start3A_304 : memref<!tpu.dma_semaphore, #tpu.memory_space<semaphore_mem>>)
    %dma_wait3A_305 = arith.constant 3 : i32
    %dma_wait3A_306 = arith.constant 3 : i32
    %dma_wait3A_307 = arith.constant 3 : i32
    %dma_wait3A_308 = arith.constant 0 : i32
    %dma_wait3A_309 = arith.constant 0 : i32
    %dma_wait3A_310 = tpu.memref_slice %arg6[%dma_wait3A_306, %dma_wait3A_308, %dma_wait3A_309] : memref<6x128x128xf32, #tpu.memory_space<vmem>> -> memref<1x128x128xf32, #tpu.memory_space<vmem>>
    %dma_wait3A_311 = tpu.memref_squeeze %dma_wait3A_310 : memref<1x128x128xf32, #tpu.memory_space<vmem>> -> memref<128x128xf32, #tpu.memory_space<vmem>>
    %dma_wait3A_312 = arith.constant 0 : i32
    %dma_wait3A_313 = tpu.memref_slice %arg5[%dma_wait3A_305, %dma_wait3A_312] : memref<26x128xi32, #tpu.memory_space<vmem>> -> memref<1x128xi32, #tpu.memory_space<vmem>>
    %dma_wait3A_314 = tpu.memref_squeeze %dma_wait3A_313 : memref<1x128xi32, #tpu.memory_space<vmem>> -> memref<128xi32, #tpu.memory_space<vmem>>
    %dma_wait3A_315 = arith.constant 0 : i32
    %dma_wait3A_316 = arith.constant 0 : i32
    %dma_wait3A_317 = tpu.memref_slice %arg2[%dma_wait3A_315, %dma_wait3A_316] : memref<507904x128xf32, #tpu.memory_space<hbm>> -> memref<507904x128xf32, #tpu.memory_space<hbm>>
    %dma_wait3A_318 = tpu.memref_slice %arg8[%dma_wait3A_307] : memref<6x!tpu.dma_semaphore, #tpu.memory_space<semaphore_mem>> -> memref<1x!tpu.dma_semaphore, #tpu.memory_space<semaphore_mem>>
    %dma_wait3A_319 = tpu.memref_squeeze %dma_wait3A_318 : memref<1x!tpu.dma_semaphore, #tpu.memory_space<semaphore_mem>> -> memref<!tpu.dma_semaphore, #tpu.memory_space<semaphore_mem>>
    tpu.wait_indirect_dma semaphore(%dma_wait3A_319 : memref<!tpu.dma_semaphore, #tpu.memory_space<semaphore_mem>>) src(%dma_wait3A_317 : memref<507904x128xf32, #tpu.memory_space<hbm>>) dst(%dma_wait3A_311 : memref<128x128xf32, #tpu.memory_space<vmem>>)
    %add3A_320 = arith.constant 384 : i32
    %add3A_321 = arith.addi %mul3A_2, %add3A_320 : i32
    %dma_start3A_322 = arith.constant 3 : i32
    %dma_start3A_323 = arith.constant 3 : i32
    %dma_start3A_324 = arith.constant 0 : i32
    %dma_start3A_325 = arith.constant 0 : i32
    %dma_start3A_326 = tpu.memref_slice %arg6[%dma_start3A_322, %dma_start3A_324, %dma_start3A_325] : memref<6x128x128xf32, #tpu.memory_space<vmem>> -> memref<1x128x128xf32, #tpu.memory_space<vmem>>
    %dma_start3A_327 = tpu.memref_squeeze %dma_start3A_326 : memref<1x128x128xf32, #tpu.memory_space<vmem>> -> memref<128x128xf32, #tpu.memory_space<vmem>>
    %dma_start3A_328 = arith.constant 0 : i32
    %dma_start3A_329 = tpu.memref_slice %arg4[%add3A_321, %dma_start3A_328] : memref<106496x128xf32, #tpu.memory_space<hbm>> -> memref<128x128xf32, #tpu.memory_space<hbm>>
    %dma_start3A_330 = tpu.memref_slice %arg9[%dma_start3A_323] : memref<6x!tpu.dma_semaphore, #tpu.memory_space<semaphore_mem>> -> memref<1x!tpu.dma_semaphore, #tpu.memory_space<semaphore_mem>>
    %dma_start3A_331 = tpu.memref_squeeze %dma_start3A_330 : memref<1x!tpu.dma_semaphore, #tpu.memory_space<semaphore_mem>> -> memref<!tpu.dma_semaphore, #tpu.memory_space<semaphore_mem>>
    %dma_start3A_332 = arith.constant 0 : i32
    %dma_start3A_333 = tpu.memref_slice %arg4[%add3A_321, %dma_start3A_332] : memref<106496x128xf32, #tpu.memory_space<hbm>> -> memref<128x128xf32, #tpu.memory_space<hbm>>
    %dma_start3A_334 = arith.constant 0 : i32
    %dma_start3A_335 = arith.constant 0 : i32
    %dma_start3A_336 = tpu.memref_slice %arg6[%dma_start3A_322, %dma_start3A_334, %dma_start3A_335] : memref<6x128x128xf32, #tpu.memory_space<vmem>> -> memref<1x128x128xf32, #tpu.memory_space<vmem>>
    %dma_start3A_337 = tpu.memref_squeeze %dma_start3A_336 : memref<1x128x128xf32, #tpu.memory_space<vmem>> -> memref<128x128xf32, #tpu.memory_space<vmem>>
    tpu.enqueue_dma source(%dma_start3A_337 : memref<128x128xf32, #tpu.memory_space<vmem>>) target(%dma_start3A_333 : memref<128x128xf32, #tpu.memory_space<hbm>>) target_semaphore(%dma_start3A_331 : memref<!tpu.dma_semaphore, #tpu.memory_space<semaphore_mem>>)
    %add3A_338 = arith.constant 384 : i32
    %add3A_339 = arith.addi %mul3A_2, %add3A_338 : i32
    %dma_wait3A_340 = arith.constant 3 : i32
    %dma_wait3A_341 = arith.constant 3 : i32
    %dma_wait3A_342 = arith.constant 0 : i32
    %dma_wait3A_343 = arith.constant 0 : i32
    %dma_wait3A_344 = tpu.memref_slice %arg6[%dma_wait3A_340, %dma_wait3A_342, %dma_wait3A_343] : memref<6x128x128xf32, #tpu.memory_space<vmem>> -> memref<1x128x128xf32, #tpu.memory_space<vmem>>
    %dma_wait3A_345 = tpu.memref_squeeze %dma_wait3A_344 : memref<1x128x128xf32, #tpu.memory_space<vmem>> -> memref<128x128xf32, #tpu.memory_space<vmem>>
    %dma_wait3A_346 = arith.constant 0 : i32
    %dma_wait3A_347 = tpu.memref_slice %arg4[%add3A_339, %dma_wait3A_346] : memref<106496x128xf32, #tpu.memory_space<hbm>> -> memref<128x128xf32, #tpu.memory_space<hbm>>
    %dma_wait3A_348 = tpu.memref_slice %arg9[%dma_wait3A_341] : memref<6x!tpu.dma_semaphore, #tpu.memory_space<semaphore_mem>> -> memref<1x!tpu.dma_semaphore, #tpu.memory_space<semaphore_mem>>
    %dma_wait3A_349 = tpu.memref_squeeze %dma_wait3A_348 : memref<1x!tpu.dma_semaphore, #tpu.memory_space<semaphore_mem>> -> memref<!tpu.dma_semaphore, #tpu.memory_space<semaphore_mem>>
    %dma_wait3A_350 = arith.constant 0 : i32
    %dma_wait3A_351 = tpu.memref_slice %arg4[%add3A_339, %dma_wait3A_350] : memref<106496x128xf32, #tpu.memory_space<hbm>> -> memref<128x128xf32, #tpu.memory_space<hbm>>
    %dma_wait3A_352 = arith.constant 0 : i32
    %dma_wait3A_353 = arith.constant 0 : i32
    %dma_wait3A_354 = tpu.memref_slice %arg6[%dma_wait3A_340, %dma_wait3A_352, %dma_wait3A_353] : memref<6x128x128xf32, #tpu.memory_space<vmem>> -> memref<1x128x128xf32, #tpu.memory_space<vmem>>
    %dma_wait3A_355 = tpu.memref_squeeze %dma_wait3A_354 : memref<1x128x128xf32, #tpu.memory_space<vmem>> -> memref<128x128xf32, #tpu.memory_space<vmem>>
    tpu.wait_dma2 semaphore(%dma_wait3A_349 : memref<!tpu.dma_semaphore, #tpu.memory_space<semaphore_mem>>) src(%dma_wait3A_355 : memref<128x128xf32, #tpu.memory_space<vmem>>) dst(%dma_wait3A_351 : memref<128x128xf32, #tpu.memory_space<hbm>>)
    %dma_start3A_356 = arith.constant 9 : i32
    %dma_start3A_357 = arith.constant 3 : i32
    %dma_start3A_358 = arith.constant 3 : i32
    %dma_start3A_359 = arith.constant 0 : i32
    %dma_start3A_360 = arith.constant 0 : i32
    %dma_start3A_361 = tpu.memref_slice %arg6[%dma_start3A_357, %dma_start3A_359, %dma_start3A_360] : memref<6x128x128xf32, #tpu.memory_space<vmem>> -> memref<1x128x128xf32, #tpu.memory_space<vmem>>
    %dma_start3A_362 = tpu.memref_squeeze %dma_start3A_361 : memref<1x128x128xf32, #tpu.memory_space<vmem>> -> memref<128x128xf32, #tpu.memory_space<vmem>>
    %dma_start3A_363 = arith.constant 0 : i32
    %dma_start3A_364 = tpu.memref_slice %arg5[%dma_start3A_356, %dma_start3A_363] : memref<26x128xi32, #tpu.memory_space<vmem>> -> memref<1x128xi32, #tpu.memory_space<vmem>>
    %dma_start3A_365 = tpu.memref_squeeze %dma_start3A_364 : memref<1x128xi32, #tpu.memory_space<vmem>> -> memref<128xi32, #tpu.memory_space<vmem>>
    %dma_start3A_366 = arith.constant 0 : i32
    %dma_start3A_367 = arith.constant 0 : i32
    %dma_start3A_368 = tpu.memref_slice %arg2[%dma_start3A_366, %dma_start3A_367] : memref<507904x128xf32, #tpu.memory_space<hbm>> -> memref<507904x128xf32, #tpu.memory_space<hbm>>
    %dma_start3A_369 = tpu.memref_slice %arg8[%dma_start3A_358] : memref<6x!tpu.dma_semaphore, #tpu.memory_space<semaphore_mem>> -> memref<1x!tpu.dma_semaphore, #tpu.memory_space<semaphore_mem>>
    %dma_start3A_370 = tpu.memref_squeeze %dma_start3A_369 : memref<1x!tpu.dma_semaphore, #tpu.memory_space<semaphore_mem>> -> memref<!tpu.dma_semaphore, #tpu.memory_space<semaphore_mem>>
    tpu.enqueue_indirect_dma source(%dma_start3A_368 : memref<507904x128xf32, #tpu.memory_space<hbm>>) target(%dma_start3A_362 : memref<128x128xf32, #tpu.memory_space<vmem>>) offsets(%dma_start3A_365 : memref<128xi32, #tpu.memory_space<vmem>>) semaphore(%dma_start3A_370 : memref<!tpu.dma_semaphore, #tpu.memory_space<semaphore_mem>>)
    %dma_wait3A_371 = arith.constant 4 : i32
    %dma_wait3A_372 = arith.constant 4 : i32
    %dma_wait3A_373 = arith.constant 4 : i32
    %dma_wait3A_374 = arith.constant 0 : i32
    %dma_wait3A_375 = arith.constant 0 : i32
    %dma_wait3A_376 = tpu.memref_slice %arg6[%dma_wait3A_372, %dma_wait3A_374, %dma_wait3A_375] : memref<6x128x128xf32, #tpu.memory_space<vmem>> -> memref<1x128x128xf32, #tpu.memory_space<vmem>>
    %dma_wait3A_377 = tpu.memref_squeeze %dma_wait3A_376 : memref<1x128x128xf32, #tpu.memory_space<vmem>> -> memref<128x128xf32, #tpu.memory_space<vmem>>
    %dma_wait3A_378 = arith.constant 0 : i32
    %dma_wait3A_379 = tpu.memref_slice %arg5[%dma_wait3A_371, %dma_wait3A_378] : memref<26x128xi32, #tpu.memory_space<vmem>> -> memref<1x128xi32, #tpu.memory_space<vmem>>
    %dma_wait3A_380 = tpu.memref_squeeze %dma_wait3A_379 : memref<1x128xi32, #tpu.memory_space<vmem>> -> memref<128xi32, #tpu.memory_space<vmem>>
    %dma_wait3A_381 = arith.constant 0 : i32
    %dma_wait3A_382 = arith.constant 0 : i32
    %dma_wait3A_383 = tpu.memref_slice %arg2[%dma_wait3A_381, %dma_wait3A_382] : memref<507904x128xf32, #tpu.memory_space<hbm>> -> memref<507904x128xf32, #tpu.memory_space<hbm>>
    %dma_wait3A_384 = tpu.memref_slice %arg8[%dma_wait3A_373] : memref<6x!tpu.dma_semaphore, #tpu.memory_space<semaphore_mem>> -> memref<1x!tpu.dma_semaphore, #tpu.memory_space<semaphore_mem>>
    %dma_wait3A_385 = tpu.memref_squeeze %dma_wait3A_384 : memref<1x!tpu.dma_semaphore, #tpu.memory_space<semaphore_mem>> -> memref<!tpu.dma_semaphore, #tpu.memory_space<semaphore_mem>>
    tpu.wait_indirect_dma semaphore(%dma_wait3A_385 : memref<!tpu.dma_semaphore, #tpu.memory_space<semaphore_mem>>) src(%dma_wait3A_383 : memref<507904x128xf32, #tpu.memory_space<hbm>>) dst(%dma_wait3A_377 : memref<128x128xf32, #tpu.memory_space<vmem>>)
    %add3A_386 = arith.constant 512 : i32
    %add3A_387 = arith.addi %mul3A_2, %add3A_386 : i32
    %dma_start3A_388 = arith.constant 4 : i32
    %dma_start3A_389 = arith.constant 4 : i32
    %dma_start3A_390 = arith.constant 0 : i32
    %dma_start3A_391 = arith.constant 0 : i32
    %dma_start3A_392 = tpu.memref_slice %arg6[%dma_start3A_388, %dma_start3A_390, %dma_start3A_391] : memref<6x128x128xf32, #tpu.memory_space<vmem>> -> memref<1x128x128xf32, #tpu.memory_space<vmem>>
    %dma_start3A_393 = tpu.memref_squeeze %dma_start3A_392 : memref<1x128x128xf32, #tpu.memory_space<vmem>> -> memref<128x128xf32, #tpu.memory_space<vmem>>
    %dma_start3A_394 = arith.constant 0 : i32
    %dma_start3A_395 = tpu.memref_slice %arg4[%add3A_387, %dma_start3A_394] : memref<106496x128xf32, #tpu.memory_space<hbm>> -> memref<128x128xf32, #tpu.memory_space<hbm>>
    %dma_start3A_396 = tpu.memref_slice %arg9[%dma_start3A_389] : memref<6x!tpu.dma_semaphore, #tpu.memory_space<semaphore_mem>> -> memref<1x!tpu.dma_semaphore, #tpu.memory_space<semaphore_mem>>
    %dma_start3A_397 = tpu.memref_squeeze %dma_start3A_396 : memref<1x!tpu.dma_semaphore, #tpu.memory_space<semaphore_mem>> -> memref<!tpu.dma_semaphore, #tpu.memory_space<semaphore_mem>>
    %dma_start3A_398 = arith.constant 0 : i32
    %dma_start3A_399 = tpu.memref_slice %arg4[%add3A_387, %dma_start3A_398] : memref<106496x128xf32, #tpu.memory_space<hbm>> -> memref<128x128xf32, #tpu.memory_space<hbm>>
    %dma_start3A_400 = arith.constant 0 : i32
    %dma_start3A_401 = arith.constant 0 : i32
    %dma_start3A_402 = tpu.memref_slice %arg6[%dma_start3A_388, %dma_start3A_400, %dma_start3A_401] : memref<6x128x128xf32, #tpu.memory_space<vmem>> -> memref<1x128x128xf32, #tpu.memory_space<vmem>>
    %dma_start3A_403 = tpu.memref_squeeze %dma_start3A_402 : memref<1x128x128xf32, #tpu.memory_space<vmem>> -> memref<128x128xf32, #tpu.memory_space<vmem>>
    tpu.enqueue_dma source(%dma_start3A_403 : memref<128x128xf32, #tpu.memory_space<vmem>>) target(%dma_start3A_399 : memref<128x128xf32, #tpu.memory_space<hbm>>) target_semaphore(%dma_start3A_397 : memref<!tpu.dma_semaphore, #tpu.memory_space<semaphore_mem>>)
    %add3A_404 = arith.constant 512 : i32
    %add3A_405 = arith.addi %mul3A_2, %add3A_404 : i32
    %dma_wait3A_406 = arith.constant 4 : i32
    %dma_wait3A_407 = arith.constant 4 : i32
    %dma_wait3A_408 = arith.constant 0 : i32
    %dma_wait3A_409 = arith.constant 0 : i32
    %dma_wait3A_410 = tpu.memref_slice %arg6[%dma_wait3A_406, %dma_wait3A_408, %dma_wait3A_409] : memref<6x128x128xf32, #tpu.memory_space<vmem>> -> memref<1x128x128xf32, #tpu.memory_space<vmem>>
    %dma_wait3A_411 = tpu.memref_squeeze %dma_wait3A_410 : memref<1x128x128xf32, #tpu.memory_space<vmem>> -> memref<128x128xf32, #tpu.memory_space<vmem>>
    %dma_wait3A_412 = arith.constant 0 : i32
    %dma_wait3A_413 = tpu.memref_slice %arg4[%add3A_405, %dma_wait3A_412] : memref<106496x128xf32, #tpu.memory_space<hbm>> -> memref<128x128xf32, #tpu.memory_space<hbm>>
    %dma_wait3A_414 = tpu.memref_slice %arg9[%dma_wait3A_407] : memref<6x!tpu.dma_semaphore, #tpu.memory_space<semaphore_mem>> -> memref<1x!tpu.dma_semaphore, #tpu.memory_space<semaphore_mem>>
    %dma_wait3A_415 = tpu.memref_squeeze %dma_wait3A_414 : memref<1x!tpu.dma_semaphore, #tpu.memory_space<semaphore_mem>> -> memref<!tpu.dma_semaphore, #tpu.memory_space<semaphore_mem>>
    %dma_wait3A_416 = arith.constant 0 : i32
    %dma_wait3A_417 = tpu.memref_slice %arg4[%add3A_405, %dma_wait3A_416] : memref<106496x128xf32, #tpu.memory_space<hbm>> -> memref<128x128xf32, #tpu.memory_space<hbm>>
    %dma_wait3A_418 = arith.constant 0 : i32
    %dma_wait3A_419 = arith.constant 0 : i32
    %dma_wait3A_420 = tpu.memref_slice %arg6[%dma_wait3A_406, %dma_wait3A_418, %dma_wait3A_419] : memref<6x128x128xf32, #tpu.memory_space<vmem>> -> memref<1x128x128xf32, #tpu.memory_space<vmem>>
    %dma_wait3A_421 = tpu.memref_squeeze %dma_wait3A_420 : memref<1x128x128xf32, #tpu.memory_space<vmem>> -> memref<128x128xf32, #tpu.memory_space<vmem>>
    tpu.wait_dma2 semaphore(%dma_wait3A_415 : memref<!tpu.dma_semaphore, #tpu.memory_space<semaphore_mem>>) src(%dma_wait3A_421 : memref<128x128xf32, #tpu.memory_space<vmem>>) dst(%dma_wait3A_417 : memref<128x128xf32, #tpu.memory_space<hbm>>)
    %dma_start3A_422 = arith.constant 10 : i32
    %dma_start3A_423 = arith.constant 4 : i32
    %dma_start3A_424 = arith.constant 4 : i32
    %dma_start3A_425 = arith.constant 0 : i32
    %dma_start3A_426 = arith.constant 0 : i32
    %dma_start3A_427 = tpu.memref_slice %arg6[%dma_start3A_423, %dma_start3A_425, %dma_start3A_426] : memref<6x128x128xf32, #tpu.memory_space<vmem>> -> memref<1x128x128xf32, #tpu.memory_space<vmem>>
    %dma_start3A_428 = tpu.memref_squeeze %dma_start3A_427 : memref<1x128x128xf32, #tpu.memory_space<vmem>> -> memref<128x128xf32, #tpu.memory_space<vmem>>
    %dma_start3A_429 = arith.constant 0 : i32
    %dma_start3A_430 = tpu.memref_slice %arg5[%dma_start3A_422, %dma_start3A_429] : memref<26x128xi32, #tpu.memory_space<vmem>> -> memref<1x128xi32, #tpu.memory_space<vmem>>
    %dma_start3A_431 = tpu.memref_squeeze %dma_start3A_430 : memref<1x128xi32, #tpu.memory_space<vmem>> -> memref<128xi32, #tpu.memory_space<vmem>>
    %dma_start3A_432 = arith.constant 0 : i32
    %dma_start3A_433 = arith.constant 0 : i32
    %dma_start3A_434 = tpu.memref_slice %arg2[%dma_start3A_432, %dma_start3A_433] : memref<507904x128xf32, #tpu.memory_space<hbm>> -> memref<507904x128xf32, #tpu.memory_space<hbm>>
    %dma_start3A_435 = tpu.memref_slice %arg8[%dma_start3A_424] : memref<6x!tpu.dma_semaphore, #tpu.memory_space<semaphore_mem>> -> memref<1x!tpu.dma_semaphore, #tpu.memory_space<semaphore_mem>>
    %dma_start3A_436 = tpu.memref_squeeze %dma_start3A_435 : memref<1x!tpu.dma_semaphore, #tpu.memory_space<semaphore_mem>> -> memref<!tpu.dma_semaphore, #tpu.memory_space<semaphore_mem>>
    tpu.enqueue_indirect_dma source(%dma_start3A_434 : memref<507904x128xf32, #tpu.memory_space<hbm>>) target(%dma_start3A_428 : memref<128x128xf32, #tpu.memory_space<vmem>>) offsets(%dma_start3A_431 : memref<128xi32, #tpu.memory_space<vmem>>) semaphore(%dma_start3A_436 : memref<!tpu.dma_semaphore, #tpu.memory_space<semaphore_mem>>)
    %dma_wait3A_437 = arith.constant 5 : i32
    %dma_wait3A_438 = arith.constant 5 : i32
    %dma_wait3A_439 = arith.constant 5 : i32
    %dma_wait3A_440 = arith.constant 0 : i32
    %dma_wait3A_441 = arith.constant 0 : i32
    %dma_wait3A_442 = tpu.memref_slice %arg6[%dma_wait3A_438, %dma_wait3A_440, %dma_wait3A_441] : memref<6x128x128xf32, #tpu.memory_space<vmem>> -> memref<1x128x128xf32, #tpu.memory_space<vmem>>
    %dma_wait3A_443 = tpu.memref_squeeze %dma_wait3A_442 : memref<1x128x128xf32, #tpu.memory_space<vmem>> -> memref<128x128xf32, #tpu.memory_space<vmem>>
    %dma_wait3A_444 = arith.constant 0 : i32
    %dma_wait3A_445 = tpu.memref_slice %arg5[%dma_wait3A_437, %dma_wait3A_444] : memref<26x128xi32, #tpu.memory_space<vmem>> -> memref<1x128xi32, #tpu.memory_space<vmem>>
    %dma_wait3A_446 = tpu.memref_squeeze %dma_wait3A_445 : memref<1x128xi32, #tpu.memory_space<vmem>> -> memref<128xi32, #tpu.memory_space<vmem>>
    %dma_wait3A_447 = arith.constant 0 : i32
    %dma_wait3A_448 = arith.constant 0 : i32
    %dma_wait3A_449 = tpu.memref_slice %arg2[%dma_wait3A_447, %dma_wait3A_448] : memref<507904x128xf32, #tpu.memory_space<hbm>> -> memref<507904x128xf32, #tpu.memory_space<hbm>>
    %dma_wait3A_450 = tpu.memref_slice %arg8[%dma_wait3A_439] : memref<6x!tpu.dma_semaphore, #tpu.memory_space<semaphore_mem>> -> memref<1x!tpu.dma_semaphore, #tpu.memory_space<semaphore_mem>>
    %dma_wait3A_451 = tpu.memref_squeeze %dma_wait3A_450 : memref<1x!tpu.dma_semaphore, #tpu.memory_space<semaphore_mem>> -> memref<!tpu.dma_semaphore, #tpu.memory_space<semaphore_mem>>
    tpu.wait_indirect_dma semaphore(%dma_wait3A_451 : memref<!tpu.dma_semaphore, #tpu.memory_space<semaphore_mem>>) src(%dma_wait3A_449 : memref<507904x128xf32, #tpu.memory_space<hbm>>) dst(%dma_wait3A_443 : memref<128x128xf32, #tpu.memory_space<vmem>>)
    %add3A_452 = arith.constant 640 : i32
    %add3A_453 = arith.addi %mul3A_2, %add3A_452 : i32
    %dma_start3A_454 = arith.constant 5 : i32
    %dma_start3A_455 = arith.constant 5 : i32
    %dma_start3A_456 = arith.constant 0 : i32
    %dma_start3A_457 = arith.constant 0 : i32
    %dma_start3A_458 = tpu.memref_slice %arg6[%dma_start3A_454, %dma_start3A_456, %dma_start3A_457] : memref<6x128x128xf32, #tpu.memory_space<vmem>> -> memref<1x128x128xf32, #tpu.memory_space<vmem>>
    %dma_start3A_459 = tpu.memref_squeeze %dma_start3A_458 : memref<1x128x128xf32, #tpu.memory_space<vmem>> -> memref<128x128xf32, #tpu.memory_space<vmem>>
    %dma_start3A_460 = arith.constant 0 : i32
    %dma_start3A_461 = tpu.memref_slice %arg4[%add3A_453, %dma_start3A_460] : memref<106496x128xf32, #tpu.memory_space<hbm>> -> memref<128x128xf32, #tpu.memory_space<hbm>>
    %dma_start3A_462 = tpu.memref_slice %arg9[%dma_start3A_455] : memref<6x!tpu.dma_semaphore, #tpu.memory_space<semaphore_mem>> -> memref<1x!tpu.dma_semaphore, #tpu.memory_space<semaphore_mem>>
    %dma_start3A_463 = tpu.memref_squeeze %dma_start3A_462 : memref<1x!tpu.dma_semaphore, #tpu.memory_space<semaphore_mem>> -> memref<!tpu.dma_semaphore, #tpu.memory_space<semaphore_mem>>
    %dma_start3A_464 = arith.constant 0 : i32
    %dma_start3A_465 = tpu.memref_slice %arg4[%add3A_453, %dma_start3A_464] : memref<106496x128xf32, #tpu.memory_space<hbm>> -> memref<128x128xf32, #tpu.memory_space<hbm>>
    %dma_start3A_466 = arith.constant 0 : i32
    %dma_start3A_467 = arith.constant 0 : i32
    %dma_start3A_468 = tpu.memref_slice %arg6[%dma_start3A_454, %dma_start3A_466, %dma_start3A_467] : memref<6x128x128xf32, #tpu.memory_space<vmem>> -> memref<1x128x128xf32, #tpu.memory_space<vmem>>
    %dma_start3A_469 = tpu.memref_squeeze %dma_start3A_468 : memref<1x128x128xf32, #tpu.memory_space<vmem>> -> memref<128x128xf32, #tpu.memory_space<vmem>>
    tpu.enqueue_dma source(%dma_start3A_469 : memref<128x128xf32, #tpu.memory_space<vmem>>) target(%dma_start3A_465 : memref<128x128xf32, #tpu.memory_space<hbm>>) target_semaphore(%dma_start3A_463 : memref<!tpu.dma_semaphore, #tpu.memory_space<semaphore_mem>>)
    %add3A_470 = arith.constant 640 : i32
    %add3A_471 = arith.addi %mul3A_2, %add3A_470 : i32
    %dma_wait3A_472 = arith.constant 5 : i32
    %dma_wait3A_473 = arith.constant 5 : i32
    %dma_wait3A_474 = arith.constant 0 : i32
    %dma_wait3A_475 = arith.constant 0 : i32
    %dma_wait3A_476 = tpu.memref_slice %arg6[%dma_wait3A_472, %dma_wait3A_474, %dma_wait3A_475] : memref<6x128x128xf32, #tpu.memory_space<vmem>> -> memref<1x128x128xf32, #tpu.memory_space<vmem>>
    %dma_wait3A_477 = tpu.memref_squeeze %dma_wait3A_476 : memref<1x128x128xf32, #tpu.memory_space<vmem>> -> memref<128x128xf32, #tpu.memory_space<vmem>>
    %dma_wait3A_478 = arith.constant 0 : i32
    %dma_wait3A_479 = tpu.memref_slice %arg4[%add3A_471, %dma_wait3A_478] : memref<106496x128xf32, #tpu.memory_space<hbm>> -> memref<128x128xf32, #tpu.memory_space<hbm>>
    %dma_wait3A_480 = tpu.memref_slice %arg9[%dma_wait3A_473] : memref<6x!tpu.dma_semaphore, #tpu.memory_space<semaphore_mem>> -> memref<1x!tpu.dma_semaphore, #tpu.memory_space<semaphore_mem>>
    %dma_wait3A_481 = tpu.memref_squeeze %dma_wait3A_480 : memref<1x!tpu.dma_semaphore, #tpu.memory_space<semaphore_mem>> -> memref<!tpu.dma_semaphore, #tpu.memory_space<semaphore_mem>>
    %dma_wait3A_482 = arith.constant 0 : i32
    %dma_wait3A_483 = tpu.memref_slice %arg4[%add3A_471, %dma_wait3A_482] : memref<106496x128xf32, #tpu.memory_space<hbm>> -> memref<128x128xf32, #tpu.memory_space<hbm>>
    %dma_wait3A_484 = arith.constant 0 : i32
    %dma_wait3A_485 = arith.constant 0 : i32
    %dma_wait3A_486 = tpu.memref_slice %arg6[%dma_wait3A_472, %dma_wait3A_484, %dma_wait3A_485] : memref<6x128x128xf32, #tpu.memory_space<vmem>> -> memref<1x128x128xf32, #tpu.memory_space<vmem>>
    %dma_wait3A_487 = tpu.memref_squeeze %dma_wait3A_486 : memref<1x128x128xf32, #tpu.memory_space<vmem>> -> memref<128x128xf32, #tpu.memory_space<vmem>>
    tpu.wait_dma2 semaphore(%dma_wait3A_481 : memref<!tpu.dma_semaphore, #tpu.memory_space<semaphore_mem>>) src(%dma_wait3A_487 : memref<128x128xf32, #tpu.memory_space<vmem>>) dst(%dma_wait3A_483 : memref<128x128xf32, #tpu.memory_space<hbm>>)
    %dma_start3A_488 = arith.constant 11 : i32
    %dma_start3A_489 = arith.constant 5 : i32
    %dma_start3A_490 = arith.constant 5 : i32
    %dma_start3A_491 = arith.constant 0 : i32
    %dma_start3A_492 = arith.constant 0 : i32
    %dma_start3A_493 = tpu.memref_slice %arg6[%dma_start3A_489, %dma_start3A_491, %dma_start3A_492] : memref<6x128x128xf32, #tpu.memory_space<vmem>> -> memref<1x128x128xf32, #tpu.memory_space<vmem>>
    %dma_start3A_494 = tpu.memref_squeeze %dma_start3A_493 : memref<1x128x128xf32, #tpu.memory_space<vmem>> -> memref<128x128xf32, #tpu.memory_space<vmem>>
    %dma_start3A_495 = arith.constant 0 : i32
    %dma_start3A_496 = tpu.memref_slice %arg5[%dma_start3A_488, %dma_start3A_495] : memref<26x128xi32, #tpu.memory_space<vmem>> -> memref<1x128xi32, #tpu.memory_space<vmem>>
    %dma_start3A_497 = tpu.memref_squeeze %dma_start3A_496 : memref<1x128xi32, #tpu.memory_space<vmem>> -> memref<128xi32, #tpu.memory_space<vmem>>
    %dma_start3A_498 = arith.constant 0 : i32
    %dma_start3A_499 = arith.constant 0 : i32
    %dma_start3A_500 = tpu.memref_slice %arg2[%dma_start3A_498, %dma_start3A_499] : memref<507904x128xf32, #tpu.memory_space<hbm>> -> memref<507904x128xf32, #tpu.memory_space<hbm>>
    %dma_start3A_501 = tpu.memref_slice %arg8[%dma_start3A_490] : memref<6x!tpu.dma_semaphore, #tpu.memory_space<semaphore_mem>> -> memref<1x!tpu.dma_semaphore, #tpu.memory_space<semaphore_mem>>
    %dma_start3A_502 = tpu.memref_squeeze %dma_start3A_501 : memref<1x!tpu.dma_semaphore, #tpu.memory_space<semaphore_mem>> -> memref<!tpu.dma_semaphore, #tpu.memory_space<semaphore_mem>>
    tpu.enqueue_indirect_dma source(%dma_start3A_500 : memref<507904x128xf32, #tpu.memory_space<hbm>>) target(%dma_start3A_494 : memref<128x128xf32, #tpu.memory_space<vmem>>) offsets(%dma_start3A_497 : memref<128xi32, #tpu.memory_space<vmem>>) semaphore(%dma_start3A_502 : memref<!tpu.dma_semaphore, #tpu.memory_space<semaphore_mem>>)
    %dma_wait3A_503 = arith.constant 6 : i32
    %dma_wait3A_504 = arith.constant 0 : i32
    %dma_wait3A_505 = arith.constant 0 : i32
    %dma_wait3A_506 = arith.constant 0 : i32
    %dma_wait3A_507 = arith.constant 0 : i32
    %dma_wait3A_508 = tpu.memref_slice %arg6[%dma_wait3A_504, %dma_wait3A_506, %dma_wait3A_507] : memref<6x128x128xf32, #tpu.memory_space<vmem>> -> memref<1x128x128xf32, #tpu.memory_space<vmem>>
    %dma_wait3A_509 = tpu.memref_squeeze %dma_wait3A_508 : memref<1x128x128xf32, #tpu.memory_space<vmem>> -> memref<128x128xf32, #tpu.memory_space<vmem>>
    %dma_wait3A_510 = arith.constant 0 : i32
    %dma_wait3A_511 = tpu.memref_slice %arg5[%dma_wait3A_503, %dma_wait3A_510] : memref<26x128xi32, #tpu.memory_space<vmem>> -> memref<1x128xi32, #tpu.memory_space<vmem>>
    %dma_wait3A_512 = tpu.memref_squeeze %dma_wait3A_511 : memref<1x128xi32, #tpu.memory_space<vmem>> -> memref<128xi32, #tpu.memory_space<vmem>>
    %dma_wait3A_513 = arith.constant 0 : i32
    %dma_wait3A_514 = arith.constant 0 : i32
    %dma_wait3A_515 = tpu.memref_slice %arg2[%dma_wait3A_513, %dma_wait3A_514] : memref<507904x128xf32, #tpu.memory_space<hbm>> -> memref<507904x128xf32, #tpu.memory_space<hbm>>
    %dma_wait3A_516 = tpu.memref_slice %arg8[%dma_wait3A_505] : memref<6x!tpu.dma_semaphore, #tpu.memory_space<semaphore_mem>> -> memref<1x!tpu.dma_semaphore, #tpu.memory_space<semaphore_mem>>
    %dma_wait3A_517 = tpu.memref_squeeze %dma_wait3A_516 : memref<1x!tpu.dma_semaphore, #tpu.memory_space<semaphore_mem>> -> memref<!tpu.dma_semaphore, #tpu.memory_space<semaphore_mem>>
    tpu.wait_indirect_dma semaphore(%dma_wait3A_517 : memref<!tpu.dma_semaphore, #tpu.memory_space<semaphore_mem>>) src(%dma_wait3A_515 : memref<507904x128xf32, #tpu.memory_space<hbm>>) dst(%dma_wait3A_509 : memref<128x128xf32, #tpu.memory_space<vmem>>)
    %add3A_518 = arith.constant 768 : i32
    %add3A_519 = arith.addi %mul3A_2, %add3A_518 : i32
    %dma_start3A_520 = arith.constant 0 : i32
    %dma_start3A_521 = arith.constant 0 : i32
    %dma_start3A_522 = arith.constant 0 : i32
    %dma_start3A_523 = arith.constant 0 : i32
    %dma_start3A_524 = tpu.memref_slice %arg6[%dma_start3A_520, %dma_start3A_522, %dma_start3A_523] : memref<6x128x128xf32, #tpu.memory_space<vmem>> -> memref<1x128x128xf32, #tpu.memory_space<vmem>>
    %dma_start3A_525 = tpu.memref_squeeze %dma_start3A_524 : memref<1x128x128xf32, #tpu.memory_space<vmem>> -> memref<128x128xf32, #tpu.memory_space<vmem>>
    %dma_start3A_526 = arith.constant 0 : i32
    %dma_start3A_527 = tpu.memref_slice %arg4[%add3A_519, %dma_start3A_526] : memref<106496x128xf32, #tpu.memory_space<hbm>> -> memref<128x128xf32, #tpu.memory_space<hbm>>
    %dma_start3A_528 = tpu.memref_slice %arg9[%dma_start3A_521] : memref<6x!tpu.dma_semaphore, #tpu.memory_space<semaphore_mem>> -> memref<1x!tpu.dma_semaphore, #tpu.memory_space<semaphore_mem>>
    %dma_start3A_529 = tpu.memref_squeeze %dma_start3A_528 : memref<1x!tpu.dma_semaphore, #tpu.memory_space<semaphore_mem>> -> memref<!tpu.dma_semaphore, #tpu.memory_space<semaphore_mem>>
    %dma_start3A_530 = arith.constant 0 : i32
    %dma_start3A_531 = tpu.memref_slice %arg4[%add3A_519, %dma_start3A_530] : memref<106496x128xf32, #tpu.memory_space<hbm>> -> memref<128x128xf32, #tpu.memory_space<hbm>>
    %dma_start3A_532 = arith.constant 0 : i32
    %dma_start3A_533 = arith.constant 0 : i32
    %dma_start3A_534 = tpu.memref_slice %arg6[%dma_start3A_520, %dma_start3A_532, %dma_start3A_533] : memref<6x128x128xf32, #tpu.memory_space<vmem>> -> memref<1x128x128xf32, #tpu.memory_space<vmem>>
    %dma_start3A_535 = tpu.memref_squeeze %dma_start3A_534 : memref<1x128x128xf32, #tpu.memory_space<vmem>> -> memref<128x128xf32, #tpu.memory_space<vmem>>
    tpu.enqueue_dma source(%dma_start3A_535 : memref<128x128xf32, #tpu.memory_space<vmem>>) target(%dma_start3A_531 : memref<128x128xf32, #tpu.memory_space<hbm>>) target_semaphore(%dma_start3A_529 : memref<!tpu.dma_semaphore, #tpu.memory_space<semaphore_mem>>)
    %add3A_536 = arith.constant 768 : i32
    %add3A_537 = arith.addi %mul3A_2, %add3A_536 : i32
    %dma_wait3A_538 = arith.constant 0 : i32
    %dma_wait3A_539 = arith.constant 0 : i32
    %dma_wait3A_540 = arith.constant 0 : i32
    %dma_wait3A_541 = arith.constant 0 : i32
    %dma_wait3A_542 = tpu.memref_slice %arg6[%dma_wait3A_538, %dma_wait3A_540, %dma_wait3A_541] : memref<6x128x128xf32, #tpu.memory_space<vmem>> -> memref<1x128x128xf32, #tpu.memory_space<vmem>>
    %dma_wait3A_543 = tpu.memref_squeeze %dma_wait3A_542 : memref<1x128x128xf32, #tpu.memory_space<vmem>> -> memref<128x128xf32, #tpu.memory_space<vmem>>
    %dma_wait3A_544 = arith.constant 0 : i32
    %dma_wait3A_545 = tpu.memref_slice %arg4[%add3A_537, %dma_wait3A_544] : memref<106496x128xf32, #tpu.memory_space<hbm>> -> memref<128x128xf32, #tpu.memory_space<hbm>>
    %dma_wait3A_546 = tpu.memref_slice %arg9[%dma_wait3A_539] : memref<6x!tpu.dma_semaphore, #tpu.memory_space<semaphore_mem>> -> memref<1x!tpu.dma_semaphore, #tpu.memory_space<semaphore_mem>>
    %dma_wait3A_547 = tpu.memref_squeeze %dma_wait3A_546 : memref<1x!tpu.dma_semaphore, #tpu.memory_space<semaphore_mem>> -> memref<!tpu.dma_semaphore, #tpu.memory_space<semaphore_mem>>
    %dma_wait3A_548 = arith.constant 0 : i32
    %dma_wait3A_549 = tpu.memref_slice %arg4[%add3A_537, %dma_wait3A_548] : memref<106496x128xf32, #tpu.memory_space<hbm>> -> memref<128x128xf32, #tpu.memory_space<hbm>>
    %dma_wait3A_550 = arith.constant 0 : i32
    %dma_wait3A_551 = arith.constant 0 : i32
    %dma_wait3A_552 = tpu.memref_slice %arg6[%dma_wait3A_538, %dma_wait3A_550, %dma_wait3A_551] : memref<6x128x128xf32, #tpu.memory_space<vmem>> -> memref<1x128x128xf32, #tpu.memory_space<vmem>>
    %dma_wait3A_553 = tpu.memref_squeeze %dma_wait3A_552 : memref<1x128x128xf32, #tpu.memory_space<vmem>> -> memref<128x128xf32, #tpu.memory_space<vmem>>
    tpu.wait_dma2 semaphore(%dma_wait3A_547 : memref<!tpu.dma_semaphore, #tpu.memory_space<semaphore_mem>>) src(%dma_wait3A_553 : memref<128x128xf32, #tpu.memory_space<vmem>>) dst(%dma_wait3A_549 : memref<128x128xf32, #tpu.memory_space<hbm>>)
    %dma_start3A_554 = arith.constant 12 : i32
    %dma_start3A_555 = arith.constant 0 : i32
    %dma_start3A_556 = arith.constant 0 : i32
    %dma_start3A_557 = arith.constant 0 : i32
    %dma_start3A_558 = arith.constant 0 : i32
    %dma_start3A_559 = tpu.memref_slice %arg6[%dma_start3A_555, %dma_start3A_557, %dma_start3A_558] : memref<6x128x128xf32, #tpu.memory_space<vmem>> -> memref<1x128x128xf32, #tpu.memory_space<vmem>>
    %dma_start3A_560 = tpu.memref_squeeze %dma_start3A_559 : memref<1x128x128xf32, #tpu.memory_space<vmem>> -> memref<128x128xf32, #tpu.memory_space<vmem>>
    %dma_start3A_561 = arith.constant 0 : i32
    %dma_start3A_562 = tpu.memref_slice %arg5[%dma_start3A_554, %dma_start3A_561] : memref<26x128xi32, #tpu.memory_space<vmem>> -> memref<1x128xi32, #tpu.memory_space<vmem>>
    %dma_start3A_563 = tpu.memref_squeeze %dma_start3A_562 : memref<1x128xi32, #tpu.memory_space<vmem>> -> memref<128xi32, #tpu.memory_space<vmem>>
    %dma_start3A_564 = arith.constant 0 : i32
    %dma_start3A_565 = arith.constant 0 : i32
    %dma_start3A_566 = tpu.memref_slice %arg2[%dma_start3A_564, %dma_start3A_565] : memref<507904x128xf32, #tpu.memory_space<hbm>> -> memref<507904x128xf32, #tpu.memory_space<hbm>>
    %dma_start3A_567 = tpu.memref_slice %arg8[%dma_start3A_556] : memref<6x!tpu.dma_semaphore, #tpu.memory_space<semaphore_mem>> -> memref<1x!tpu.dma_semaphore, #tpu.memory_space<semaphore_mem>>
    %dma_start3A_568 = tpu.memref_squeeze %dma_start3A_567 : memref<1x!tpu.dma_semaphore, #tpu.memory_space<semaphore_mem>> -> memref<!tpu.dma_semaphore, #tpu.memory_space<semaphore_mem>>
    tpu.enqueue_indirect_dma source(%dma_start3A_566 : memref<507904x128xf32, #tpu.memory_space<hbm>>) target(%dma_start3A_560 : memref<128x128xf32, #tpu.memory_space<vmem>>) offsets(%dma_start3A_563 : memref<128xi32, #tpu.memory_space<vmem>>) semaphore(%dma_start3A_568 : memref<!tpu.dma_semaphore, #tpu.memory_space<semaphore_mem>>)
    %dma_wait3A_569 = arith.constant 7 : i32
    %dma_wait3A_570 = arith.constant 1 : i32
    %dma_wait3A_571 = arith.constant 1 : i32
    %dma_wait3A_572 = arith.constant 0 : i32
    %dma_wait3A_573 = arith.constant 0 : i32
    %dma_wait3A_574 = tpu.memref_slice %arg6[%dma_wait3A_570, %dma_wait3A_572, %dma_wait3A_573] : memref<6x128x128xf32, #tpu.memory_space<vmem>> -> memref<1x128x128xf32, #tpu.memory_space<vmem>>
    %dma_wait3A_575 = tpu.memref_squeeze %dma_wait3A_574 : memref<1x128x128xf32, #tpu.memory_space<vmem>> -> memref<128x128xf32, #tpu.memory_space<vmem>>
    %dma_wait3A_576 = arith.constant 0 : i32
    %dma_wait3A_577 = tpu.memref_slice %arg5[%dma_wait3A_569, %dma_wait3A_576] : memref<26x128xi32, #tpu.memory_space<vmem>> -> memref<1x128xi32, #tpu.memory_space<vmem>>
    %dma_wait3A_578 = tpu.memref_squeeze %dma_wait3A_577 : memref<1x128xi32, #tpu.memory_space<vmem>> -> memref<128xi32, #tpu.memory_space<vmem>>
    %dma_wait3A_579 = arith.constant 0 : i32
    %dma_wait3A_580 = arith.constant 0 : i32
    %dma_wait3A_581 = tpu.memref_slice %arg2[%dma_wait3A_579, %dma_wait3A_580] : memref<507904x128xf32, #tpu.memory_space<hbm>> -> memref<507904x128xf32, #tpu.memory_space<hbm>>
    %dma_wait3A_582 = tpu.memref_slice %arg8[%dma_wait3A_571] : memref<6x!tpu.dma_semaphore, #tpu.memory_space<semaphore_mem>> -> memref<1x!tpu.dma_semaphore, #tpu.memory_space<semaphore_mem>>
    %dma_wait3A_583 = tpu.memref_squeeze %dma_wait3A_582 : memref<1x!tpu.dma_semaphore, #tpu.memory_space<semaphore_mem>> -> memref<!tpu.dma_semaphore, #tpu.memory_space<semaphore_mem>>
    tpu.wait_indirect_dma semaphore(%dma_wait3A_583 : memref<!tpu.dma_semaphore, #tpu.memory_space<semaphore_mem>>) src(%dma_wait3A_581 : memref<507904x128xf32, #tpu.memory_space<hbm>>) dst(%dma_wait3A_575 : memref<128x128xf32, #tpu.memory_space<vmem>>)
    %add3A_584 = arith.constant 896 : i32
    %add3A_585 = arith.addi %mul3A_2, %add3A_584 : i32
    %dma_start3A_586 = arith.constant 1 : i32
    %dma_start3A_587 = arith.constant 1 : i32
    %dma_start3A_588 = arith.constant 0 : i32
    %dma_start3A_589 = arith.constant 0 : i32
    %dma_start3A_590 = tpu.memref_slice %arg6[%dma_start3A_586, %dma_start3A_588, %dma_start3A_589] : memref<6x128x128xf32, #tpu.memory_space<vmem>> -> memref<1x128x128xf32, #tpu.memory_space<vmem>>
    %dma_start3A_591 = tpu.memref_squeeze %dma_start3A_590 : memref<1x128x128xf32, #tpu.memory_space<vmem>> -> memref<128x128xf32, #tpu.memory_space<vmem>>
    %dma_start3A_592 = arith.constant 0 : i32
    %dma_start3A_593 = tpu.memref_slice %arg4[%add3A_585, %dma_start3A_592] : memref<106496x128xf32, #tpu.memory_space<hbm>> -> memref<128x128xf32, #tpu.memory_space<hbm>>
    %dma_start3A_594 = tpu.memref_slice %arg9[%dma_start3A_587] : memref<6x!tpu.dma_semaphore, #tpu.memory_space<semaphore_mem>> -> memref<1x!tpu.dma_semaphore, #tpu.memory_space<semaphore_mem>>
    %dma_start3A_595 = tpu.memref_squeeze %dma_start3A_594 : memref<1x!tpu.dma_semaphore, #tpu.memory_space<semaphore_mem>> -> memref<!tpu.dma_semaphore, #tpu.memory_space<semaphore_mem>>
    %dma_start3A_596 = arith.constant 0 : i32
    %dma_start3A_597 = tpu.memref_slice %arg4[%add3A_585, %dma_start3A_596] : memref<106496x128xf32, #tpu.memory_space<hbm>> -> memref<128x128xf32, #tpu.memory_space<hbm>>
    %dma_start3A_598 = arith.constant 0 : i32
    %dma_start3A_599 = arith.constant 0 : i32
    %dma_start3A_600 = tpu.memref_slice %arg6[%dma_start3A_586, %dma_start3A_598, %dma_start3A_599] : memref<6x128x128xf32, #tpu.memory_space<vmem>> -> memref<1x128x128xf32, #tpu.memory_space<vmem>>
    %dma_start3A_601 = tpu.memref_squeeze %dma_start3A_600 : memref<1x128x128xf32, #tpu.memory_space<vmem>> -> memref<128x128xf32, #tpu.memory_space<vmem>>
    tpu.enqueue_dma source(%dma_start3A_601 : memref<128x128xf32, #tpu.memory_space<vmem>>) target(%dma_start3A_597 : memref<128x128xf32, #tpu.memory_space<hbm>>) target_semaphore(%dma_start3A_595 : memref<!tpu.dma_semaphore, #tpu.memory_space<semaphore_mem>>)
    %add3A_602 = arith.constant 896 : i32
    %add3A_603 = arith.addi %mul3A_2, %add3A_602 : i32
    %dma_wait3A_604 = arith.constant 1 : i32
    %dma_wait3A_605 = arith.constant 1 : i32
    %dma_wait3A_606 = arith.constant 0 : i32
    %dma_wait3A_607 = arith.constant 0 : i32
    %dma_wait3A_608 = tpu.memref_slice %arg6[%dma_wait3A_604, %dma_wait3A_606, %dma_wait3A_607] : memref<6x128x128xf32, #tpu.memory_space<vmem>> -> memref<1x128x128xf32, #tpu.memory_space<vmem>>
    %dma_wait3A_609 = tpu.memref_squeeze %dma_wait3A_608 : memref<1x128x128xf32, #tpu.memory_space<vmem>> -> memref<128x128xf32, #tpu.memory_space<vmem>>
    %dma_wait3A_610 = arith.constant 0 : i32
    %dma_wait3A_611 = tpu.memref_slice %arg4[%add3A_603, %dma_wait3A_610] : memref<106496x128xf32, #tpu.memory_space<hbm>> -> memref<128x128xf32, #tpu.memory_space<hbm>>
    %dma_wait3A_612 = tpu.memref_slice %arg9[%dma_wait3A_605] : memref<6x!tpu.dma_semaphore, #tpu.memory_space<semaphore_mem>> -> memref<1x!tpu.dma_semaphore, #tpu.memory_space<semaphore_mem>>
    %dma_wait3A_613 = tpu.memref_squeeze %dma_wait3A_612 : memref<1x!tpu.dma_semaphore, #tpu.memory_space<semaphore_mem>> -> memref<!tpu.dma_semaphore, #tpu.memory_space<semaphore_mem>>
    %dma_wait3A_614 = arith.constant 0 : i32
    %dma_wait3A_615 = tpu.memref_slice %arg4[%add3A_603, %dma_wait3A_614] : memref<106496x128xf32, #tpu.memory_space<hbm>> -> memref<128x128xf32, #tpu.memory_space<hbm>>
    %dma_wait3A_616 = arith.constant 0 : i32
    %dma_wait3A_617 = arith.constant 0 : i32
    %dma_wait3A_618 = tpu.memref_slice %arg6[%dma_wait3A_604, %dma_wait3A_616, %dma_wait3A_617] : memref<6x128x128xf32, #tpu.memory_space<vmem>> -> memref<1x128x128xf32, #tpu.memory_space<vmem>>
    %dma_wait3A_619 = tpu.memref_squeeze %dma_wait3A_618 : memref<1x128x128xf32, #tpu.memory_space<vmem>> -> memref<128x128xf32, #tpu.memory_space<vmem>>
    tpu.wait_dma2 semaphore(%dma_wait3A_613 : memref<!tpu.dma_semaphore, #tpu.memory_space<semaphore_mem>>) src(%dma_wait3A_619 : memref<128x128xf32, #tpu.memory_space<vmem>>) dst(%dma_wait3A_615 : memref<128x128xf32, #tpu.memory_space<hbm>>)
    %dma_start3A_620 = arith.constant 13 : i32
    %dma_start3A_621 = arith.constant 1 : i32
    %dma_start3A_622 = arith.constant 1 : i32
    %dma_start3A_623 = arith.constant 0 : i32
    %dma_start3A_624 = arith.constant 0 : i32
    %dma_start3A_625 = tpu.memref_slice %arg6[%dma_start3A_621, %dma_start3A_623, %dma_start3A_624] : memref<6x128x128xf32, #tpu.memory_space<vmem>> -> memref<1x128x128xf32, #tpu.memory_space<vmem>>
    %dma_start3A_626 = tpu.memref_squeeze %dma_start3A_625 : memref<1x128x128xf32, #tpu.memory_space<vmem>> -> memref<128x128xf32, #tpu.memory_space<vmem>>
    %dma_start3A_627 = arith.constant 0 : i32
    %dma_start3A_628 = tpu.memref_slice %arg5[%dma_start3A_620, %dma_start3A_627] : memref<26x128xi32, #tpu.memory_space<vmem>> -> memref<1x128xi32, #tpu.memory_space<vmem>>
    %dma_start3A_629 = tpu.memref_squeeze %dma_start3A_628 : memref<1x128xi32, #tpu.memory_space<vmem>> -> memref<128xi32, #tpu.memory_space<vmem>>
    %dma_start3A_630 = arith.constant 0 : i32
    %dma_start3A_631 = arith.constant 0 : i32
    %dma_start3A_632 = tpu.memref_slice %arg2[%dma_start3A_630, %dma_start3A_631] : memref<507904x128xf32, #tpu.memory_space<hbm>> -> memref<507904x128xf32, #tpu.memory_space<hbm>>
    %dma_start3A_633 = tpu.memref_slice %arg8[%dma_start3A_622] : memref<6x!tpu.dma_semaphore, #tpu.memory_space<semaphore_mem>> -> memref<1x!tpu.dma_semaphore, #tpu.memory_space<semaphore_mem>>
    %dma_start3A_634 = tpu.memref_squeeze %dma_start3A_633 : memref<1x!tpu.dma_semaphore, #tpu.memory_space<semaphore_mem>> -> memref<!tpu.dma_semaphore, #tpu.memory_space<semaphore_mem>>
    tpu.enqueue_indirect_dma source(%dma_start3A_632 : memref<507904x128xf32, #tpu.memory_space<hbm>>) target(%dma_start3A_626 : memref<128x128xf32, #tpu.memory_space<vmem>>) offsets(%dma_start3A_629 : memref<128xi32, #tpu.memory_space<vmem>>) semaphore(%dma_start3A_634 : memref<!tpu.dma_semaphore, #tpu.memory_space<semaphore_mem>>)
    %dma_wait3A_635 = arith.constant 8 : i32
    %dma_wait3A_636 = arith.constant 2 : i32
    %dma_wait3A_637 = arith.constant 2 : i32
    %dma_wait3A_638 = arith.constant 0 : i32
    %dma_wait3A_639 = arith.constant 0 : i32
    %dma_wait3A_640 = tpu.memref_slice %arg6[%dma_wait3A_636, %dma_wait3A_638, %dma_wait3A_639] : memref<6x128x128xf32, #tpu.memory_space<vmem>> -> memref<1x128x128xf32, #tpu.memory_space<vmem>>
    %dma_wait3A_641 = tpu.memref_squeeze %dma_wait3A_640 : memref<1x128x128xf32, #tpu.memory_space<vmem>> -> memref<128x128xf32, #tpu.memory_space<vmem>>
    %dma_wait3A_642 = arith.constant 0 : i32
    %dma_wait3A_643 = tpu.memref_slice %arg5[%dma_wait3A_635, %dma_wait3A_642] : memref<26x128xi32, #tpu.memory_space<vmem>> -> memref<1x128xi32, #tpu.memory_space<vmem>>
    %dma_wait3A_644 = tpu.memref_squeeze %dma_wait3A_643 : memref<1x128xi32, #tpu.memory_space<vmem>> -> memref<128xi32, #tpu.memory_space<vmem>>
    %dma_wait3A_645 = arith.constant 0 : i32
    %dma_wait3A_646 = arith.constant 0 : i32
    %dma_wait3A_647 = tpu.memref_slice %arg2[%dma_wait3A_645, %dma_wait3A_646] : memref<507904x128xf32, #tpu.memory_space<hbm>> -> memref<507904x128xf32, #tpu.memory_space<hbm>>
    %dma_wait3A_648 = tpu.memref_slice %arg8[%dma_wait3A_637] : memref<6x!tpu.dma_semaphore, #tpu.memory_space<semaphore_mem>> -> memref<1x!tpu.dma_semaphore, #tpu.memory_space<semaphore_mem>>
    %dma_wait3A_649 = tpu.memref_squeeze %dma_wait3A_648 : memref<1x!tpu.dma_semaphore, #tpu.memory_space<semaphore_mem>> -> memref<!tpu.dma_semaphore, #tpu.memory_space<semaphore_mem>>
    tpu.wait_indirect_dma semaphore(%dma_wait3A_649 : memref<!tpu.dma_semaphore, #tpu.memory_space<semaphore_mem>>) src(%dma_wait3A_647 : memref<507904x128xf32, #tpu.memory_space<hbm>>) dst(%dma_wait3A_641 : memref<128x128xf32, #tpu.memory_space<vmem>>)
    %add3A_650 = arith.constant 1024 : i32
    %add3A_651 = arith.addi %mul3A_2, %add3A_650 : i32
    %dma_start3A_652 = arith.constant 2 : i32
    %dma_start3A_653 = arith.constant 2 : i32
    %dma_start3A_654 = arith.constant 0 : i32
    %dma_start3A_655 = arith.constant 0 : i32
    %dma_start3A_656 = tpu.memref_slice %arg6[%dma_start3A_652, %dma_start3A_654, %dma_start3A_655] : memref<6x128x128xf32, #tpu.memory_space<vmem>> -> memref<1x128x128xf32, #tpu.memory_space<vmem>>
    %dma_start3A_657 = tpu.memref_squeeze %dma_start3A_656 : memref<1x128x128xf32, #tpu.memory_space<vmem>> -> memref<128x128xf32, #tpu.memory_space<vmem>>
    %dma_start3A_658 = arith.constant 0 : i32
    %dma_start3A_659 = tpu.memref_slice %arg4[%add3A_651, %dma_start3A_658] : memref<106496x128xf32, #tpu.memory_space<hbm>> -> memref<128x128xf32, #tpu.memory_space<hbm>>
    %dma_start3A_660 = tpu.memref_slice %arg9[%dma_start3A_653] : memref<6x!tpu.dma_semaphore, #tpu.memory_space<semaphore_mem>> -> memref<1x!tpu.dma_semaphore, #tpu.memory_space<semaphore_mem>>
    %dma_start3A_661 = tpu.memref_squeeze %dma_start3A_660 : memref<1x!tpu.dma_semaphore, #tpu.memory_space<semaphore_mem>> -> memref<!tpu.dma_semaphore, #tpu.memory_space<semaphore_mem>>
    %dma_start3A_662 = arith.constant 0 : i32
    %dma_start3A_663 = tpu.memref_slice %arg4[%add3A_651, %dma_start3A_662] : memref<106496x128xf32, #tpu.memory_space<hbm>> -> memref<128x128xf32, #tpu.memory_space<hbm>>
    %dma_start3A_664 = arith.constant 0 : i32
    %dma_start3A_665 = arith.constant 0 : i32
    %dma_start3A_666 = tpu.memref_slice %arg6[%dma_start3A_652, %dma_start3A_664, %dma_start3A_665] : memref<6x128x128xf32, #tpu.memory_space<vmem>> -> memref<1x128x128xf32, #tpu.memory_space<vmem>>
    %dma_start3A_667 = tpu.memref_squeeze %dma_start3A_666 : memref<1x128x128xf32, #tpu.memory_space<vmem>> -> memref<128x128xf32, #tpu.memory_space<vmem>>
    tpu.enqueue_dma source(%dma_start3A_667 : memref<128x128xf32, #tpu.memory_space<vmem>>) target(%dma_start3A_663 : memref<128x128xf32, #tpu.memory_space<hbm>>) target_semaphore(%dma_start3A_661 : memref<!tpu.dma_semaphore, #tpu.memory_space<semaphore_mem>>)
    %add3A_668 = arith.constant 1024 : i32
    %add3A_669 = arith.addi %mul3A_2, %add3A_668 : i32
    %dma_wait3A_670 = arith.constant 2 : i32
    %dma_wait3A_671 = arith.constant 2 : i32
    %dma_wait3A_672 = arith.constant 0 : i32
    %dma_wait3A_673 = arith.constant 0 : i32
    %dma_wait3A_674 = tpu.memref_slice %arg6[%dma_wait3A_670, %dma_wait3A_672, %dma_wait3A_673] : memref<6x128x128xf32, #tpu.memory_space<vmem>> -> memref<1x128x128xf32, #tpu.memory_space<vmem>>
    %dma_wait3A_675 = tpu.memref_squeeze %dma_wait3A_674 : memref<1x128x128xf32, #tpu.memory_space<vmem>> -> memref<128x128xf32, #tpu.memory_space<vmem>>
    %dma_wait3A_676 = arith.constant 0 : i32
    %dma_wait3A_677 = tpu.memref_slice %arg4[%add3A_669, %dma_wait3A_676] : memref<106496x128xf32, #tpu.memory_space<hbm>> -> memref<128x128xf32, #tpu.memory_space<hbm>>
    %dma_wait3A_678 = tpu.memref_slice %arg9[%dma_wait3A_671] : memref<6x!tpu.dma_semaphore, #tpu.memory_space<semaphore_mem>> -> memref<1x!tpu.dma_semaphore, #tpu.memory_space<semaphore_mem>>
    %dma_wait3A_679 = tpu.memref_squeeze %dma_wait3A_678 : memref<1x!tpu.dma_semaphore, #tpu.memory_space<semaphore_mem>> -> memref<!tpu.dma_semaphore, #tpu.memory_space<semaphore_mem>>
    %dma_wait3A_680 = arith.constant 0 : i32
    %dma_wait3A_681 = tpu.memref_slice %arg4[%add3A_669, %dma_wait3A_680] : memref<106496x128xf32, #tpu.memory_space<hbm>> -> memref<128x128xf32, #tpu.memory_space<hbm>>
    %dma_wait3A_682 = arith.constant 0 : i32
    %dma_wait3A_683 = arith.constant 0 : i32
    %dma_wait3A_684 = tpu.memref_slice %arg6[%dma_wait3A_670, %dma_wait3A_682, %dma_wait3A_683] : memref<6x128x128xf32, #tpu.memory_space<vmem>> -> memref<1x128x128xf32, #tpu.memory_space<vmem>>
    %dma_wait3A_685 = tpu.memref_squeeze %dma_wait3A_684 : memref<1x128x128xf32, #tpu.memory_space<vmem>> -> memref<128x128xf32, #tpu.memory_space<vmem>>
    tpu.wait_dma2 semaphore(%dma_wait3A_679 : memref<!tpu.dma_semaphore, #tpu.memory_space<semaphore_mem>>) src(%dma_wait3A_685 : memref<128x128xf32, #tpu.memory_space<vmem>>) dst(%dma_wait3A_681 : memref<128x128xf32, #tpu.memory_space<hbm>>)
    %dma_start3A_686 = arith.constant 14 : i32
    %dma_start3A_687 = arith.constant 2 : i32
    %dma_start3A_688 = arith.constant 2 : i32
    %dma_start3A_689 = arith.constant 0 : i32
    %dma_start3A_690 = arith.constant 0 : i32
    %dma_start3A_691 = tpu.memref_slice %arg6[%dma_start3A_687, %dma_start3A_689, %dma_start3A_690] : memref<6x128x128xf32, #tpu.memory_space<vmem>> -> memref<1x128x128xf32, #tpu.memory_space<vmem>>
    %dma_start3A_692 = tpu.memref_squeeze %dma_start3A_691 : memref<1x128x128xf32, #tpu.memory_space<vmem>> -> memref<128x128xf32, #tpu.memory_space<vmem>>
    %dma_start3A_693 = arith.constant 0 : i32
    %dma_start3A_694 = tpu.memref_slice %arg5[%dma_start3A_686, %dma_start3A_693] : memref<26x128xi32, #tpu.memory_space<vmem>> -> memref<1x128xi32, #tpu.memory_space<vmem>>
    %dma_start3A_695 = tpu.memref_squeeze %dma_start3A_694 : memref<1x128xi32, #tpu.memory_space<vmem>> -> memref<128xi32, #tpu.memory_space<vmem>>
    %dma_start3A_696 = arith.constant 0 : i32
    %dma_start3A_697 = arith.constant 0 : i32
    %dma_start3A_698 = tpu.memref_slice %arg2[%dma_start3A_696, %dma_start3A_697] : memref<507904x128xf32, #tpu.memory_space<hbm>> -> memref<507904x128xf32, #tpu.memory_space<hbm>>
    %dma_start3A_699 = tpu.memref_slice %arg8[%dma_start3A_688] : memref<6x!tpu.dma_semaphore, #tpu.memory_space<semaphore_mem>> -> memref<1x!tpu.dma_semaphore, #tpu.memory_space<semaphore_mem>>
    %dma_start3A_700 = tpu.memref_squeeze %dma_start3A_699 : memref<1x!tpu.dma_semaphore, #tpu.memory_space<semaphore_mem>> -> memref<!tpu.dma_semaphore, #tpu.memory_space<semaphore_mem>>
    tpu.enqueue_indirect_dma source(%dma_start3A_698 : memref<507904x128xf32, #tpu.memory_space<hbm>>) target(%dma_start3A_692 : memref<128x128xf32, #tpu.memory_space<vmem>>) offsets(%dma_start3A_695 : memref<128xi32, #tpu.memory_space<vmem>>) semaphore(%dma_start3A_700 : memref<!tpu.dma_semaphore, #tpu.memory_space<semaphore_mem>>)
    %dma_wait3A_701 = arith.constant 9 : i32
    %dma_wait3A_702 = arith.constant 3 : i32
    %dma_wait3A_703 = arith.constant 3 : i32
    %dma_wait3A_704 = arith.constant 0 : i32
    %dma_wait3A_705 = arith.constant 0 : i32
    %dma_wait3A_706 = tpu.memref_slice %arg6[%dma_wait3A_702, %dma_wait3A_704, %dma_wait3A_705] : memref<6x128x128xf32, #tpu.memory_space<vmem>> -> memref<1x128x128xf32, #tpu.memory_space<vmem>>
    %dma_wait3A_707 = tpu.memref_squeeze %dma_wait3A_706 : memref<1x128x128xf32, #tpu.memory_space<vmem>> -> memref<128x128xf32, #tpu.memory_space<vmem>>
    %dma_wait3A_708 = arith.constant 0 : i32
    %dma_wait3A_709 = tpu.memref_slice %arg5[%dma_wait3A_701, %dma_wait3A_708] : memref<26x128xi32, #tpu.memory_space<vmem>> -> memref<1x128xi32, #tpu.memory_space<vmem>>
    %dma_wait3A_710 = tpu.memref_squeeze %dma_wait3A_709 : memref<1x128xi32, #tpu.memory_space<vmem>> -> memref<128xi32, #tpu.memory_space<vmem>>
    %dma_wait3A_711 = arith.constant 0 : i32
    %dma_wait3A_712 = arith.constant 0 : i32
    %dma_wait3A_713 = tpu.memref_slice %arg2[%dma_wait3A_711, %dma_wait3A_712] : memref<507904x128xf32, #tpu.memory_space<hbm>> -> memref<507904x128xf32, #tpu.memory_space<hbm>>
    %dma_wait3A_714 = tpu.memref_slice %arg8[%dma_wait3A_703] : memref<6x!tpu.dma_semaphore, #tpu.memory_space<semaphore_mem>> -> memref<1x!tpu.dma_semaphore, #tpu.memory_space<semaphore_mem>>
    %dma_wait3A_715 = tpu.memref_squeeze %dma_wait3A_714 : memref<1x!tpu.dma_semaphore, #tpu.memory_space<semaphore_mem>> -> memref<!tpu.dma_semaphore, #tpu.memory_space<semaphore_mem>>
    tpu.wait_indirect_dma semaphore(%dma_wait3A_715 : memref<!tpu.dma_semaphore, #tpu.memory_space<semaphore_mem>>) src(%dma_wait3A_713 : memref<507904x128xf32, #tpu.memory_space<hbm>>) dst(%dma_wait3A_707 : memref<128x128xf32, #tpu.memory_space<vmem>>)
    %add3A_716 = arith.constant 1152 : i32
    %add3A_717 = arith.addi %mul3A_2, %add3A_716 : i32
    %dma_start3A_718 = arith.constant 3 : i32
    %dma_start3A_719 = arith.constant 3 : i32
    %dma_start3A_720 = arith.constant 0 : i32
    %dma_start3A_721 = arith.constant 0 : i32
    %dma_start3A_722 = tpu.memref_slice %arg6[%dma_start3A_718, %dma_start3A_720, %dma_start3A_721] : memref<6x128x128xf32, #tpu.memory_space<vmem>> -> memref<1x128x128xf32, #tpu.memory_space<vmem>>
    %dma_start3A_723 = tpu.memref_squeeze %dma_start3A_722 : memref<1x128x128xf32, #tpu.memory_space<vmem>> -> memref<128x128xf32, #tpu.memory_space<vmem>>
    %dma_start3A_724 = arith.constant 0 : i32
    %dma_start3A_725 = tpu.memref_slice %arg4[%add3A_717, %dma_start3A_724] : memref<106496x128xf32, #tpu.memory_space<hbm>> -> memref<128x128xf32, #tpu.memory_space<hbm>>
    %dma_start3A_726 = tpu.memref_slice %arg9[%dma_start3A_719] : memref<6x!tpu.dma_semaphore, #tpu.memory_space<semaphore_mem>> -> memref<1x!tpu.dma_semaphore, #tpu.memory_space<semaphore_mem>>
    %dma_start3A_727 = tpu.memref_squeeze %dma_start3A_726 : memref<1x!tpu.dma_semaphore, #tpu.memory_space<semaphore_mem>> -> memref<!tpu.dma_semaphore, #tpu.memory_space<semaphore_mem>>
    %dma_start3A_728 = arith.constant 0 : i32
    %dma_start3A_729 = tpu.memref_slice %arg4[%add3A_717, %dma_start3A_728] : memref<106496x128xf32, #tpu.memory_space<hbm>> -> memref<128x128xf32, #tpu.memory_space<hbm>>
    %dma_start3A_730 = arith.constant 0 : i32
    %dma_start3A_731 = arith.constant 0 : i32
    %dma_start3A_732 = tpu.memref_slice %arg6[%dma_start3A_718, %dma_start3A_730, %dma_start3A_731] : memref<6x128x128xf32, #tpu.memory_space<vmem>> -> memref<1x128x128xf32, #tpu.memory_space<vmem>>
    %dma_start3A_733 = tpu.memref_squeeze %dma_start3A_732 : memref<1x128x128xf32, #tpu.memory_space<vmem>> -> memref<128x128xf32, #tpu.memory_space<vmem>>
    tpu.enqueue_dma source(%dma_start3A_733 : memref<128x128xf32, #tpu.memory_space<vmem>>) target(%dma_start3A_729 : memref<128x128xf32, #tpu.memory_space<hbm>>) target_semaphore(%dma_start3A_727 : memref<!tpu.dma_semaphore, #tpu.memory_space<semaphore_mem>>)
    %add3A_734 = arith.constant 1152 : i32
    %add3A_735 = arith.addi %mul3A_2, %add3A_734 : i32
    %dma_wait3A_736 = arith.constant 3 : i32
    %dma_wait3A_737 = arith.constant 3 : i32
    %dma_wait3A_738 = arith.constant 0 : i32
    %dma_wait3A_739 = arith.constant 0 : i32
    %dma_wait3A_740 = tpu.memref_slice %arg6[%dma_wait3A_736, %dma_wait3A_738, %dma_wait3A_739] : memref<6x128x128xf32, #tpu.memory_space<vmem>> -> memref<1x128x128xf32, #tpu.memory_space<vmem>>
    %dma_wait3A_741 = tpu.memref_squeeze %dma_wait3A_740 : memref<1x128x128xf32, #tpu.memory_space<vmem>> -> memref<128x128xf32, #tpu.memory_space<vmem>>
    %dma_wait3A_742 = arith.constant 0 : i32
    %dma_wait3A_743 = tpu.memref_slice %arg4[%add3A_735, %dma_wait3A_742] : memref<106496x128xf32, #tpu.memory_space<hbm>> -> memref<128x128xf32, #tpu.memory_space<hbm>>
    %dma_wait3A_744 = tpu.memref_slice %arg9[%dma_wait3A_737] : memref<6x!tpu.dma_semaphore, #tpu.memory_space<semaphore_mem>> -> memref<1x!tpu.dma_semaphore, #tpu.memory_space<semaphore_mem>>
    %dma_wait3A_745 = tpu.memref_squeeze %dma_wait3A_744 : memref<1x!tpu.dma_semaphore, #tpu.memory_space<semaphore_mem>> -> memref<!tpu.dma_semaphore, #tpu.memory_space<semaphore_mem>>
    %dma_wait3A_746 = arith.constant 0 : i32
    %dma_wait3A_747 = tpu.memref_slice %arg4[%add3A_735, %dma_wait3A_746] : memref<106496x128xf32, #tpu.memory_space<hbm>> -> memref<128x128xf32, #tpu.memory_space<hbm>>
    %dma_wait3A_748 = arith.constant 0 : i32
    %dma_wait3A_749 = arith.constant 0 : i32
    %dma_wait3A_750 = tpu.memref_slice %arg6[%dma_wait3A_736, %dma_wait3A_748, %dma_wait3A_749] : memref<6x128x128xf32, #tpu.memory_space<vmem>> -> memref<1x128x128xf32, #tpu.memory_space<vmem>>
    %dma_wait3A_751 = tpu.memref_squeeze %dma_wait3A_750 : memref<1x128x128xf32, #tpu.memory_space<vmem>> -> memref<128x128xf32, #tpu.memory_space<vmem>>
    tpu.wait_dma2 semaphore(%dma_wait3A_745 : memref<!tpu.dma_semaphore, #tpu.memory_space<semaphore_mem>>) src(%dma_wait3A_751 : memref<128x128xf32, #tpu.memory_space<vmem>>) dst(%dma_wait3A_747 : memref<128x128xf32, #tpu.memory_space<hbm>>)
    %dma_start3A_752 = arith.constant 15 : i32
    %dma_start3A_753 = arith.constant 3 : i32
    %dma_start3A_754 = arith.constant 3 : i32
    %dma_start3A_755 = arith.constant 0 : i32
    %dma_start3A_756 = arith.constant 0 : i32
    %dma_start3A_757 = tpu.memref_slice %arg6[%dma_start3A_753, %dma_start3A_755, %dma_start3A_756] : memref<6x128x128xf32, #tpu.memory_space<vmem>> -> memref<1x128x128xf32, #tpu.memory_space<vmem>>
    %dma_start3A_758 = tpu.memref_squeeze %dma_start3A_757 : memref<1x128x128xf32, #tpu.memory_space<vmem>> -> memref<128x128xf32, #tpu.memory_space<vmem>>
    %dma_start3A_759 = arith.constant 0 : i32
    %dma_start3A_760 = tpu.memref_slice %arg5[%dma_start3A_752, %dma_start3A_759] : memref<26x128xi32, #tpu.memory_space<vmem>> -> memref<1x128xi32, #tpu.memory_space<vmem>>
    %dma_start3A_761 = tpu.memref_squeeze %dma_start3A_760 : memref<1x128xi32, #tpu.memory_space<vmem>> -> memref<128xi32, #tpu.memory_space<vmem>>
    %dma_start3A_762 = arith.constant 0 : i32
    %dma_start3A_763 = arith.constant 0 : i32
    %dma_start3A_764 = tpu.memref_slice %arg2[%dma_start3A_762, %dma_start3A_763] : memref<507904x128xf32, #tpu.memory_space<hbm>> -> memref<507904x128xf32, #tpu.memory_space<hbm>>
    %dma_start3A_765 = tpu.memref_slice %arg8[%dma_start3A_754] : memref<6x!tpu.dma_semaphore, #tpu.memory_space<semaphore_mem>> -> memref<1x!tpu.dma_semaphore, #tpu.memory_space<semaphore_mem>>
    %dma_start3A_766 = tpu.memref_squeeze %dma_start3A_765 : memref<1x!tpu.dma_semaphore, #tpu.memory_space<semaphore_mem>> -> memref<!tpu.dma_semaphore, #tpu.memory_space<semaphore_mem>>
    tpu.enqueue_indirect_dma source(%dma_start3A_764 : memref<507904x128xf32, #tpu.memory_space<hbm>>) target(%dma_start3A_758 : memref<128x128xf32, #tpu.memory_space<vmem>>) offsets(%dma_start3A_761 : memref<128xi32, #tpu.memory_space<vmem>>) semaphore(%dma_start3A_766 : memref<!tpu.dma_semaphore, #tpu.memory_space<semaphore_mem>>)
    %dma_wait3A_767 = arith.constant 10 : i32
    %dma_wait3A_768 = arith.constant 4 : i32
    %dma_wait3A_769 = arith.constant 4 : i32
    %dma_wait3A_770 = arith.constant 0 : i32
    %dma_wait3A_771 = arith.constant 0 : i32
    %dma_wait3A_772 = tpu.memref_slice %arg6[%dma_wait3A_768, %dma_wait3A_770, %dma_wait3A_771] : memref<6x128x128xf32, #tpu.memory_space<vmem>> -> memref<1x128x128xf32, #tpu.memory_space<vmem>>
    %dma_wait3A_773 = tpu.memref_squeeze %dma_wait3A_772 : memref<1x128x128xf32, #tpu.memory_space<vmem>> -> memref<128x128xf32, #tpu.memory_space<vmem>>
    %dma_wait3A_774 = arith.constant 0 : i32
    %dma_wait3A_775 = tpu.memref_slice %arg5[%dma_wait3A_767, %dma_wait3A_774] : memref<26x128xi32, #tpu.memory_space<vmem>> -> memref<1x128xi32, #tpu.memory_space<vmem>>
    %dma_wait3A_776 = tpu.memref_squeeze %dma_wait3A_775 : memref<1x128xi32, #tpu.memory_space<vmem>> -> memref<128xi32, #tpu.memory_space<vmem>>
    %dma_wait3A_777 = arith.constant 0 : i32
    %dma_wait3A_778 = arith.constant 0 : i32
    %dma_wait3A_779 = tpu.memref_slice %arg2[%dma_wait3A_777, %dma_wait3A_778] : memref<507904x128xf32, #tpu.memory_space<hbm>> -> memref<507904x128xf32, #tpu.memory_space<hbm>>
    %dma_wait3A_780 = tpu.memref_slice %arg8[%dma_wait3A_769] : memref<6x!tpu.dma_semaphore, #tpu.memory_space<semaphore_mem>> -> memref<1x!tpu.dma_semaphore, #tpu.memory_space<semaphore_mem>>
    %dma_wait3A_781 = tpu.memref_squeeze %dma_wait3A_780 : memref<1x!tpu.dma_semaphore, #tpu.memory_space<semaphore_mem>> -> memref<!tpu.dma_semaphore, #tpu.memory_space<semaphore_mem>>
    tpu.wait_indirect_dma semaphore(%dma_wait3A_781 : memref<!tpu.dma_semaphore, #tpu.memory_space<semaphore_mem>>) src(%dma_wait3A_779 : memref<507904x128xf32, #tpu.memory_space<hbm>>) dst(%dma_wait3A_773 : memref<128x128xf32, #tpu.memory_space<vmem>>)
    %add3A_782 = arith.constant 1280 : i32
    %add3A_783 = arith.addi %mul3A_2, %add3A_782 : i32
    %dma_start3A_784 = arith.constant 4 : i32
    %dma_start3A_785 = arith.constant 4 : i32
    %dma_start3A_786 = arith.constant 0 : i32
    %dma_start3A_787 = arith.constant 0 : i32
    %dma_start3A_788 = tpu.memref_slice %arg6[%dma_start3A_784, %dma_start3A_786, %dma_start3A_787] : memref<6x128x128xf32, #tpu.memory_space<vmem>> -> memref<1x128x128xf32, #tpu.memory_space<vmem>>
    %dma_start3A_789 = tpu.memref_squeeze %dma_start3A_788 : memref<1x128x128xf32, #tpu.memory_space<vmem>> -> memref<128x128xf32, #tpu.memory_space<vmem>>
    %dma_start3A_790 = arith.constant 0 : i32
    %dma_start3A_791 = tpu.memref_slice %arg4[%add3A_783, %dma_start3A_790] : memref<106496x128xf32, #tpu.memory_space<hbm>> -> memref<128x128xf32, #tpu.memory_space<hbm>>
    %dma_start3A_792 = tpu.memref_slice %arg9[%dma_start3A_785] : memref<6x!tpu.dma_semaphore, #tpu.memory_space<semaphore_mem>> -> memref<1x!tpu.dma_semaphore, #tpu.memory_space<semaphore_mem>>
    %dma_start3A_793 = tpu.memref_squeeze %dma_start3A_792 : memref<1x!tpu.dma_semaphore, #tpu.memory_space<semaphore_mem>> -> memref<!tpu.dma_semaphore, #tpu.memory_space<semaphore_mem>>
    %dma_start3A_794 = arith.constant 0 : i32
    %dma_start3A_795 = tpu.memref_slice %arg4[%add3A_783, %dma_start3A_794] : memref<106496x128xf32, #tpu.memory_space<hbm>> -> memref<128x128xf32, #tpu.memory_space<hbm>>
    %dma_start3A_796 = arith.constant 0 : i32
    %dma_start3A_797 = arith.constant 0 : i32
    %dma_start3A_798 = tpu.memref_slice %arg6[%dma_start3A_784, %dma_start3A_796, %dma_start3A_797] : memref<6x128x128xf32, #tpu.memory_space<vmem>> -> memref<1x128x128xf32, #tpu.memory_space<vmem>>
    %dma_start3A_799 = tpu.memref_squeeze %dma_start3A_798 : memref<1x128x128xf32, #tpu.memory_space<vmem>> -> memref<128x128xf32, #tpu.memory_space<vmem>>
    tpu.enqueue_dma source(%dma_start3A_799 : memref<128x128xf32, #tpu.memory_space<vmem>>) target(%dma_start3A_795 : memref<128x128xf32, #tpu.memory_space<hbm>>) target_semaphore(%dma_start3A_793 : memref<!tpu.dma_semaphore, #tpu.memory_space<semaphore_mem>>)
    %add3A_800 = arith.constant 1280 : i32
    %add3A_801 = arith.addi %mul3A_2, %add3A_800 : i32
    %dma_wait3A_802 = arith.constant 4 : i32
    %dma_wait3A_803 = arith.constant 4 : i32
    %dma_wait3A_804 = arith.constant 0 : i32
    %dma_wait3A_805 = arith.constant 0 : i32
    %dma_wait3A_806 = tpu.memref_slice %arg6[%dma_wait3A_802, %dma_wait3A_804, %dma_wait3A_805] : memref<6x128x128xf32, #tpu.memory_space<vmem>> -> memref<1x128x128xf32, #tpu.memory_space<vmem>>
    %dma_wait3A_807 = tpu.memref_squeeze %dma_wait3A_806 : memref<1x128x128xf32, #tpu.memory_space<vmem>> -> memref<128x128xf32, #tpu.memory_space<vmem>>
    %dma_wait3A_808 = arith.constant 0 : i32
    %dma_wait3A_809 = tpu.memref_slice %arg4[%add3A_801, %dma_wait3A_808] : memref<106496x128xf32, #tpu.memory_space<hbm>> -> memref<128x128xf32, #tpu.memory_space<hbm>>
    %dma_wait3A_810 = tpu.memref_slice %arg9[%dma_wait3A_803] : memref<6x!tpu.dma_semaphore, #tpu.memory_space<semaphore_mem>> -> memref<1x!tpu.dma_semaphore, #tpu.memory_space<semaphore_mem>>
    %dma_wait3A_811 = tpu.memref_squeeze %dma_wait3A_810 : memref<1x!tpu.dma_semaphore, #tpu.memory_space<semaphore_mem>> -> memref<!tpu.dma_semaphore, #tpu.memory_space<semaphore_mem>>
    %dma_wait3A_812 = arith.constant 0 : i32
    %dma_wait3A_813 = tpu.memref_slice %arg4[%add3A_801, %dma_wait3A_812] : memref<106496x128xf32, #tpu.memory_space<hbm>> -> memref<128x128xf32, #tpu.memory_space<hbm>>
    %dma_wait3A_814 = arith.constant 0 : i32
    %dma_wait3A_815 = arith.constant 0 : i32
    %dma_wait3A_816 = tpu.memref_slice %arg6[%dma_wait3A_802, %dma_wait3A_814, %dma_wait3A_815] : memref<6x128x128xf32, #tpu.memory_space<vmem>> -> memref<1x128x128xf32, #tpu.memory_space<vmem>>
    %dma_wait3A_817 = tpu.memref_squeeze %dma_wait3A_816 : memref<1x128x128xf32, #tpu.memory_space<vmem>> -> memref<128x128xf32, #tpu.memory_space<vmem>>
    tpu.wait_dma2 semaphore(%dma_wait3A_811 : memref<!tpu.dma_semaphore, #tpu.memory_space<semaphore_mem>>) src(%dma_wait3A_817 : memref<128x128xf32, #tpu.memory_space<vmem>>) dst(%dma_wait3A_813 : memref<128x128xf32, #tpu.memory_space<hbm>>)
    %dma_start3A_818 = arith.constant 16 : i32
    %dma_start3A_819 = arith.constant 4 : i32
    %dma_start3A_820 = arith.constant 4 : i32
    %dma_start3A_821 = arith.constant 0 : i32
    %dma_start3A_822 = arith.constant 0 : i32
    %dma_start3A_823 = tpu.memref_slice %arg6[%dma_start3A_819, %dma_start3A_821, %dma_start3A_822] : memref<6x128x128xf32, #tpu.memory_space<vmem>> -> memref<1x128x128xf32, #tpu.memory_space<vmem>>
    %dma_start3A_824 = tpu.memref_squeeze %dma_start3A_823 : memref<1x128x128xf32, #tpu.memory_space<vmem>> -> memref<128x128xf32, #tpu.memory_space<vmem>>
    %dma_start3A_825 = arith.constant 0 : i32
    %dma_start3A_826 = tpu.memref_slice %arg5[%dma_start3A_818, %dma_start3A_825] : memref<26x128xi32, #tpu.memory_space<vmem>> -> memref<1x128xi32, #tpu.memory_space<vmem>>
    %dma_start3A_827 = tpu.memref_squeeze %dma_start3A_826 : memref<1x128xi32, #tpu.memory_space<vmem>> -> memref<128xi32, #tpu.memory_space<vmem>>
    %dma_start3A_828 = arith.constant 0 : i32
    %dma_start3A_829 = arith.constant 0 : i32
    %dma_start3A_830 = tpu.memref_slice %arg2[%dma_start3A_828, %dma_start3A_829] : memref<507904x128xf32, #tpu.memory_space<hbm>> -> memref<507904x128xf32, #tpu.memory_space<hbm>>
    %dma_start3A_831 = tpu.memref_slice %arg8[%dma_start3A_820] : memref<6x!tpu.dma_semaphore, #tpu.memory_space<semaphore_mem>> -> memref<1x!tpu.dma_semaphore, #tpu.memory_space<semaphore_mem>>
    %dma_start3A_832 = tpu.memref_squeeze %dma_start3A_831 : memref<1x!tpu.dma_semaphore, #tpu.memory_space<semaphore_mem>> -> memref<!tpu.dma_semaphore, #tpu.memory_space<semaphore_mem>>
    tpu.enqueue_indirect_dma source(%dma_start3A_830 : memref<507904x128xf32, #tpu.memory_space<hbm>>) target(%dma_start3A_824 : memref<128x128xf32, #tpu.memory_space<vmem>>) offsets(%dma_start3A_827 : memref<128xi32, #tpu.memory_space<vmem>>) semaphore(%dma_start3A_832 : memref<!tpu.dma_semaphore, #tpu.memory_space<semaphore_mem>>)
    %dma_wait3A_833 = arith.constant 11 : i32
    %dma_wait3A_834 = arith.constant 5 : i32
    %dma_wait3A_835 = arith.constant 5 : i32
    %dma_wait3A_836 = arith.constant 0 : i32
    %dma_wait3A_837 = arith.constant 0 : i32
    %dma_wait3A_838 = tpu.memref_slice %arg6[%dma_wait3A_834, %dma_wait3A_836, %dma_wait3A_837] : memref<6x128x128xf32, #tpu.memory_space<vmem>> -> memref<1x128x128xf32, #tpu.memory_space<vmem>>
    %dma_wait3A_839 = tpu.memref_squeeze %dma_wait3A_838 : memref<1x128x128xf32, #tpu.memory_space<vmem>> -> memref<128x128xf32, #tpu.memory_space<vmem>>
    %dma_wait3A_840 = arith.constant 0 : i32
    %dma_wait3A_841 = tpu.memref_slice %arg5[%dma_wait3A_833, %dma_wait3A_840] : memref<26x128xi32, #tpu.memory_space<vmem>> -> memref<1x128xi32, #tpu.memory_space<vmem>>
    %dma_wait3A_842 = tpu.memref_squeeze %dma_wait3A_841 : memref<1x128xi32, #tpu.memory_space<vmem>> -> memref<128xi32, #tpu.memory_space<vmem>>
    %dma_wait3A_843 = arith.constant 0 : i32
    %dma_wait3A_844 = arith.constant 0 : i32
    %dma_wait3A_845 = tpu.memref_slice %arg2[%dma_wait3A_843, %dma_wait3A_844] : memref<507904x128xf32, #tpu.memory_space<hbm>> -> memref<507904x128xf32, #tpu.memory_space<hbm>>
    %dma_wait3A_846 = tpu.memref_slice %arg8[%dma_wait3A_835] : memref<6x!tpu.dma_semaphore, #tpu.memory_space<semaphore_mem>> -> memref<1x!tpu.dma_semaphore, #tpu.memory_space<semaphore_mem>>
    %dma_wait3A_847 = tpu.memref_squeeze %dma_wait3A_846 : memref<1x!tpu.dma_semaphore, #tpu.memory_space<semaphore_mem>> -> memref<!tpu.dma_semaphore, #tpu.memory_space<semaphore_mem>>
    tpu.wait_indirect_dma semaphore(%dma_wait3A_847 : memref<!tpu.dma_semaphore, #tpu.memory_space<semaphore_mem>>) src(%dma_wait3A_845 : memref<507904x128xf32, #tpu.memory_space<hbm>>) dst(%dma_wait3A_839 : memref<128x128xf32, #tpu.memory_space<vmem>>)
    %add3A_848 = arith.constant 1408 : i32
    %add3A_849 = arith.addi %mul3A_2, %add3A_848 : i32
    %dma_start3A_850 = arith.constant 5 : i32
    %dma_start3A_851 = arith.constant 5 : i32
    %dma_start3A_852 = arith.constant 0 : i32
    %dma_start3A_853 = arith.constant 0 : i32
    %dma_start3A_854 = tpu.memref_slice %arg6[%dma_start3A_850, %dma_start3A_852, %dma_start3A_853] : memref<6x128x128xf32, #tpu.memory_space<vmem>> -> memref<1x128x128xf32, #tpu.memory_space<vmem>>
    %dma_start3A_855 = tpu.memref_squeeze %dma_start3A_854 : memref<1x128x128xf32, #tpu.memory_space<vmem>> -> memref<128x128xf32, #tpu.memory_space<vmem>>
    %dma_start3A_856 = arith.constant 0 : i32
    %dma_start3A_857 = tpu.memref_slice %arg4[%add3A_849, %dma_start3A_856] : memref<106496x128xf32, #tpu.memory_space<hbm>> -> memref<128x128xf32, #tpu.memory_space<hbm>>
    %dma_start3A_858 = tpu.memref_slice %arg9[%dma_start3A_851] : memref<6x!tpu.dma_semaphore, #tpu.memory_space<semaphore_mem>> -> memref<1x!tpu.dma_semaphore, #tpu.memory_space<semaphore_mem>>
    %dma_start3A_859 = tpu.memref_squeeze %dma_start3A_858 : memref<1x!tpu.dma_semaphore, #tpu.memory_space<semaphore_mem>> -> memref<!tpu.dma_semaphore, #tpu.memory_space<semaphore_mem>>
    %dma_start3A_860 = arith.constant 0 : i32
    %dma_start3A_861 = tpu.memref_slice %arg4[%add3A_849, %dma_start3A_860] : memref<106496x128xf32, #tpu.memory_space<hbm>> -> memref<128x128xf32, #tpu.memory_space<hbm>>
    %dma_start3A_862 = arith.constant 0 : i32
    %dma_start3A_863 = arith.constant 0 : i32
    %dma_start3A_864 = tpu.memref_slice %arg6[%dma_start3A_850, %dma_start3A_862, %dma_start3A_863] : memref<6x128x128xf32, #tpu.memory_space<vmem>> -> memref<1x128x128xf32, #tpu.memory_space<vmem>>
    %dma_start3A_865 = tpu.memref_squeeze %dma_start3A_864 : memref<1x128x128xf32, #tpu.memory_space<vmem>> -> memref<128x128xf32, #tpu.memory_space<vmem>>
    tpu.enqueue_dma source(%dma_start3A_865 : memref<128x128xf32, #tpu.memory_space<vmem>>) target(%dma_start3A_861 : memref<128x128xf32, #tpu.memory_space<hbm>>) target_semaphore(%dma_start3A_859 : memref<!tpu.dma_semaphore, #tpu.memory_space<semaphore_mem>>)
    %add3A_866 = arith.constant 1408 : i32
    %add3A_867 = arith.addi %mul3A_2, %add3A_866 : i32
    %dma_wait3A_868 = arith.constant 5 : i32
    %dma_wait3A_869 = arith.constant 5 : i32
    %dma_wait3A_870 = arith.constant 0 : i32
    %dma_wait3A_871 = arith.constant 0 : i32
    %dma_wait3A_872 = tpu.memref_slice %arg6[%dma_wait3A_868, %dma_wait3A_870, %dma_wait3A_871] : memref<6x128x128xf32, #tpu.memory_space<vmem>> -> memref<1x128x128xf32, #tpu.memory_space<vmem>>
    %dma_wait3A_873 = tpu.memref_squeeze %dma_wait3A_872 : memref<1x128x128xf32, #tpu.memory_space<vmem>> -> memref<128x128xf32, #tpu.memory_space<vmem>>
    %dma_wait3A_874 = arith.constant 0 : i32
    %dma_wait3A_875 = tpu.memref_slice %arg4[%add3A_867, %dma_wait3A_874] : memref<106496x128xf32, #tpu.memory_space<hbm>> -> memref<128x128xf32, #tpu.memory_space<hbm>>
    %dma_wait3A_876 = tpu.memref_slice %arg9[%dma_wait3A_869] : memref<6x!tpu.dma_semaphore, #tpu.memory_space<semaphore_mem>> -> memref<1x!tpu.dma_semaphore, #tpu.memory_space<semaphore_mem>>
    %dma_wait3A_877 = tpu.memref_squeeze %dma_wait3A_876 : memref<1x!tpu.dma_semaphore, #tpu.memory_space<semaphore_mem>> -> memref<!tpu.dma_semaphore, #tpu.memory_space<semaphore_mem>>
    %dma_wait3A_878 = arith.constant 0 : i32
    %dma_wait3A_879 = tpu.memref_slice %arg4[%add3A_867, %dma_wait3A_878] : memref<106496x128xf32, #tpu.memory_space<hbm>> -> memref<128x128xf32, #tpu.memory_space<hbm>>
    %dma_wait3A_880 = arith.constant 0 : i32
    %dma_wait3A_881 = arith.constant 0 : i32
    %dma_wait3A_882 = tpu.memref_slice %arg6[%dma_wait3A_868, %dma_wait3A_880, %dma_wait3A_881] : memref<6x128x128xf32, #tpu.memory_space<vmem>> -> memref<1x128x128xf32, #tpu.memory_space<vmem>>
    %dma_wait3A_883 = tpu.memref_squeeze %dma_wait3A_882 : memref<1x128x128xf32, #tpu.memory_space<vmem>> -> memref<128x128xf32, #tpu.memory_space<vmem>>
    tpu.wait_dma2 semaphore(%dma_wait3A_877 : memref<!tpu.dma_semaphore, #tpu.memory_space<semaphore_mem>>) src(%dma_wait3A_883 : memref<128x128xf32, #tpu.memory_space<vmem>>) dst(%dma_wait3A_879 : memref<128x128xf32, #tpu.memory_space<hbm>>)
    %dma_start3A_884 = arith.constant 17 : i32
    %dma_start3A_885 = arith.constant 5 : i32
    %dma_start3A_886 = arith.constant 5 : i32
    %dma_start3A_887 = arith.constant 0 : i32
    %dma_start3A_888 = arith.constant 0 : i32
    %dma_start3A_889 = tpu.memref_slice %arg6[%dma_start3A_885, %dma_start3A_887, %dma_start3A_888] : memref<6x128x128xf32, #tpu.memory_space<vmem>> -> memref<1x128x128xf32, #tpu.memory_space<vmem>>
    %dma_start3A_890 = tpu.memref_squeeze %dma_start3A_889 : memref<1x128x128xf32, #tpu.memory_space<vmem>> -> memref<128x128xf32, #tpu.memory_space<vmem>>
    %dma_start3A_891 = arith.constant 0 : i32
    %dma_start3A_892 = tpu.memref_slice %arg5[%dma_start3A_884, %dma_start3A_891] : memref<26x128xi32, #tpu.memory_space<vmem>> -> memref<1x128xi32, #tpu.memory_space<vmem>>
    %dma_start3A_893 = tpu.memref_squeeze %dma_start3A_892 : memref<1x128xi32, #tpu.memory_space<vmem>> -> memref<128xi32, #tpu.memory_space<vmem>>
    %dma_start3A_894 = arith.constant 0 : i32
    %dma_start3A_895 = arith.constant 0 : i32
    %dma_start3A_896 = tpu.memref_slice %arg2[%dma_start3A_894, %dma_start3A_895] : memref<507904x128xf32, #tpu.memory_space<hbm>> -> memref<507904x128xf32, #tpu.memory_space<hbm>>
    %dma_start3A_897 = tpu.memref_slice %arg8[%dma_start3A_886] : memref<6x!tpu.dma_semaphore, #tpu.memory_space<semaphore_mem>> -> memref<1x!tpu.dma_semaphore, #tpu.memory_space<semaphore_mem>>
    %dma_start3A_898 = tpu.memref_squeeze %dma_start3A_897 : memref<1x!tpu.dma_semaphore, #tpu.memory_space<semaphore_mem>> -> memref<!tpu.dma_semaphore, #tpu.memory_space<semaphore_mem>>
    tpu.enqueue_indirect_dma source(%dma_start3A_896 : memref<507904x128xf32, #tpu.memory_space<hbm>>) target(%dma_start3A_890 : memref<128x128xf32, #tpu.memory_space<vmem>>) offsets(%dma_start3A_893 : memref<128xi32, #tpu.memory_space<vmem>>) semaphore(%dma_start3A_898 : memref<!tpu.dma_semaphore, #tpu.memory_space<semaphore_mem>>)
    %dma_wait3A_899 = arith.constant 12 : i32
    %dma_wait3A_900 = arith.constant 0 : i32
    %dma_wait3A_901 = arith.constant 0 : i32
    %dma_wait3A_902 = arith.constant 0 : i32
    %dma_wait3A_903 = arith.constant 0 : i32
    %dma_wait3A_904 = tpu.memref_slice %arg6[%dma_wait3A_900, %dma_wait3A_902, %dma_wait3A_903] : memref<6x128x128xf32, #tpu.memory_space<vmem>> -> memref<1x128x128xf32, #tpu.memory_space<vmem>>
    %dma_wait3A_905 = tpu.memref_squeeze %dma_wait3A_904 : memref<1x128x128xf32, #tpu.memory_space<vmem>> -> memref<128x128xf32, #tpu.memory_space<vmem>>
    %dma_wait3A_906 = arith.constant 0 : i32
    %dma_wait3A_907 = tpu.memref_slice %arg5[%dma_wait3A_899, %dma_wait3A_906] : memref<26x128xi32, #tpu.memory_space<vmem>> -> memref<1x128xi32, #tpu.memory_space<vmem>>
    %dma_wait3A_908 = tpu.memref_squeeze %dma_wait3A_907 : memref<1x128xi32, #tpu.memory_space<vmem>> -> memref<128xi32, #tpu.memory_space<vmem>>
    %dma_wait3A_909 = arith.constant 0 : i32
    %dma_wait3A_910 = arith.constant 0 : i32
    %dma_wait3A_911 = tpu.memref_slice %arg2[%dma_wait3A_909, %dma_wait3A_910] : memref<507904x128xf32, #tpu.memory_space<hbm>> -> memref<507904x128xf32, #tpu.memory_space<hbm>>
    %dma_wait3A_912 = tpu.memref_slice %arg8[%dma_wait3A_901] : memref<6x!tpu.dma_semaphore, #tpu.memory_space<semaphore_mem>> -> memref<1x!tpu.dma_semaphore, #tpu.memory_space<semaphore_mem>>
    %dma_wait3A_913 = tpu.memref_squeeze %dma_wait3A_912 : memref<1x!tpu.dma_semaphore, #tpu.memory_space<semaphore_mem>> -> memref<!tpu.dma_semaphore, #tpu.memory_space<semaphore_mem>>
    tpu.wait_indirect_dma semaphore(%dma_wait3A_913 : memref<!tpu.dma_semaphore, #tpu.memory_space<semaphore_mem>>) src(%dma_wait3A_911 : memref<507904x128xf32, #tpu.memory_space<hbm>>) dst(%dma_wait3A_905 : memref<128x128xf32, #tpu.memory_space<vmem>>)
    %add3A_914 = arith.constant 1536 : i32
    %add3A_915 = arith.addi %mul3A_2, %add3A_914 : i32
    %dma_start3A_916 = arith.constant 0 : i32
    %dma_start3A_917 = arith.constant 0 : i32
    %dma_start3A_918 = arith.constant 0 : i32
    %dma_start3A_919 = arith.constant 0 : i32
    %dma_start3A_920 = tpu.memref_slice %arg6[%dma_start3A_916, %dma_start3A_918, %dma_start3A_919] : memref<6x128x128xf32, #tpu.memory_space<vmem>> -> memref<1x128x128xf32, #tpu.memory_space<vmem>>
    %dma_start3A_921 = tpu.memref_squeeze %dma_start3A_920 : memref<1x128x128xf32, #tpu.memory_space<vmem>> -> memref<128x128xf32, #tpu.memory_space<vmem>>
    %dma_start3A_922 = arith.constant 0 : i32
    %dma_start3A_923 = tpu.memref_slice %arg4[%add3A_915, %dma_start3A_922] : memref<106496x128xf32, #tpu.memory_space<hbm>> -> memref<128x128xf32, #tpu.memory_space<hbm>>
    %dma_start3A_924 = tpu.memref_slice %arg9[%dma_start3A_917] : memref<6x!tpu.dma_semaphore, #tpu.memory_space<semaphore_mem>> -> memref<1x!tpu.dma_semaphore, #tpu.memory_space<semaphore_mem>>
    %dma_start3A_925 = tpu.memref_squeeze %dma_start3A_924 : memref<1x!tpu.dma_semaphore, #tpu.memory_space<semaphore_mem>> -> memref<!tpu.dma_semaphore, #tpu.memory_space<semaphore_mem>>
    %dma_start3A_926 = arith.constant 0 : i32
    %dma_start3A_927 = tpu.memref_slice %arg4[%add3A_915, %dma_start3A_926] : memref<106496x128xf32, #tpu.memory_space<hbm>> -> memref<128x128xf32, #tpu.memory_space<hbm>>
    %dma_start3A_928 = arith.constant 0 : i32
    %dma_start3A_929 = arith.constant 0 : i32
    %dma_start3A_930 = tpu.memref_slice %arg6[%dma_start3A_916, %dma_start3A_928, %dma_start3A_929] : memref<6x128x128xf32, #tpu.memory_space<vmem>> -> memref<1x128x128xf32, #tpu.memory_space<vmem>>
    %dma_start3A_931 = tpu.memref_squeeze %dma_start3A_930 : memref<1x128x128xf32, #tpu.memory_space<vmem>> -> memref<128x128xf32, #tpu.memory_space<vmem>>
    tpu.enqueue_dma source(%dma_start3A_931 : memref<128x128xf32, #tpu.memory_space<vmem>>) target(%dma_start3A_927 : memref<128x128xf32, #tpu.memory_space<hbm>>) target_semaphore(%dma_start3A_925 : memref<!tpu.dma_semaphore, #tpu.memory_space<semaphore_mem>>)
    %add3A_932 = arith.constant 1536 : i32
    %add3A_933 = arith.addi %mul3A_2, %add3A_932 : i32
    %dma_wait3A_934 = arith.constant 0 : i32
    %dma_wait3A_935 = arith.constant 0 : i32
    %dma_wait3A_936 = arith.constant 0 : i32
    %dma_wait3A_937 = arith.constant 0 : i32
    %dma_wait3A_938 = tpu.memref_slice %arg6[%dma_wait3A_934, %dma_wait3A_936, %dma_wait3A_937] : memref<6x128x128xf32, #tpu.memory_space<vmem>> -> memref<1x128x128xf32, #tpu.memory_space<vmem>>
    %dma_wait3A_939 = tpu.memref_squeeze %dma_wait3A_938 : memref<1x128x128xf32, #tpu.memory_space<vmem>> -> memref<128x128xf32, #tpu.memory_space<vmem>>
    %dma_wait3A_940 = arith.constant 0 : i32
    %dma_wait3A_941 = tpu.memref_slice %arg4[%add3A_933, %dma_wait3A_940] : memref<106496x128xf32, #tpu.memory_space<hbm>> -> memref<128x128xf32, #tpu.memory_space<hbm>>
    %dma_wait3A_942 = tpu.memref_slice %arg9[%dma_wait3A_935] : memref<6x!tpu.dma_semaphore, #tpu.memory_space<semaphore_mem>> -> memref<1x!tpu.dma_semaphore, #tpu.memory_space<semaphore_mem>>
    %dma_wait3A_943 = tpu.memref_squeeze %dma_wait3A_942 : memref<1x!tpu.dma_semaphore, #tpu.memory_space<semaphore_mem>> -> memref<!tpu.dma_semaphore, #tpu.memory_space<semaphore_mem>>
    %dma_wait3A_944 = arith.constant 0 : i32
    %dma_wait3A_945 = tpu.memref_slice %arg4[%add3A_933, %dma_wait3A_944] : memref<106496x128xf32, #tpu.memory_space<hbm>> -> memref<128x128xf32, #tpu.memory_space<hbm>>
    %dma_wait3A_946 = arith.constant 0 : i32
    %dma_wait3A_947 = arith.constant 0 : i32
    %dma_wait3A_948 = tpu.memref_slice %arg6[%dma_wait3A_934, %dma_wait3A_946, %dma_wait3A_947] : memref<6x128x128xf32, #tpu.memory_space<vmem>> -> memref<1x128x128xf32, #tpu.memory_space<vmem>>
    %dma_wait3A_949 = tpu.memref_squeeze %dma_wait3A_948 : memref<1x128x128xf32, #tpu.memory_space<vmem>> -> memref<128x128xf32, #tpu.memory_space<vmem>>
    tpu.wait_dma2 semaphore(%dma_wait3A_943 : memref<!tpu.dma_semaphore, #tpu.memory_space<semaphore_mem>>) src(%dma_wait3A_949 : memref<128x128xf32, #tpu.memory_space<vmem>>) dst(%dma_wait3A_945 : memref<128x128xf32, #tpu.memory_space<hbm>>)
    %dma_start3A_950 = arith.constant 18 : i32
    %dma_start3A_951 = arith.constant 0 : i32
    %dma_start3A_952 = arith.constant 0 : i32
    %dma_start3A_953 = arith.constant 0 : i32
    %dma_start3A_954 = arith.constant 0 : i32
    %dma_start3A_955 = tpu.memref_slice %arg6[%dma_start3A_951, %dma_start3A_953, %dma_start3A_954] : memref<6x128x128xf32, #tpu.memory_space<vmem>> -> memref<1x128x128xf32, #tpu.memory_space<vmem>>
    %dma_start3A_956 = tpu.memref_squeeze %dma_start3A_955 : memref<1x128x128xf32, #tpu.memory_space<vmem>> -> memref<128x128xf32, #tpu.memory_space<vmem>>
    %dma_start3A_957 = arith.constant 0 : i32
    %dma_start3A_958 = tpu.memref_slice %arg5[%dma_start3A_950, %dma_start3A_957] : memref<26x128xi32, #tpu.memory_space<vmem>> -> memref<1x128xi32, #tpu.memory_space<vmem>>
    %dma_start3A_959 = tpu.memref_squeeze %dma_start3A_958 : memref<1x128xi32, #tpu.memory_space<vmem>> -> memref<128xi32, #tpu.memory_space<vmem>>
    %dma_start3A_960 = arith.constant 0 : i32
    %dma_start3A_961 = arith.constant 0 : i32
    %dma_start3A_962 = tpu.memref_slice %arg2[%dma_start3A_960, %dma_start3A_961] : memref<507904x128xf32, #tpu.memory_space<hbm>> -> memref<507904x128xf32, #tpu.memory_space<hbm>>
    %dma_start3A_963 = tpu.memref_slice %arg8[%dma_start3A_952] : memref<6x!tpu.dma_semaphore, #tpu.memory_space<semaphore_mem>> -> memref<1x!tpu.dma_semaphore, #tpu.memory_space<semaphore_mem>>
    %dma_start3A_964 = tpu.memref_squeeze %dma_start3A_963 : memref<1x!tpu.dma_semaphore, #tpu.memory_space<semaphore_mem>> -> memref<!tpu.dma_semaphore, #tpu.memory_space<semaphore_mem>>
    tpu.enqueue_indirect_dma source(%dma_start3A_962 : memref<507904x128xf32, #tpu.memory_space<hbm>>) target(%dma_start3A_956 : memref<128x128xf32, #tpu.memory_space<vmem>>) offsets(%dma_start3A_959 : memref<128xi32, #tpu.memory_space<vmem>>) semaphore(%dma_start3A_964 : memref<!tpu.dma_semaphore, #tpu.memory_space<semaphore_mem>>)
    %dma_wait3A_965 = arith.constant 13 : i32
    %dma_wait3A_966 = arith.constant 1 : i32
    %dma_wait3A_967 = arith.constant 1 : i32
    %dma_wait3A_968 = arith.constant 0 : i32
    %dma_wait3A_969 = arith.constant 0 : i32
    %dma_wait3A_970 = tpu.memref_slice %arg6[%dma_wait3A_966, %dma_wait3A_968, %dma_wait3A_969] : memref<6x128x128xf32, #tpu.memory_space<vmem>> -> memref<1x128x128xf32, #tpu.memory_space<vmem>>
    %dma_wait3A_971 = tpu.memref_squeeze %dma_wait3A_970 : memref<1x128x128xf32, #tpu.memory_space<vmem>> -> memref<128x128xf32, #tpu.memory_space<vmem>>
    %dma_wait3A_972 = arith.constant 0 : i32
    %dma_wait3A_973 = tpu.memref_slice %arg5[%dma_wait3A_965, %dma_wait3A_972] : memref<26x128xi32, #tpu.memory_space<vmem>> -> memref<1x128xi32, #tpu.memory_space<vmem>>
    %dma_wait3A_974 = tpu.memref_squeeze %dma_wait3A_973 : memref<1x128xi32, #tpu.memory_space<vmem>> -> memref<128xi32, #tpu.memory_space<vmem>>
    %dma_wait3A_975 = arith.constant 0 : i32
    %dma_wait3A_976 = arith.constant 0 : i32
    %dma_wait3A_977 = tpu.memref_slice %arg2[%dma_wait3A_975, %dma_wait3A_976] : memref<507904x128xf32, #tpu.memory_space<hbm>> -> memref<507904x128xf32, #tpu.memory_space<hbm>>
    %dma_wait3A_978 = tpu.memref_slice %arg8[%dma_wait3A_967] : memref<6x!tpu.dma_semaphore, #tpu.memory_space<semaphore_mem>> -> memref<1x!tpu.dma_semaphore, #tpu.memory_space<semaphore_mem>>
    %dma_wait3A_979 = tpu.memref_squeeze %dma_wait3A_978 : memref<1x!tpu.dma_semaphore, #tpu.memory_space<semaphore_mem>> -> memref<!tpu.dma_semaphore, #tpu.memory_space<semaphore_mem>>
    tpu.wait_indirect_dma semaphore(%dma_wait3A_979 : memref<!tpu.dma_semaphore, #tpu.memory_space<semaphore_mem>>) src(%dma_wait3A_977 : memref<507904x128xf32, #tpu.memory_space<hbm>>) dst(%dma_wait3A_971 : memref<128x128xf32, #tpu.memory_space<vmem>>)
    %add3A_980 = arith.constant 1664 : i32
    %add3A_981 = arith.addi %mul3A_2, %add3A_980 : i32
    %dma_start3A_982 = arith.constant 1 : i32
    %dma_start3A_983 = arith.constant 1 : i32
    %dma_start3A_984 = arith.constant 0 : i32
    %dma_start3A_985 = arith.constant 0 : i32
    %dma_start3A_986 = tpu.memref_slice %arg6[%dma_start3A_982, %dma_start3A_984, %dma_start3A_985] : memref<6x128x128xf32, #tpu.memory_space<vmem>> -> memref<1x128x128xf32, #tpu.memory_space<vmem>>
    %dma_start3A_987 = tpu.memref_squeeze %dma_start3A_986 : memref<1x128x128xf32, #tpu.memory_space<vmem>> -> memref<128x128xf32, #tpu.memory_space<vmem>>
    %dma_start3A_988 = arith.constant 0 : i32
    %dma_start3A_989 = tpu.memref_slice %arg4[%add3A_981, %dma_start3A_988] : memref<106496x128xf32, #tpu.memory_space<hbm>> -> memref<128x128xf32, #tpu.memory_space<hbm>>
    %dma_start3A_990 = tpu.memref_slice %arg9[%dma_start3A_983] : memref<6x!tpu.dma_semaphore, #tpu.memory_space<semaphore_mem>> -> memref<1x!tpu.dma_semaphore, #tpu.memory_space<semaphore_mem>>
    %dma_start3A_991 = tpu.memref_squeeze %dma_start3A_990 : memref<1x!tpu.dma_semaphore, #tpu.memory_space<semaphore_mem>> -> memref<!tpu.dma_semaphore, #tpu.memory_space<semaphore_mem>>
    %dma_start3A_992 = arith.constant 0 : i32
    %dma_start3A_993 = tpu.memref_slice %arg4[%add3A_981, %dma_start3A_992] : memref<106496x128xf32, #tpu.memory_space<hbm>> -> memref<128x128xf32, #tpu.memory_space<hbm>>
    %dma_start3A_994 = arith.constant 0 : i32
    %dma_start3A_995 = arith.constant 0 : i32
    %dma_start3A_996 = tpu.memref_slice %arg6[%dma_start3A_982, %dma_start3A_994, %dma_start3A_995] : memref<6x128x128xf32, #tpu.memory_space<vmem>> -> memref<1x128x128xf32, #tpu.memory_space<vmem>>
    %dma_start3A_997 = tpu.memref_squeeze %dma_start3A_996 : memref<1x128x128xf32, #tpu.memory_space<vmem>> -> memref<128x128xf32, #tpu.memory_space<vmem>>
    tpu.enqueue_dma source(%dma_start3A_997 : memref<128x128xf32, #tpu.memory_space<vmem>>) target(%dma_start3A_993 : memref<128x128xf32, #tpu.memory_space<hbm>>) target_semaphore(%dma_start3A_991 : memref<!tpu.dma_semaphore, #tpu.memory_space<semaphore_mem>>)
    %add3A_998 = arith.constant 1664 : i32
    %add3A_999 = arith.addi %mul3A_2, %add3A_998 : i32
    %dma_wait3A_1000 = arith.constant 1 : i32
    %dma_wait3A_1001 = arith.constant 1 : i32
    %dma_wait3A_1002 = arith.constant 0 : i32
    %dma_wait3A_1003 = arith.constant 0 : i32
    %dma_wait3A_1004 = tpu.memref_slice %arg6[%dma_wait3A_1000, %dma_wait3A_1002, %dma_wait3A_1003] : memref<6x128x128xf32, #tpu.memory_space<vmem>> -> memref<1x128x128xf32, #tpu.memory_space<vmem>>
    %dma_wait3A_1005 = tpu.memref_squeeze %dma_wait3A_1004 : memref<1x128x128xf32, #tpu.memory_space<vmem>> -> memref<128x128xf32, #tpu.memory_space<vmem>>
    %dma_wait3A_1006 = arith.constant 0 : i32
    %dma_wait3A_1007 = tpu.memref_slice %arg4[%add3A_999, %dma_wait3A_1006] : memref<106496x128xf32, #tpu.memory_space<hbm>> -> memref<128x128xf32, #tpu.memory_space<hbm>>
    %dma_wait3A_1008 = tpu.memref_slice %arg9[%dma_wait3A_1001] : memref<6x!tpu.dma_semaphore, #tpu.memory_space<semaphore_mem>> -> memref<1x!tpu.dma_semaphore, #tpu.memory_space<semaphore_mem>>
    %dma_wait3A_1009 = tpu.memref_squeeze %dma_wait3A_1008 : memref<1x!tpu.dma_semaphore, #tpu.memory_space<semaphore_mem>> -> memref<!tpu.dma_semaphore, #tpu.memory_space<semaphore_mem>>
    %dma_wait3A_1010 = arith.constant 0 : i32
    %dma_wait3A_1011 = tpu.memref_slice %arg4[%add3A_999, %dma_wait3A_1010] : memref<106496x128xf32, #tpu.memory_space<hbm>> -> memref<128x128xf32, #tpu.memory_space<hbm>>
    %dma_wait3A_1012 = arith.constant 0 : i32
    %dma_wait3A_1013 = arith.constant 0 : i32
    %dma_wait3A_1014 = tpu.memref_slice %arg6[%dma_wait3A_1000, %dma_wait3A_1012, %dma_wait3A_1013] : memref<6x128x128xf32, #tpu.memory_space<vmem>> -> memref<1x128x128xf32, #tpu.memory_space<vmem>>
    %dma_wait3A_1015 = tpu.memref_squeeze %dma_wait3A_1014 : memref<1x128x128xf32, #tpu.memory_space<vmem>> -> memref<128x128xf32, #tpu.memory_space<vmem>>
    tpu.wait_dma2 semaphore(%dma_wait3A_1009 : memref<!tpu.dma_semaphore, #tpu.memory_space<semaphore_mem>>) src(%dma_wait3A_1015 : memref<128x128xf32, #tpu.memory_space<vmem>>) dst(%dma_wait3A_1011 : memref<128x128xf32, #tpu.memory_space<hbm>>)
    %dma_start3A_1016 = arith.constant 19 : i32
    %dma_start3A_1017 = arith.constant 1 : i32
    %dma_start3A_1018 = arith.constant 1 : i32
    %dma_start3A_1019 = arith.constant 0 : i32
    %dma_start3A_1020 = arith.constant 0 : i32
    %dma_start3A_1021 = tpu.memref_slice %arg6[%dma_start3A_1017, %dma_start3A_1019, %dma_start3A_1020] : memref<6x128x128xf32, #tpu.memory_space<vmem>> -> memref<1x128x128xf32, #tpu.memory_space<vmem>>
    %dma_start3A_1022 = tpu.memref_squeeze %dma_start3A_1021 : memref<1x128x128xf32, #tpu.memory_space<vmem>> -> memref<128x128xf32, #tpu.memory_space<vmem>>
    %dma_start3A_1023 = arith.constant 0 : i32
    %dma_start3A_1024 = tpu.memref_slice %arg5[%dma_start3A_1016, %dma_start3A_1023] : memref<26x128xi32, #tpu.memory_space<vmem>> -> memref<1x128xi32, #tpu.memory_space<vmem>>
    %dma_start3A_1025 = tpu.memref_squeeze %dma_start3A_1024 : memref<1x128xi32, #tpu.memory_space<vmem>> -> memref<128xi32, #tpu.memory_space<vmem>>
    %dma_start3A_1026 = arith.constant 0 : i32
    %dma_start3A_1027 = arith.constant 0 : i32
    %dma_start3A_1028 = tpu.memref_slice %arg2[%dma_start3A_1026, %dma_start3A_1027] : memref<507904x128xf32, #tpu.memory_space<hbm>> -> memref<507904x128xf32, #tpu.memory_space<hbm>>
    %dma_start3A_1029 = tpu.memref_slice %arg8[%dma_start3A_1018] : memref<6x!tpu.dma_semaphore, #tpu.memory_space<semaphore_mem>> -> memref<1x!tpu.dma_semaphore, #tpu.memory_space<semaphore_mem>>
    %dma_start3A_1030 = tpu.memref_squeeze %dma_start3A_1029 : memref<1x!tpu.dma_semaphore, #tpu.memory_space<semaphore_mem>> -> memref<!tpu.dma_semaphore, #tpu.memory_space<semaphore_mem>>
    tpu.enqueue_indirect_dma source(%dma_start3A_1028 : memref<507904x128xf32, #tpu.memory_space<hbm>>) target(%dma_start3A_1022 : memref<128x128xf32, #tpu.memory_space<vmem>>) offsets(%dma_start3A_1025 : memref<128xi32, #tpu.memory_space<vmem>>) semaphore(%dma_start3A_1030 : memref<!tpu.dma_semaphore, #tpu.memory_space<semaphore_mem>>)
    %dma_wait3A_1031 = arith.constant 14 : i32
    %dma_wait3A_1032 = arith.constant 2 : i32
    %dma_wait3A_1033 = arith.constant 2 : i32
    %dma_wait3A_1034 = arith.constant 0 : i32
    %dma_wait3A_1035 = arith.constant 0 : i32
    %dma_wait3A_1036 = tpu.memref_slice %arg6[%dma_wait3A_1032, %dma_wait3A_1034, %dma_wait3A_1035] : memref<6x128x128xf32, #tpu.memory_space<vmem>> -> memref<1x128x128xf32, #tpu.memory_space<vmem>>
    %dma_wait3A_1037 = tpu.memref_squeeze %dma_wait3A_1036 : memref<1x128x128xf32, #tpu.memory_space<vmem>> -> memref<128x128xf32, #tpu.memory_space<vmem>>
    %dma_wait3A_1038 = arith.constant 0 : i32
    %dma_wait3A_1039 = tpu.memref_slice %arg5[%dma_wait3A_1031, %dma_wait3A_1038] : memref<26x128xi32, #tpu.memory_space<vmem>> -> memref<1x128xi32, #tpu.memory_space<vmem>>
    %dma_wait3A_1040 = tpu.memref_squeeze %dma_wait3A_1039 : memref<1x128xi32, #tpu.memory_space<vmem>> -> memref<128xi32, #tpu.memory_space<vmem>>
    %dma_wait3A_1041 = arith.constant 0 : i32
    %dma_wait3A_1042 = arith.constant 0 : i32
    %dma_wait3A_1043 = tpu.memref_slice %arg2[%dma_wait3A_1041, %dma_wait3A_1042] : memref<507904x128xf32, #tpu.memory_space<hbm>> -> memref<507904x128xf32, #tpu.memory_space<hbm>>
    %dma_wait3A_1044 = tpu.memref_slice %arg8[%dma_wait3A_1033] : memref<6x!tpu.dma_semaphore, #tpu.memory_space<semaphore_mem>> -> memref<1x!tpu.dma_semaphore, #tpu.memory_space<semaphore_mem>>
    %dma_wait3A_1045 = tpu.memref_squeeze %dma_wait3A_1044 : memref<1x!tpu.dma_semaphore, #tpu.memory_space<semaphore_mem>> -> memref<!tpu.dma_semaphore, #tpu.memory_space<semaphore_mem>>
    tpu.wait_indirect_dma semaphore(%dma_wait3A_1045 : memref<!tpu.dma_semaphore, #tpu.memory_space<semaphore_mem>>) src(%dma_wait3A_1043 : memref<507904x128xf32, #tpu.memory_space<hbm>>) dst(%dma_wait3A_1037 : memref<128x128xf32, #tpu.memory_space<vmem>>)
    %add3A_1046 = arith.constant 1792 : i32
    %add3A_1047 = arith.addi %mul3A_2, %add3A_1046 : i32
    %dma_start3A_1048 = arith.constant 2 : i32
    %dma_start3A_1049 = arith.constant 2 : i32
    %dma_start3A_1050 = arith.constant 0 : i32
    %dma_start3A_1051 = arith.constant 0 : i32
    %dma_start3A_1052 = tpu.memref_slice %arg6[%dma_start3A_1048, %dma_start3A_1050, %dma_start3A_1051] : memref<6x128x128xf32, #tpu.memory_space<vmem>> -> memref<1x128x128xf32, #tpu.memory_space<vmem>>
    %dma_start3A_1053 = tpu.memref_squeeze %dma_start3A_1052 : memref<1x128x128xf32, #tpu.memory_space<vmem>> -> memref<128x128xf32, #tpu.memory_space<vmem>>
    %dma_start3A_1054 = arith.constant 0 : i32
    %dma_start3A_1055 = tpu.memref_slice %arg4[%add3A_1047, %dma_start3A_1054] : memref<106496x128xf32, #tpu.memory_space<hbm>> -> memref<128x128xf32, #tpu.memory_space<hbm>>
    %dma_start3A_1056 = tpu.memref_slice %arg9[%dma_start3A_1049] : memref<6x!tpu.dma_semaphore, #tpu.memory_space<semaphore_mem>> -> memref<1x!tpu.dma_semaphore, #tpu.memory_space<semaphore_mem>>
    %dma_start3A_1057 = tpu.memref_squeeze %dma_start3A_1056 : memref<1x!tpu.dma_semaphore, #tpu.memory_space<semaphore_mem>> -> memref<!tpu.dma_semaphore, #tpu.memory_space<semaphore_mem>>
    %dma_start3A_1058 = arith.constant 0 : i32
    %dma_start3A_1059 = tpu.memref_slice %arg4[%add3A_1047, %dma_start3A_1058] : memref<106496x128xf32, #tpu.memory_space<hbm>> -> memref<128x128xf32, #tpu.memory_space<hbm>>
    %dma_start3A_1060 = arith.constant 0 : i32
    %dma_start3A_1061 = arith.constant 0 : i32
    %dma_start3A_1062 = tpu.memref_slice %arg6[%dma_start3A_1048, %dma_start3A_1060, %dma_start3A_1061] : memref<6x128x128xf32, #tpu.memory_space<vmem>> -> memref<1x128x128xf32, #tpu.memory_space<vmem>>
    %dma_start3A_1063 = tpu.memref_squeeze %dma_start3A_1062 : memref<1x128x128xf32, #tpu.memory_space<vmem>> -> memref<128x128xf32, #tpu.memory_space<vmem>>
    tpu.enqueue_dma source(%dma_start3A_1063 : memref<128x128xf32, #tpu.memory_space<vmem>>) target(%dma_start3A_1059 : memref<128x128xf32, #tpu.memory_space<hbm>>) target_semaphore(%dma_start3A_1057 : memref<!tpu.dma_semaphore, #tpu.memory_space<semaphore_mem>>)
    %add3A_1064 = arith.constant 1792 : i32
    %add3A_1065 = arith.addi %mul3A_2, %add3A_1064 : i32
    %dma_wait3A_1066 = arith.constant 2 : i32
    %dma_wait3A_1067 = arith.constant 2 : i32
    %dma_wait3A_1068 = arith.constant 0 : i32
    %dma_wait3A_1069 = arith.constant 0 : i32
    %dma_wait3A_1070 = tpu.memref_slice %arg6[%dma_wait3A_1066, %dma_wait3A_1068, %dma_wait3A_1069] : memref<6x128x128xf32, #tpu.memory_space<vmem>> -> memref<1x128x128xf32, #tpu.memory_space<vmem>>
    %dma_wait3A_1071 = tpu.memref_squeeze %dma_wait3A_1070 : memref<1x128x128xf32, #tpu.memory_space<vmem>> -> memref<128x128xf32, #tpu.memory_space<vmem>>
    %dma_wait3A_1072 = arith.constant 0 : i32
    %dma_wait3A_1073 = tpu.memref_slice %arg4[%add3A_1065, %dma_wait3A_1072] : memref<106496x128xf32, #tpu.memory_space<hbm>> -> memref<128x128xf32, #tpu.memory_space<hbm>>
    %dma_wait3A_1074 = tpu.memref_slice %arg9[%dma_wait3A_1067] : memref<6x!tpu.dma_semaphore, #tpu.memory_space<semaphore_mem>> -> memref<1x!tpu.dma_semaphore, #tpu.memory_space<semaphore_mem>>
    %dma_wait3A_1075 = tpu.memref_squeeze %dma_wait3A_1074 : memref<1x!tpu.dma_semaphore, #tpu.memory_space<semaphore_mem>> -> memref<!tpu.dma_semaphore, #tpu.memory_space<semaphore_mem>>
    %dma_wait3A_1076 = arith.constant 0 : i32
    %dma_wait3A_1077 = tpu.memref_slice %arg4[%add3A_1065, %dma_wait3A_1076] : memref<106496x128xf32, #tpu.memory_space<hbm>> -> memref<128x128xf32, #tpu.memory_space<hbm>>
    %dma_wait3A_1078 = arith.constant 0 : i32
    %dma_wait3A_1079 = arith.constant 0 : i32
    %dma_wait3A_1080 = tpu.memref_slice %arg6[%dma_wait3A_1066, %dma_wait3A_1078, %dma_wait3A_1079] : memref<6x128x128xf32, #tpu.memory_space<vmem>> -> memref<1x128x128xf32, #tpu.memory_space<vmem>>
    %dma_wait3A_1081 = tpu.memref_squeeze %dma_wait3A_1080 : memref<1x128x128xf32, #tpu.memory_space<vmem>> -> memref<128x128xf32, #tpu.memory_space<vmem>>
    tpu.wait_dma2 semaphore(%dma_wait3A_1075 : memref<!tpu.dma_semaphore, #tpu.memory_space<semaphore_mem>>) src(%dma_wait3A_1081 : memref<128x128xf32, #tpu.memory_space<vmem>>) dst(%dma_wait3A_1077 : memref<128x128xf32, #tpu.memory_space<hbm>>)
    %dma_start3A_1082 = arith.constant 20 : i32
    %dma_start3A_1083 = arith.constant 2 : i32
    %dma_start3A_1084 = arith.constant 2 : i32
    %dma_start3A_1085 = arith.constant 0 : i32
    %dma_start3A_1086 = arith.constant 0 : i32
    %dma_start3A_1087 = tpu.memref_slice %arg6[%dma_start3A_1083, %dma_start3A_1085, %dma_start3A_1086] : memref<6x128x128xf32, #tpu.memory_space<vmem>> -> memref<1x128x128xf32, #tpu.memory_space<vmem>>
    %dma_start3A_1088 = tpu.memref_squeeze %dma_start3A_1087 : memref<1x128x128xf32, #tpu.memory_space<vmem>> -> memref<128x128xf32, #tpu.memory_space<vmem>>
    %dma_start3A_1089 = arith.constant 0 : i32
    %dma_start3A_1090 = tpu.memref_slice %arg5[%dma_start3A_1082, %dma_start3A_1089] : memref<26x128xi32, #tpu.memory_space<vmem>> -> memref<1x128xi32, #tpu.memory_space<vmem>>
    %dma_start3A_1091 = tpu.memref_squeeze %dma_start3A_1090 : memref<1x128xi32, #tpu.memory_space<vmem>> -> memref<128xi32, #tpu.memory_space<vmem>>
    %dma_start3A_1092 = arith.constant 0 : i32
    %dma_start3A_1093 = arith.constant 0 : i32
    %dma_start3A_1094 = tpu.memref_slice %arg2[%dma_start3A_1092, %dma_start3A_1093] : memref<507904x128xf32, #tpu.memory_space<hbm>> -> memref<507904x128xf32, #tpu.memory_space<hbm>>
    %dma_start3A_1095 = tpu.memref_slice %arg8[%dma_start3A_1084] : memref<6x!tpu.dma_semaphore, #tpu.memory_space<semaphore_mem>> -> memref<1x!tpu.dma_semaphore, #tpu.memory_space<semaphore_mem>>
    %dma_start3A_1096 = tpu.memref_squeeze %dma_start3A_1095 : memref<1x!tpu.dma_semaphore, #tpu.memory_space<semaphore_mem>> -> memref<!tpu.dma_semaphore, #tpu.memory_space<semaphore_mem>>
    tpu.enqueue_indirect_dma source(%dma_start3A_1094 : memref<507904x128xf32, #tpu.memory_space<hbm>>) target(%dma_start3A_1088 : memref<128x128xf32, #tpu.memory_space<vmem>>) offsets(%dma_start3A_1091 : memref<128xi32, #tpu.memory_space<vmem>>) semaphore(%dma_start3A_1096 : memref<!tpu.dma_semaphore, #tpu.memory_space<semaphore_mem>>)
    %dma_wait3A_1097 = arith.constant 15 : i32
    %dma_wait3A_1098 = arith.constant 3 : i32
    %dma_wait3A_1099 = arith.constant 3 : i32
    %dma_wait3A_1100 = arith.constant 0 : i32
    %dma_wait3A_1101 = arith.constant 0 : i32
    %dma_wait3A_1102 = tpu.memref_slice %arg6[%dma_wait3A_1098, %dma_wait3A_1100, %dma_wait3A_1101] : memref<6x128x128xf32, #tpu.memory_space<vmem>> -> memref<1x128x128xf32, #tpu.memory_space<vmem>>
    %dma_wait3A_1103 = tpu.memref_squeeze %dma_wait3A_1102 : memref<1x128x128xf32, #tpu.memory_space<vmem>> -> memref<128x128xf32, #tpu.memory_space<vmem>>
    %dma_wait3A_1104 = arith.constant 0 : i32
    %dma_wait3A_1105 = tpu.memref_slice %arg5[%dma_wait3A_1097, %dma_wait3A_1104] : memref<26x128xi32, #tpu.memory_space<vmem>> -> memref<1x128xi32, #tpu.memory_space<vmem>>
    %dma_wait3A_1106 = tpu.memref_squeeze %dma_wait3A_1105 : memref<1x128xi32, #tpu.memory_space<vmem>> -> memref<128xi32, #tpu.memory_space<vmem>>
    %dma_wait3A_1107 = arith.constant 0 : i32
    %dma_wait3A_1108 = arith.constant 0 : i32
    %dma_wait3A_1109 = tpu.memref_slice %arg2[%dma_wait3A_1107, %dma_wait3A_1108] : memref<507904x128xf32, #tpu.memory_space<hbm>> -> memref<507904x128xf32, #tpu.memory_space<hbm>>
    %dma_wait3A_1110 = tpu.memref_slice %arg8[%dma_wait3A_1099] : memref<6x!tpu.dma_semaphore, #tpu.memory_space<semaphore_mem>> -> memref<1x!tpu.dma_semaphore, #tpu.memory_space<semaphore_mem>>
    %dma_wait3A_1111 = tpu.memref_squeeze %dma_wait3A_1110 : memref<1x!tpu.dma_semaphore, #tpu.memory_space<semaphore_mem>> -> memref<!tpu.dma_semaphore, #tpu.memory_space<semaphore_mem>>
    tpu.wait_indirect_dma semaphore(%dma_wait3A_1111 : memref<!tpu.dma_semaphore, #tpu.memory_space<semaphore_mem>>) src(%dma_wait3A_1109 : memref<507904x128xf32, #tpu.memory_space<hbm>>) dst(%dma_wait3A_1103 : memref<128x128xf32, #tpu.memory_space<vmem>>)
    %add3A_1112 = arith.constant 1920 : i32
    %add3A_1113 = arith.addi %mul3A_2, %add3A_1112 : i32
    %dma_start3A_1114 = arith.constant 3 : i32
    %dma_start3A_1115 = arith.constant 3 : i32
    %dma_start3A_1116 = arith.constant 0 : i32
    %dma_start3A_1117 = arith.constant 0 : i32
    %dma_start3A_1118 = tpu.memref_slice %arg6[%dma_start3A_1114, %dma_start3A_1116, %dma_start3A_1117] : memref<6x128x128xf32, #tpu.memory_space<vmem>> -> memref<1x128x128xf32, #tpu.memory_space<vmem>>
    %dma_start3A_1119 = tpu.memref_squeeze %dma_start3A_1118 : memref<1x128x128xf32, #tpu.memory_space<vmem>> -> memref<128x128xf32, #tpu.memory_space<vmem>>
    %dma_start3A_1120 = arith.constant 0 : i32
    %dma_start3A_1121 = tpu.memref_slice %arg4[%add3A_1113, %dma_start3A_1120] : memref<106496x128xf32, #tpu.memory_space<hbm>> -> memref<128x128xf32, #tpu.memory_space<hbm>>
    %dma_start3A_1122 = tpu.memref_slice %arg9[%dma_start3A_1115] : memref<6x!tpu.dma_semaphore, #tpu.memory_space<semaphore_mem>> -> memref<1x!tpu.dma_semaphore, #tpu.memory_space<semaphore_mem>>
    %dma_start3A_1123 = tpu.memref_squeeze %dma_start3A_1122 : memref<1x!tpu.dma_semaphore, #tpu.memory_space<semaphore_mem>> -> memref<!tpu.dma_semaphore, #tpu.memory_space<semaphore_mem>>
    %dma_start3A_1124 = arith.constant 0 : i32
    %dma_start3A_1125 = tpu.memref_slice %arg4[%add3A_1113, %dma_start3A_1124] : memref<106496x128xf32, #tpu.memory_space<hbm>> -> memref<128x128xf32, #tpu.memory_space<hbm>>
    %dma_start3A_1126 = arith.constant 0 : i32
    %dma_start3A_1127 = arith.constant 0 : i32
    %dma_start3A_1128 = tpu.memref_slice %arg6[%dma_start3A_1114, %dma_start3A_1126, %dma_start3A_1127] : memref<6x128x128xf32, #tpu.memory_space<vmem>> -> memref<1x128x128xf32, #tpu.memory_space<vmem>>
    %dma_start3A_1129 = tpu.memref_squeeze %dma_start3A_1128 : memref<1x128x128xf32, #tpu.memory_space<vmem>> -> memref<128x128xf32, #tpu.memory_space<vmem>>
    tpu.enqueue_dma source(%dma_start3A_1129 : memref<128x128xf32, #tpu.memory_space<vmem>>) target(%dma_start3A_1125 : memref<128x128xf32, #tpu.memory_space<hbm>>) target_semaphore(%dma_start3A_1123 : memref<!tpu.dma_semaphore, #tpu.memory_space<semaphore_mem>>)
    %add3A_1130 = arith.constant 1920 : i32
    %add3A_1131 = arith.addi %mul3A_2, %add3A_1130 : i32
    %dma_wait3A_1132 = arith.constant 3 : i32
    %dma_wait3A_1133 = arith.constant 3 : i32
    %dma_wait3A_1134 = arith.constant 0 : i32
    %dma_wait3A_1135 = arith.constant 0 : i32
    %dma_wait3A_1136 = tpu.memref_slice %arg6[%dma_wait3A_1132, %dma_wait3A_1134, %dma_wait3A_1135] : memref<6x128x128xf32, #tpu.memory_space<vmem>> -> memref<1x128x128xf32, #tpu.memory_space<vmem>>
    %dma_wait3A_1137 = tpu.memref_squeeze %dma_wait3A_1136 : memref<1x128x128xf32, #tpu.memory_space<vmem>> -> memref<128x128xf32, #tpu.memory_space<vmem>>
    %dma_wait3A_1138 = arith.constant 0 : i32
    %dma_wait3A_1139 = tpu.memref_slice %arg4[%add3A_1131, %dma_wait3A_1138] : memref<106496x128xf32, #tpu.memory_space<hbm>> -> memref<128x128xf32, #tpu.memory_space<hbm>>
    %dma_wait3A_1140 = tpu.memref_slice %arg9[%dma_wait3A_1133] : memref<6x!tpu.dma_semaphore, #tpu.memory_space<semaphore_mem>> -> memref<1x!tpu.dma_semaphore, #tpu.memory_space<semaphore_mem>>
    %dma_wait3A_1141 = tpu.memref_squeeze %dma_wait3A_1140 : memref<1x!tpu.dma_semaphore, #tpu.memory_space<semaphore_mem>> -> memref<!tpu.dma_semaphore, #tpu.memory_space<semaphore_mem>>
    %dma_wait3A_1142 = arith.constant 0 : i32
    %dma_wait3A_1143 = tpu.memref_slice %arg4[%add3A_1131, %dma_wait3A_1142] : memref<106496x128xf32, #tpu.memory_space<hbm>> -> memref<128x128xf32, #tpu.memory_space<hbm>>
    %dma_wait3A_1144 = arith.constant 0 : i32
    %dma_wait3A_1145 = arith.constant 0 : i32
    %dma_wait3A_1146 = tpu.memref_slice %arg6[%dma_wait3A_1132, %dma_wait3A_1144, %dma_wait3A_1145] : memref<6x128x128xf32, #tpu.memory_space<vmem>> -> memref<1x128x128xf32, #tpu.memory_space<vmem>>
    %dma_wait3A_1147 = tpu.memref_squeeze %dma_wait3A_1146 : memref<1x128x128xf32, #tpu.memory_space<vmem>> -> memref<128x128xf32, #tpu.memory_space<vmem>>
    tpu.wait_dma2 semaphore(%dma_wait3A_1141 : memref<!tpu.dma_semaphore, #tpu.memory_space<semaphore_mem>>) src(%dma_wait3A_1147 : memref<128x128xf32, #tpu.memory_space<vmem>>) dst(%dma_wait3A_1143 : memref<128x128xf32, #tpu.memory_space<hbm>>)
    %dma_start3A_1148 = arith.constant 21 : i32
    %dma_start3A_1149 = arith.constant 3 : i32
    %dma_start3A_1150 = arith.constant 3 : i32
    %dma_start3A_1151 = arith.constant 0 : i32
    %dma_start3A_1152 = arith.constant 0 : i32
    %dma_start3A_1153 = tpu.memref_slice %arg6[%dma_start3A_1149, %dma_start3A_1151, %dma_start3A_1152] : memref<6x128x128xf32, #tpu.memory_space<vmem>> -> memref<1x128x128xf32, #tpu.memory_space<vmem>>
    %dma_start3A_1154 = tpu.memref_squeeze %dma_start3A_1153 : memref<1x128x128xf32, #tpu.memory_space<vmem>> -> memref<128x128xf32, #tpu.memory_space<vmem>>
    %dma_start3A_1155 = arith.constant 0 : i32
    %dma_start3A_1156 = tpu.memref_slice %arg5[%dma_start3A_1148, %dma_start3A_1155] : memref<26x128xi32, #tpu.memory_space<vmem>> -> memref<1x128xi32, #tpu.memory_space<vmem>>
    %dma_start3A_1157 = tpu.memref_squeeze %dma_start3A_1156 : memref<1x128xi32, #tpu.memory_space<vmem>> -> memref<128xi32, #tpu.memory_space<vmem>>
    %dma_start3A_1158 = arith.constant 0 : i32
    %dma_start3A_1159 = arith.constant 0 : i32
    %dma_start3A_1160 = tpu.memref_slice %arg2[%dma_start3A_1158, %dma_start3A_1159] : memref<507904x128xf32, #tpu.memory_space<hbm>> -> memref<507904x128xf32, #tpu.memory_space<hbm>>
    %dma_start3A_1161 = tpu.memref_slice %arg8[%dma_start3A_1150] : memref<6x!tpu.dma_semaphore, #tpu.memory_space<semaphore_mem>> -> memref<1x!tpu.dma_semaphore, #tpu.memory_space<semaphore_mem>>
    %dma_start3A_1162 = tpu.memref_squeeze %dma_start3A_1161 : memref<1x!tpu.dma_semaphore, #tpu.memory_space<semaphore_mem>> -> memref<!tpu.dma_semaphore, #tpu.memory_space<semaphore_mem>>
    tpu.enqueue_indirect_dma source(%dma_start3A_1160 : memref<507904x128xf32, #tpu.memory_space<hbm>>) target(%dma_start3A_1154 : memref<128x128xf32, #tpu.memory_space<vmem>>) offsets(%dma_start3A_1157 : memref<128xi32, #tpu.memory_space<vmem>>) semaphore(%dma_start3A_1162 : memref<!tpu.dma_semaphore, #tpu.memory_space<semaphore_mem>>)
    %dma_wait3A_1163 = arith.constant 16 : i32
    %dma_wait3A_1164 = arith.constant 4 : i32
    %dma_wait3A_1165 = arith.constant 4 : i32
    %dma_wait3A_1166 = arith.constant 0 : i32
    %dma_wait3A_1167 = arith.constant 0 : i32
    %dma_wait3A_1168 = tpu.memref_slice %arg6[%dma_wait3A_1164, %dma_wait3A_1166, %dma_wait3A_1167] : memref<6x128x128xf32, #tpu.memory_space<vmem>> -> memref<1x128x128xf32, #tpu.memory_space<vmem>>
    %dma_wait3A_1169 = tpu.memref_squeeze %dma_wait3A_1168 : memref<1x128x128xf32, #tpu.memory_space<vmem>> -> memref<128x128xf32, #tpu.memory_space<vmem>>
    %dma_wait3A_1170 = arith.constant 0 : i32
    %dma_wait3A_1171 = tpu.memref_slice %arg5[%dma_wait3A_1163, %dma_wait3A_1170] : memref<26x128xi32, #tpu.memory_space<vmem>> -> memref<1x128xi32, #tpu.memory_space<vmem>>
    %dma_wait3A_1172 = tpu.memref_squeeze %dma_wait3A_1171 : memref<1x128xi32, #tpu.memory_space<vmem>> -> memref<128xi32, #tpu.memory_space<vmem>>
    %dma_wait3A_1173 = arith.constant 0 : i32
    %dma_wait3A_1174 = arith.constant 0 : i32
    %dma_wait3A_1175 = tpu.memref_slice %arg2[%dma_wait3A_1173, %dma_wait3A_1174] : memref<507904x128xf32, #tpu.memory_space<hbm>> -> memref<507904x128xf32, #tpu.memory_space<hbm>>
    %dma_wait3A_1176 = tpu.memref_slice %arg8[%dma_wait3A_1165] : memref<6x!tpu.dma_semaphore, #tpu.memory_space<semaphore_mem>> -> memref<1x!tpu.dma_semaphore, #tpu.memory_space<semaphore_mem>>
    %dma_wait3A_1177 = tpu.memref_squeeze %dma_wait3A_1176 : memref<1x!tpu.dma_semaphore, #tpu.memory_space<semaphore_mem>> -> memref<!tpu.dma_semaphore, #tpu.memory_space<semaphore_mem>>
    tpu.wait_indirect_dma semaphore(%dma_wait3A_1177 : memref<!tpu.dma_semaphore, #tpu.memory_space<semaphore_mem>>) src(%dma_wait3A_1175 : memref<507904x128xf32, #tpu.memory_space<hbm>>) dst(%dma_wait3A_1169 : memref<128x128xf32, #tpu.memory_space<vmem>>)
    %add3A_1178 = arith.constant 2048 : i32
    %add3A_1179 = arith.addi %mul3A_2, %add3A_1178 : i32
    %dma_start3A_1180 = arith.constant 4 : i32
    %dma_start3A_1181 = arith.constant 4 : i32
    %dma_start3A_1182 = arith.constant 0 : i32
    %dma_start3A_1183 = arith.constant 0 : i32
    %dma_start3A_1184 = tpu.memref_slice %arg6[%dma_start3A_1180, %dma_start3A_1182, %dma_start3A_1183] : memref<6x128x128xf32, #tpu.memory_space<vmem>> -> memref<1x128x128xf32, #tpu.memory_space<vmem>>
    %dma_start3A_1185 = tpu.memref_squeeze %dma_start3A_1184 : memref<1x128x128xf32, #tpu.memory_space<vmem>> -> memref<128x128xf32, #tpu.memory_space<vmem>>
    %dma_start3A_1186 = arith.constant 0 : i32
    %dma_start3A_1187 = tpu.memref_slice %arg4[%add3A_1179, %dma_start3A_1186] : memref<106496x128xf32, #tpu.memory_space<hbm>> -> memref<128x128xf32, #tpu.memory_space<hbm>>
    %dma_start3A_1188 = tpu.memref_slice %arg9[%dma_start3A_1181] : memref<6x!tpu.dma_semaphore, #tpu.memory_space<semaphore_mem>> -> memref<1x!tpu.dma_semaphore, #tpu.memory_space<semaphore_mem>>
    %dma_start3A_1189 = tpu.memref_squeeze %dma_start3A_1188 : memref<1x!tpu.dma_semaphore, #tpu.memory_space<semaphore_mem>> -> memref<!tpu.dma_semaphore, #tpu.memory_space<semaphore_mem>>
    %dma_start3A_1190 = arith.constant 0 : i32
    %dma_start3A_1191 = tpu.memref_slice %arg4[%add3A_1179, %dma_start3A_1190] : memref<106496x128xf32, #tpu.memory_space<hbm>> -> memref<128x128xf32, #tpu.memory_space<hbm>>
    %dma_start3A_1192 = arith.constant 0 : i32
    %dma_start3A_1193 = arith.constant 0 : i32
    %dma_start3A_1194 = tpu.memref_slice %arg6[%dma_start3A_1180, %dma_start3A_1192, %dma_start3A_1193] : memref<6x128x128xf32, #tpu.memory_space<vmem>> -> memref<1x128x128xf32, #tpu.memory_space<vmem>>
    %dma_start3A_1195 = tpu.memref_squeeze %dma_start3A_1194 : memref<1x128x128xf32, #tpu.memory_space<vmem>> -> memref<128x128xf32, #tpu.memory_space<vmem>>
    tpu.enqueue_dma source(%dma_start3A_1195 : memref<128x128xf32, #tpu.memory_space<vmem>>) target(%dma_start3A_1191 : memref<128x128xf32, #tpu.memory_space<hbm>>) target_semaphore(%dma_start3A_1189 : memref<!tpu.dma_semaphore, #tpu.memory_space<semaphore_mem>>)
    %add3A_1196 = arith.constant 2048 : i32
    %add3A_1197 = arith.addi %mul3A_2, %add3A_1196 : i32
    %dma_wait3A_1198 = arith.constant 4 : i32
    %dma_wait3A_1199 = arith.constant 4 : i32
    %dma_wait3A_1200 = arith.constant 0 : i32
    %dma_wait3A_1201 = arith.constant 0 : i32
    %dma_wait3A_1202 = tpu.memref_slice %arg6[%dma_wait3A_1198, %dma_wait3A_1200, %dma_wait3A_1201] : memref<6x128x128xf32, #tpu.memory_space<vmem>> -> memref<1x128x128xf32, #tpu.memory_space<vmem>>
    %dma_wait3A_1203 = tpu.memref_squeeze %dma_wait3A_1202 : memref<1x128x128xf32, #tpu.memory_space<vmem>> -> memref<128x128xf32, #tpu.memory_space<vmem>>
    %dma_wait3A_1204 = arith.constant 0 : i32
    %dma_wait3A_1205 = tpu.memref_slice %arg4[%add3A_1197, %dma_wait3A_1204] : memref<106496x128xf32, #tpu.memory_space<hbm>> -> memref<128x128xf32, #tpu.memory_space<hbm>>
    %dma_wait3A_1206 = tpu.memref_slice %arg9[%dma_wait3A_1199] : memref<6x!tpu.dma_semaphore, #tpu.memory_space<semaphore_mem>> -> memref<1x!tpu.dma_semaphore, #tpu.memory_space<semaphore_mem>>
    %dma_wait3A_1207 = tpu.memref_squeeze %dma_wait3A_1206 : memref<1x!tpu.dma_semaphore, #tpu.memory_space<semaphore_mem>> -> memref<!tpu.dma_semaphore, #tpu.memory_space<semaphore_mem>>
    %dma_wait3A_1208 = arith.constant 0 : i32
    %dma_wait3A_1209 = tpu.memref_slice %arg4[%add3A_1197, %dma_wait3A_1208] : memref<106496x128xf32, #tpu.memory_space<hbm>> -> memref<128x128xf32, #tpu.memory_space<hbm>>
    %dma_wait3A_1210 = arith.constant 0 : i32
    %dma_wait3A_1211 = arith.constant 0 : i32
    %dma_wait3A_1212 = tpu.memref_slice %arg6[%dma_wait3A_1198, %dma_wait3A_1210, %dma_wait3A_1211] : memref<6x128x128xf32, #tpu.memory_space<vmem>> -> memref<1x128x128xf32, #tpu.memory_space<vmem>>
    %dma_wait3A_1213 = tpu.memref_squeeze %dma_wait3A_1212 : memref<1x128x128xf32, #tpu.memory_space<vmem>> -> memref<128x128xf32, #tpu.memory_space<vmem>>
    tpu.wait_dma2 semaphore(%dma_wait3A_1207 : memref<!tpu.dma_semaphore, #tpu.memory_space<semaphore_mem>>) src(%dma_wait3A_1213 : memref<128x128xf32, #tpu.memory_space<vmem>>) dst(%dma_wait3A_1209 : memref<128x128xf32, #tpu.memory_space<hbm>>)
    %dma_start3A_1214 = arith.constant 22 : i32
    %dma_start3A_1215 = arith.constant 4 : i32
    %dma_start3A_1216 = arith.constant 4 : i32
    %dma_start3A_1217 = arith.constant 0 : i32
    %dma_start3A_1218 = arith.constant 0 : i32
    %dma_start3A_1219 = tpu.memref_slice %arg6[%dma_start3A_1215, %dma_start3A_1217, %dma_start3A_1218] : memref<6x128x128xf32, #tpu.memory_space<vmem>> -> memref<1x128x128xf32, #tpu.memory_space<vmem>>
    %dma_start3A_1220 = tpu.memref_squeeze %dma_start3A_1219 : memref<1x128x128xf32, #tpu.memory_space<vmem>> -> memref<128x128xf32, #tpu.memory_space<vmem>>
    %dma_start3A_1221 = arith.constant 0 : i32
    %dma_start3A_1222 = tpu.memref_slice %arg5[%dma_start3A_1214, %dma_start3A_1221] : memref<26x128xi32, #tpu.memory_space<vmem>> -> memref<1x128xi32, #tpu.memory_space<vmem>>
    %dma_start3A_1223 = tpu.memref_squeeze %dma_start3A_1222 : memref<1x128xi32, #tpu.memory_space<vmem>> -> memref<128xi32, #tpu.memory_space<vmem>>
    %dma_start3A_1224 = arith.constant 0 : i32
    %dma_start3A_1225 = arith.constant 0 : i32
    %dma_start3A_1226 = tpu.memref_slice %arg2[%dma_start3A_1224, %dma_start3A_1225] : memref<507904x128xf32, #tpu.memory_space<hbm>> -> memref<507904x128xf32, #tpu.memory_space<hbm>>
    %dma_start3A_1227 = tpu.memref_slice %arg8[%dma_start3A_1216] : memref<6x!tpu.dma_semaphore, #tpu.memory_space<semaphore_mem>> -> memref<1x!tpu.dma_semaphore, #tpu.memory_space<semaphore_mem>>
    %dma_start3A_1228 = tpu.memref_squeeze %dma_start3A_1227 : memref<1x!tpu.dma_semaphore, #tpu.memory_space<semaphore_mem>> -> memref<!tpu.dma_semaphore, #tpu.memory_space<semaphore_mem>>
    tpu.enqueue_indirect_dma source(%dma_start3A_1226 : memref<507904x128xf32, #tpu.memory_space<hbm>>) target(%dma_start3A_1220 : memref<128x128xf32, #tpu.memory_space<vmem>>) offsets(%dma_start3A_1223 : memref<128xi32, #tpu.memory_space<vmem>>) semaphore(%dma_start3A_1228 : memref<!tpu.dma_semaphore, #tpu.memory_space<semaphore_mem>>)
    %dma_wait3A_1229 = arith.constant 17 : i32
    %dma_wait3A_1230 = arith.constant 5 : i32
    %dma_wait3A_1231 = arith.constant 5 : i32
    %dma_wait3A_1232 = arith.constant 0 : i32
    %dma_wait3A_1233 = arith.constant 0 : i32
    %dma_wait3A_1234 = tpu.memref_slice %arg6[%dma_wait3A_1230, %dma_wait3A_1232, %dma_wait3A_1233] : memref<6x128x128xf32, #tpu.memory_space<vmem>> -> memref<1x128x128xf32, #tpu.memory_space<vmem>>
    %dma_wait3A_1235 = tpu.memref_squeeze %dma_wait3A_1234 : memref<1x128x128xf32, #tpu.memory_space<vmem>> -> memref<128x128xf32, #tpu.memory_space<vmem>>
    %dma_wait3A_1236 = arith.constant 0 : i32
    %dma_wait3A_1237 = tpu.memref_slice %arg5[%dma_wait3A_1229, %dma_wait3A_1236] : memref<26x128xi32, #tpu.memory_space<vmem>> -> memref<1x128xi32, #tpu.memory_space<vmem>>
    %dma_wait3A_1238 = tpu.memref_squeeze %dma_wait3A_1237 : memref<1x128xi32, #tpu.memory_space<vmem>> -> memref<128xi32, #tpu.memory_space<vmem>>
    %dma_wait3A_1239 = arith.constant 0 : i32
    %dma_wait3A_1240 = arith.constant 0 : i32
    %dma_wait3A_1241 = tpu.memref_slice %arg2[%dma_wait3A_1239, %dma_wait3A_1240] : memref<507904x128xf32, #tpu.memory_space<hbm>> -> memref<507904x128xf32, #tpu.memory_space<hbm>>
    %dma_wait3A_1242 = tpu.memref_slice %arg8[%dma_wait3A_1231] : memref<6x!tpu.dma_semaphore, #tpu.memory_space<semaphore_mem>> -> memref<1x!tpu.dma_semaphore, #tpu.memory_space<semaphore_mem>>
    %dma_wait3A_1243 = tpu.memref_squeeze %dma_wait3A_1242 : memref<1x!tpu.dma_semaphore, #tpu.memory_space<semaphore_mem>> -> memref<!tpu.dma_semaphore, #tpu.memory_space<semaphore_mem>>
    tpu.wait_indirect_dma semaphore(%dma_wait3A_1243 : memref<!tpu.dma_semaphore, #tpu.memory_space<semaphore_mem>>) src(%dma_wait3A_1241 : memref<507904x128xf32, #tpu.memory_space<hbm>>) dst(%dma_wait3A_1235 : memref<128x128xf32, #tpu.memory_space<vmem>>)
    %add3A_1244 = arith.constant 2176 : i32
    %add3A_1245 = arith.addi %mul3A_2, %add3A_1244 : i32
    %dma_start3A_1246 = arith.constant 5 : i32
    %dma_start3A_1247 = arith.constant 5 : i32
    %dma_start3A_1248 = arith.constant 0 : i32
    %dma_start3A_1249 = arith.constant 0 : i32
    %dma_start3A_1250 = tpu.memref_slice %arg6[%dma_start3A_1246, %dma_start3A_1248, %dma_start3A_1249] : memref<6x128x128xf32, #tpu.memory_space<vmem>> -> memref<1x128x128xf32, #tpu.memory_space<vmem>>
    %dma_start3A_1251 = tpu.memref_squeeze %dma_start3A_1250 : memref<1x128x128xf32, #tpu.memory_space<vmem>> -> memref<128x128xf32, #tpu.memory_space<vmem>>
    %dma_start3A_1252 = arith.constant 0 : i32
    %dma_start3A_1253 = tpu.memref_slice %arg4[%add3A_1245, %dma_start3A_1252] : memref<106496x128xf32, #tpu.memory_space<hbm>> -> memref<128x128xf32, #tpu.memory_space<hbm>>
    %dma_start3A_1254 = tpu.memref_slice %arg9[%dma_start3A_1247] : memref<6x!tpu.dma_semaphore, #tpu.memory_space<semaphore_mem>> -> memref<1x!tpu.dma_semaphore, #tpu.memory_space<semaphore_mem>>
    %dma_start3A_1255 = tpu.memref_squeeze %dma_start3A_1254 : memref<1x!tpu.dma_semaphore, #tpu.memory_space<semaphore_mem>> -> memref<!tpu.dma_semaphore, #tpu.memory_space<semaphore_mem>>
    %dma_start3A_1256 = arith.constant 0 : i32
    %dma_start3A_1257 = tpu.memref_slice %arg4[%add3A_1245, %dma_start3A_1256] : memref<106496x128xf32, #tpu.memory_space<hbm>> -> memref<128x128xf32, #tpu.memory_space<hbm>>
    %dma_start3A_1258 = arith.constant 0 : i32
    %dma_start3A_1259 = arith.constant 0 : i32
    %dma_start3A_1260 = tpu.memref_slice %arg6[%dma_start3A_1246, %dma_start3A_1258, %dma_start3A_1259] : memref<6x128x128xf32, #tpu.memory_space<vmem>> -> memref<1x128x128xf32, #tpu.memory_space<vmem>>
    %dma_start3A_1261 = tpu.memref_squeeze %dma_start3A_1260 : memref<1x128x128xf32, #tpu.memory_space<vmem>> -> memref<128x128xf32, #tpu.memory_space<vmem>>
    tpu.enqueue_dma source(%dma_start3A_1261 : memref<128x128xf32, #tpu.memory_space<vmem>>) target(%dma_start3A_1257 : memref<128x128xf32, #tpu.memory_space<hbm>>) target_semaphore(%dma_start3A_1255 : memref<!tpu.dma_semaphore, #tpu.memory_space<semaphore_mem>>)
    %add3A_1262 = arith.constant 2176 : i32
    %add3A_1263 = arith.addi %mul3A_2, %add3A_1262 : i32
    %dma_wait3A_1264 = arith.constant 5 : i32
    %dma_wait3A_1265 = arith.constant 5 : i32
    %dma_wait3A_1266 = arith.constant 0 : i32
    %dma_wait3A_1267 = arith.constant 0 : i32
    %dma_wait3A_1268 = tpu.memref_slice %arg6[%dma_wait3A_1264, %dma_wait3A_1266, %dma_wait3A_1267] : memref<6x128x128xf32, #tpu.memory_space<vmem>> -> memref<1x128x128xf32, #tpu.memory_space<vmem>>
    %dma_wait3A_1269 = tpu.memref_squeeze %dma_wait3A_1268 : memref<1x128x128xf32, #tpu.memory_space<vmem>> -> memref<128x128xf32, #tpu.memory_space<vmem>>
    %dma_wait3A_1270 = arith.constant 0 : i32
    %dma_wait3A_1271 = tpu.memref_slice %arg4[%add3A_1263, %dma_wait3A_1270] : memref<106496x128xf32, #tpu.memory_space<hbm>> -> memref<128x128xf32, #tpu.memory_space<hbm>>
    %dma_wait3A_1272 = tpu.memref_slice %arg9[%dma_wait3A_1265] : memref<6x!tpu.dma_semaphore, #tpu.memory_space<semaphore_mem>> -> memref<1x!tpu.dma_semaphore, #tpu.memory_space<semaphore_mem>>
    %dma_wait3A_1273 = tpu.memref_squeeze %dma_wait3A_1272 : memref<1x!tpu.dma_semaphore, #tpu.memory_space<semaphore_mem>> -> memref<!tpu.dma_semaphore, #tpu.memory_space<semaphore_mem>>
    %dma_wait3A_1274 = arith.constant 0 : i32
    %dma_wait3A_1275 = tpu.memref_slice %arg4[%add3A_1263, %dma_wait3A_1274] : memref<106496x128xf32, #tpu.memory_space<hbm>> -> memref<128x128xf32, #tpu.memory_space<hbm>>
    %dma_wait3A_1276 = arith.constant 0 : i32
    %dma_wait3A_1277 = arith.constant 0 : i32
    %dma_wait3A_1278 = tpu.memref_slice %arg6[%dma_wait3A_1264, %dma_wait3A_1276, %dma_wait3A_1277] : memref<6x128x128xf32, #tpu.memory_space<vmem>> -> memref<1x128x128xf32, #tpu.memory_space<vmem>>
    %dma_wait3A_1279 = tpu.memref_squeeze %dma_wait3A_1278 : memref<1x128x128xf32, #tpu.memory_space<vmem>> -> memref<128x128xf32, #tpu.memory_space<vmem>>
    tpu.wait_dma2 semaphore(%dma_wait3A_1273 : memref<!tpu.dma_semaphore, #tpu.memory_space<semaphore_mem>>) src(%dma_wait3A_1279 : memref<128x128xf32, #tpu.memory_space<vmem>>) dst(%dma_wait3A_1275 : memref<128x128xf32, #tpu.memory_space<hbm>>)
    %dma_start3A_1280 = arith.constant 23 : i32
    %dma_start3A_1281 = arith.constant 5 : i32
    %dma_start3A_1282 = arith.constant 5 : i32
    %dma_start3A_1283 = arith.constant 0 : i32
    %dma_start3A_1284 = arith.constant 0 : i32
    %dma_start3A_1285 = tpu.memref_slice %arg6[%dma_start3A_1281, %dma_start3A_1283, %dma_start3A_1284] : memref<6x128x128xf32, #tpu.memory_space<vmem>> -> memref<1x128x128xf32, #tpu.memory_space<vmem>>
    %dma_start3A_1286 = tpu.memref_squeeze %dma_start3A_1285 : memref<1x128x128xf32, #tpu.memory_space<vmem>> -> memref<128x128xf32, #tpu.memory_space<vmem>>
    %dma_start3A_1287 = arith.constant 0 : i32
    %dma_start3A_1288 = tpu.memref_slice %arg5[%dma_start3A_1280, %dma_start3A_1287] : memref<26x128xi32, #tpu.memory_space<vmem>> -> memref<1x128xi32, #tpu.memory_space<vmem>>
    %dma_start3A_1289 = tpu.memref_squeeze %dma_start3A_1288 : memref<1x128xi32, #tpu.memory_space<vmem>> -> memref<128xi32, #tpu.memory_space<vmem>>
    %dma_start3A_1290 = arith.constant 0 : i32
    %dma_start3A_1291 = arith.constant 0 : i32
    %dma_start3A_1292 = tpu.memref_slice %arg2[%dma_start3A_1290, %dma_start3A_1291] : memref<507904x128xf32, #tpu.memory_space<hbm>> -> memref<507904x128xf32, #tpu.memory_space<hbm>>
    %dma_start3A_1293 = tpu.memref_slice %arg8[%dma_start3A_1282] : memref<6x!tpu.dma_semaphore, #tpu.memory_space<semaphore_mem>> -> memref<1x!tpu.dma_semaphore, #tpu.memory_space<semaphore_mem>>
    %dma_start3A_1294 = tpu.memref_squeeze %dma_start3A_1293 : memref<1x!tpu.dma_semaphore, #tpu.memory_space<semaphore_mem>> -> memref<!tpu.dma_semaphore, #tpu.memory_space<semaphore_mem>>
    tpu.enqueue_indirect_dma source(%dma_start3A_1292 : memref<507904x128xf32, #tpu.memory_space<hbm>>) target(%dma_start3A_1286 : memref<128x128xf32, #tpu.memory_space<vmem>>) offsets(%dma_start3A_1289 : memref<128xi32, #tpu.memory_space<vmem>>) semaphore(%dma_start3A_1294 : memref<!tpu.dma_semaphore, #tpu.memory_space<semaphore_mem>>)
    %dma_wait3A_1295 = arith.constant 18 : i32
    %dma_wait3A_1296 = arith.constant 0 : i32
    %dma_wait3A_1297 = arith.constant 0 : i32
    %dma_wait3A_1298 = arith.constant 0 : i32
    %dma_wait3A_1299 = arith.constant 0 : i32
    %dma_wait3A_1300 = tpu.memref_slice %arg6[%dma_wait3A_1296, %dma_wait3A_1298, %dma_wait3A_1299] : memref<6x128x128xf32, #tpu.memory_space<vmem>> -> memref<1x128x128xf32, #tpu.memory_space<vmem>>
    %dma_wait3A_1301 = tpu.memref_squeeze %dma_wait3A_1300 : memref<1x128x128xf32, #tpu.memory_space<vmem>> -> memref<128x128xf32, #tpu.memory_space<vmem>>
    %dma_wait3A_1302 = arith.constant 0 : i32
    %dma_wait3A_1303 = tpu.memref_slice %arg5[%dma_wait3A_1295, %dma_wait3A_1302] : memref<26x128xi32, #tpu.memory_space<vmem>> -> memref<1x128xi32, #tpu.memory_space<vmem>>
    %dma_wait3A_1304 = tpu.memref_squeeze %dma_wait3A_1303 : memref<1x128xi32, #tpu.memory_space<vmem>> -> memref<128xi32, #tpu.memory_space<vmem>>
    %dma_wait3A_1305 = arith.constant 0 : i32
    %dma_wait3A_1306 = arith.constant 0 : i32
    %dma_wait3A_1307 = tpu.memref_slice %arg2[%dma_wait3A_1305, %dma_wait3A_1306] : memref<507904x128xf32, #tpu.memory_space<hbm>> -> memref<507904x128xf32, #tpu.memory_space<hbm>>
    %dma_wait3A_1308 = tpu.memref_slice %arg8[%dma_wait3A_1297] : memref<6x!tpu.dma_semaphore, #tpu.memory_space<semaphore_mem>> -> memref<1x!tpu.dma_semaphore, #tpu.memory_space<semaphore_mem>>
    %dma_wait3A_1309 = tpu.memref_squeeze %dma_wait3A_1308 : memref<1x!tpu.dma_semaphore, #tpu.memory_space<semaphore_mem>> -> memref<!tpu.dma_semaphore, #tpu.memory_space<semaphore_mem>>
    tpu.wait_indirect_dma semaphore(%dma_wait3A_1309 : memref<!tpu.dma_semaphore, #tpu.memory_space<semaphore_mem>>) src(%dma_wait3A_1307 : memref<507904x128xf32, #tpu.memory_space<hbm>>) dst(%dma_wait3A_1301 : memref<128x128xf32, #tpu.memory_space<vmem>>)
    %add3A_1310 = arith.constant 2304 : i32
    %add3A_1311 = arith.addi %mul3A_2, %add3A_1310 : i32
    %dma_start3A_1312 = arith.constant 0 : i32
    %dma_start3A_1313 = arith.constant 0 : i32
    %dma_start3A_1314 = arith.constant 0 : i32
    %dma_start3A_1315 = arith.constant 0 : i32
    %dma_start3A_1316 = tpu.memref_slice %arg6[%dma_start3A_1312, %dma_start3A_1314, %dma_start3A_1315] : memref<6x128x128xf32, #tpu.memory_space<vmem>> -> memref<1x128x128xf32, #tpu.memory_space<vmem>>
    %dma_start3A_1317 = tpu.memref_squeeze %dma_start3A_1316 : memref<1x128x128xf32, #tpu.memory_space<vmem>> -> memref<128x128xf32, #tpu.memory_space<vmem>>
    %dma_start3A_1318 = arith.constant 0 : i32
    %dma_start3A_1319 = tpu.memref_slice %arg4[%add3A_1311, %dma_start3A_1318] : memref<106496x128xf32, #tpu.memory_space<hbm>> -> memref<128x128xf32, #tpu.memory_space<hbm>>
    %dma_start3A_1320 = tpu.memref_slice %arg9[%dma_start3A_1313] : memref<6x!tpu.dma_semaphore, #tpu.memory_space<semaphore_mem>> -> memref<1x!tpu.dma_semaphore, #tpu.memory_space<semaphore_mem>>
    %dma_start3A_1321 = tpu.memref_squeeze %dma_start3A_1320 : memref<1x!tpu.dma_semaphore, #tpu.memory_space<semaphore_mem>> -> memref<!tpu.dma_semaphore, #tpu.memory_space<semaphore_mem>>
    %dma_start3A_1322 = arith.constant 0 : i32
    %dma_start3A_1323 = tpu.memref_slice %arg4[%add3A_1311, %dma_start3A_1322] : memref<106496x128xf32, #tpu.memory_space<hbm>> -> memref<128x128xf32, #tpu.memory_space<hbm>>
    %dma_start3A_1324 = arith.constant 0 : i32
    %dma_start3A_1325 = arith.constant 0 : i32
    %dma_start3A_1326 = tpu.memref_slice %arg6[%dma_start3A_1312, %dma_start3A_1324, %dma_start3A_1325] : memref<6x128x128xf32, #tpu.memory_space<vmem>> -> memref<1x128x128xf32, #tpu.memory_space<vmem>>
    %dma_start3A_1327 = tpu.memref_squeeze %dma_start3A_1326 : memref<1x128x128xf32, #tpu.memory_space<vmem>> -> memref<128x128xf32, #tpu.memory_space<vmem>>
    tpu.enqueue_dma source(%dma_start3A_1327 : memref<128x128xf32, #tpu.memory_space<vmem>>) target(%dma_start3A_1323 : memref<128x128xf32, #tpu.memory_space<hbm>>) target_semaphore(%dma_start3A_1321 : memref<!tpu.dma_semaphore, #tpu.memory_space<semaphore_mem>>)
    %add3A_1328 = arith.constant 2304 : i32
    %add3A_1329 = arith.addi %mul3A_2, %add3A_1328 : i32
    %dma_wait3A_1330 = arith.constant 0 : i32
    %dma_wait3A_1331 = arith.constant 0 : i32
    %dma_wait3A_1332 = arith.constant 0 : i32
    %dma_wait3A_1333 = arith.constant 0 : i32
    %dma_wait3A_1334 = tpu.memref_slice %arg6[%dma_wait3A_1330, %dma_wait3A_1332, %dma_wait3A_1333] : memref<6x128x128xf32, #tpu.memory_space<vmem>> -> memref<1x128x128xf32, #tpu.memory_space<vmem>>
    %dma_wait3A_1335 = tpu.memref_squeeze %dma_wait3A_1334 : memref<1x128x128xf32, #tpu.memory_space<vmem>> -> memref<128x128xf32, #tpu.memory_space<vmem>>
    %dma_wait3A_1336 = arith.constant 0 : i32
    %dma_wait3A_1337 = tpu.memref_slice %arg4[%add3A_1329, %dma_wait3A_1336] : memref<106496x128xf32, #tpu.memory_space<hbm>> -> memref<128x128xf32, #tpu.memory_space<hbm>>
    %dma_wait3A_1338 = tpu.memref_slice %arg9[%dma_wait3A_1331] : memref<6x!tpu.dma_semaphore, #tpu.memory_space<semaphore_mem>> -> memref<1x!tpu.dma_semaphore, #tpu.memory_space<semaphore_mem>>
    %dma_wait3A_1339 = tpu.memref_squeeze %dma_wait3A_1338 : memref<1x!tpu.dma_semaphore, #tpu.memory_space<semaphore_mem>> -> memref<!tpu.dma_semaphore, #tpu.memory_space<semaphore_mem>>
    %dma_wait3A_1340 = arith.constant 0 : i32
    %dma_wait3A_1341 = tpu.memref_slice %arg4[%add3A_1329, %dma_wait3A_1340] : memref<106496x128xf32, #tpu.memory_space<hbm>> -> memref<128x128xf32, #tpu.memory_space<hbm>>
    %dma_wait3A_1342 = arith.constant 0 : i32
    %dma_wait3A_1343 = arith.constant 0 : i32
    %dma_wait3A_1344 = tpu.memref_slice %arg6[%dma_wait3A_1330, %dma_wait3A_1342, %dma_wait3A_1343] : memref<6x128x128xf32, #tpu.memory_space<vmem>> -> memref<1x128x128xf32, #tpu.memory_space<vmem>>
    %dma_wait3A_1345 = tpu.memref_squeeze %dma_wait3A_1344 : memref<1x128x128xf32, #tpu.memory_space<vmem>> -> memref<128x128xf32, #tpu.memory_space<vmem>>
    tpu.wait_dma2 semaphore(%dma_wait3A_1339 : memref<!tpu.dma_semaphore, #tpu.memory_space<semaphore_mem>>) src(%dma_wait3A_1345 : memref<128x128xf32, #tpu.memory_space<vmem>>) dst(%dma_wait3A_1341 : memref<128x128xf32, #tpu.memory_space<hbm>>)
    %dma_start3A_1346 = arith.constant 24 : i32
    %dma_start3A_1347 = arith.constant 0 : i32
    %dma_start3A_1348 = arith.constant 0 : i32
    %dma_start3A_1349 = arith.constant 0 : i32
    %dma_start3A_1350 = arith.constant 0 : i32
    %dma_start3A_1351 = tpu.memref_slice %arg6[%dma_start3A_1347, %dma_start3A_1349, %dma_start3A_1350] : memref<6x128x128xf32, #tpu.memory_space<vmem>> -> memref<1x128x128xf32, #tpu.memory_space<vmem>>
    %dma_start3A_1352 = tpu.memref_squeeze %dma_start3A_1351 : memref<1x128x128xf32, #tpu.memory_space<vmem>> -> memref<128x128xf32, #tpu.memory_space<vmem>>
    %dma_start3A_1353 = arith.constant 0 : i32
    %dma_start3A_1354 = tpu.memref_slice %arg5[%dma_start3A_1346, %dma_start3A_1353] : memref<26x128xi32, #tpu.memory_space<vmem>> -> memref<1x128xi32, #tpu.memory_space<vmem>>
    %dma_start3A_1355 = tpu.memref_squeeze %dma_start3A_1354 : memref<1x128xi32, #tpu.memory_space<vmem>> -> memref<128xi32, #tpu.memory_space<vmem>>
    %dma_start3A_1356 = arith.constant 0 : i32
    %dma_start3A_1357 = arith.constant 0 : i32
    %dma_start3A_1358 = tpu.memref_slice %arg2[%dma_start3A_1356, %dma_start3A_1357] : memref<507904x128xf32, #tpu.memory_space<hbm>> -> memref<507904x128xf32, #tpu.memory_space<hbm>>
    %dma_start3A_1359 = tpu.memref_slice %arg8[%dma_start3A_1348] : memref<6x!tpu.dma_semaphore, #tpu.memory_space<semaphore_mem>> -> memref<1x!tpu.dma_semaphore, #tpu.memory_space<semaphore_mem>>
    %dma_start3A_1360 = tpu.memref_squeeze %dma_start3A_1359 : memref<1x!tpu.dma_semaphore, #tpu.memory_space<semaphore_mem>> -> memref<!tpu.dma_semaphore, #tpu.memory_space<semaphore_mem>>
    tpu.enqueue_indirect_dma source(%dma_start3A_1358 : memref<507904x128xf32, #tpu.memory_space<hbm>>) target(%dma_start3A_1352 : memref<128x128xf32, #tpu.memory_space<vmem>>) offsets(%dma_start3A_1355 : memref<128xi32, #tpu.memory_space<vmem>>) semaphore(%dma_start3A_1360 : memref<!tpu.dma_semaphore, #tpu.memory_space<semaphore_mem>>)
    %dma_wait3A_1361 = arith.constant 19 : i32
    %dma_wait3A_1362 = arith.constant 1 : i32
    %dma_wait3A_1363 = arith.constant 1 : i32
    %dma_wait3A_1364 = arith.constant 0 : i32
    %dma_wait3A_1365 = arith.constant 0 : i32
    %dma_wait3A_1366 = tpu.memref_slice %arg6[%dma_wait3A_1362, %dma_wait3A_1364, %dma_wait3A_1365] : memref<6x128x128xf32, #tpu.memory_space<vmem>> -> memref<1x128x128xf32, #tpu.memory_space<vmem>>
    %dma_wait3A_1367 = tpu.memref_squeeze %dma_wait3A_1366 : memref<1x128x128xf32, #tpu.memory_space<vmem>> -> memref<128x128xf32, #tpu.memory_space<vmem>>
    %dma_wait3A_1368 = arith.constant 0 : i32
    %dma_wait3A_1369 = tpu.memref_slice %arg5[%dma_wait3A_1361, %dma_wait3A_1368] : memref<26x128xi32, #tpu.memory_space<vmem>> -> memref<1x128xi32, #tpu.memory_space<vmem>>
    %dma_wait3A_1370 = tpu.memref_squeeze %dma_wait3A_1369 : memref<1x128xi32, #tpu.memory_space<vmem>> -> memref<128xi32, #tpu.memory_space<vmem>>
    %dma_wait3A_1371 = arith.constant 0 : i32
    %dma_wait3A_1372 = arith.constant 0 : i32
    %dma_wait3A_1373 = tpu.memref_slice %arg2[%dma_wait3A_1371, %dma_wait3A_1372] : memref<507904x128xf32, #tpu.memory_space<hbm>> -> memref<507904x128xf32, #tpu.memory_space<hbm>>
    %dma_wait3A_1374 = tpu.memref_slice %arg8[%dma_wait3A_1363] : memref<6x!tpu.dma_semaphore, #tpu.memory_space<semaphore_mem>> -> memref<1x!tpu.dma_semaphore, #tpu.memory_space<semaphore_mem>>
    %dma_wait3A_1375 = tpu.memref_squeeze %dma_wait3A_1374 : memref<1x!tpu.dma_semaphore, #tpu.memory_space<semaphore_mem>> -> memref<!tpu.dma_semaphore, #tpu.memory_space<semaphore_mem>>
    tpu.wait_indirect_dma semaphore(%dma_wait3A_1375 : memref<!tpu.dma_semaphore, #tpu.memory_space<semaphore_mem>>) src(%dma_wait3A_1373 : memref<507904x128xf32, #tpu.memory_space<hbm>>) dst(%dma_wait3A_1367 : memref<128x128xf32, #tpu.memory_space<vmem>>)
    %add3A_1376 = arith.constant 2432 : i32
    %add3A_1377 = arith.addi %mul3A_2, %add3A_1376 : i32
    %dma_start3A_1378 = arith.constant 1 : i32
    %dma_start3A_1379 = arith.constant 1 : i32
    %dma_start3A_1380 = arith.constant 0 : i32
    %dma_start3A_1381 = arith.constant 0 : i32
    %dma_start3A_1382 = tpu.memref_slice %arg6[%dma_start3A_1378, %dma_start3A_1380, %dma_start3A_1381] : memref<6x128x128xf32, #tpu.memory_space<vmem>> -> memref<1x128x128xf32, #tpu.memory_space<vmem>>
    %dma_start3A_1383 = tpu.memref_squeeze %dma_start3A_1382 : memref<1x128x128xf32, #tpu.memory_space<vmem>> -> memref<128x128xf32, #tpu.memory_space<vmem>>
    %dma_start3A_1384 = arith.constant 0 : i32
    %dma_start3A_1385 = tpu.memref_slice %arg4[%add3A_1377, %dma_start3A_1384] : memref<106496x128xf32, #tpu.memory_space<hbm>> -> memref<128x128xf32, #tpu.memory_space<hbm>>
    %dma_start3A_1386 = tpu.memref_slice %arg9[%dma_start3A_1379] : memref<6x!tpu.dma_semaphore, #tpu.memory_space<semaphore_mem>> -> memref<1x!tpu.dma_semaphore, #tpu.memory_space<semaphore_mem>>
    %dma_start3A_1387 = tpu.memref_squeeze %dma_start3A_1386 : memref<1x!tpu.dma_semaphore, #tpu.memory_space<semaphore_mem>> -> memref<!tpu.dma_semaphore, #tpu.memory_space<semaphore_mem>>
    %dma_start3A_1388 = arith.constant 0 : i32
    %dma_start3A_1389 = tpu.memref_slice %arg4[%add3A_1377, %dma_start3A_1388] : memref<106496x128xf32, #tpu.memory_space<hbm>> -> memref<128x128xf32, #tpu.memory_space<hbm>>
    %dma_start3A_1390 = arith.constant 0 : i32
    %dma_start3A_1391 = arith.constant 0 : i32
    %dma_start3A_1392 = tpu.memref_slice %arg6[%dma_start3A_1378, %dma_start3A_1390, %dma_start3A_1391] : memref<6x128x128xf32, #tpu.memory_space<vmem>> -> memref<1x128x128xf32, #tpu.memory_space<vmem>>
    %dma_start3A_1393 = tpu.memref_squeeze %dma_start3A_1392 : memref<1x128x128xf32, #tpu.memory_space<vmem>> -> memref<128x128xf32, #tpu.memory_space<vmem>>
    tpu.enqueue_dma source(%dma_start3A_1393 : memref<128x128xf32, #tpu.memory_space<vmem>>) target(%dma_start3A_1389 : memref<128x128xf32, #tpu.memory_space<hbm>>) target_semaphore(%dma_start3A_1387 : memref<!tpu.dma_semaphore, #tpu.memory_space<semaphore_mem>>)
    %add3A_1394 = arith.constant 2432 : i32
    %add3A_1395 = arith.addi %mul3A_2, %add3A_1394 : i32
    %dma_wait3A_1396 = arith.constant 1 : i32
    %dma_wait3A_1397 = arith.constant 1 : i32
    %dma_wait3A_1398 = arith.constant 0 : i32
    %dma_wait3A_1399 = arith.constant 0 : i32
    %dma_wait3A_1400 = tpu.memref_slice %arg6[%dma_wait3A_1396, %dma_wait3A_1398, %dma_wait3A_1399] : memref<6x128x128xf32, #tpu.memory_space<vmem>> -> memref<1x128x128xf32, #tpu.memory_space<vmem>>
    %dma_wait3A_1401 = tpu.memref_squeeze %dma_wait3A_1400 : memref<1x128x128xf32, #tpu.memory_space<vmem>> -> memref<128x128xf32, #tpu.memory_space<vmem>>
    %dma_wait3A_1402 = arith.constant 0 : i32
    %dma_wait3A_1403 = tpu.memref_slice %arg4[%add3A_1395, %dma_wait3A_1402] : memref<106496x128xf32, #tpu.memory_space<hbm>> -> memref<128x128xf32, #tpu.memory_space<hbm>>
    %dma_wait3A_1404 = tpu.memref_slice %arg9[%dma_wait3A_1397] : memref<6x!tpu.dma_semaphore, #tpu.memory_space<semaphore_mem>> -> memref<1x!tpu.dma_semaphore, #tpu.memory_space<semaphore_mem>>
    %dma_wait3A_1405 = tpu.memref_squeeze %dma_wait3A_1404 : memref<1x!tpu.dma_semaphore, #tpu.memory_space<semaphore_mem>> -> memref<!tpu.dma_semaphore, #tpu.memory_space<semaphore_mem>>
    %dma_wait3A_1406 = arith.constant 0 : i32
    %dma_wait3A_1407 = tpu.memref_slice %arg4[%add3A_1395, %dma_wait3A_1406] : memref<106496x128xf32, #tpu.memory_space<hbm>> -> memref<128x128xf32, #tpu.memory_space<hbm>>
    %dma_wait3A_1408 = arith.constant 0 : i32
    %dma_wait3A_1409 = arith.constant 0 : i32
    %dma_wait3A_1410 = tpu.memref_slice %arg6[%dma_wait3A_1396, %dma_wait3A_1408, %dma_wait3A_1409] : memref<6x128x128xf32, #tpu.memory_space<vmem>> -> memref<1x128x128xf32, #tpu.memory_space<vmem>>
    %dma_wait3A_1411 = tpu.memref_squeeze %dma_wait3A_1410 : memref<1x128x128xf32, #tpu.memory_space<vmem>> -> memref<128x128xf32, #tpu.memory_space<vmem>>
    tpu.wait_dma2 semaphore(%dma_wait3A_1405 : memref<!tpu.dma_semaphore, #tpu.memory_space<semaphore_mem>>) src(%dma_wait3A_1411 : memref<128x128xf32, #tpu.memory_space<vmem>>) dst(%dma_wait3A_1407 : memref<128x128xf32, #tpu.memory_space<hbm>>)
    %dma_start3A_1412 = arith.constant 25 : i32
    %dma_start3A_1413 = arith.constant 1 : i32
    %dma_start3A_1414 = arith.constant 1 : i32
    %dma_start3A_1415 = arith.constant 0 : i32
    %dma_start3A_1416 = arith.constant 0 : i32
    %dma_start3A_1417 = tpu.memref_slice %arg6[%dma_start3A_1413, %dma_start3A_1415, %dma_start3A_1416] : memref<6x128x128xf32, #tpu.memory_space<vmem>> -> memref<1x128x128xf32, #tpu.memory_space<vmem>>
    %dma_start3A_1418 = tpu.memref_squeeze %dma_start3A_1417 : memref<1x128x128xf32, #tpu.memory_space<vmem>> -> memref<128x128xf32, #tpu.memory_space<vmem>>
    %dma_start3A_1419 = arith.constant 0 : i32
    %dma_start3A_1420 = tpu.memref_slice %arg5[%dma_start3A_1412, %dma_start3A_1419] : memref<26x128xi32, #tpu.memory_space<vmem>> -> memref<1x128xi32, #tpu.memory_space<vmem>>
    %dma_start3A_1421 = tpu.memref_squeeze %dma_start3A_1420 : memref<1x128xi32, #tpu.memory_space<vmem>> -> memref<128xi32, #tpu.memory_space<vmem>>
    %dma_start3A_1422 = arith.constant 0 : i32
    %dma_start3A_1423 = arith.constant 0 : i32
    %dma_start3A_1424 = tpu.memref_slice %arg2[%dma_start3A_1422, %dma_start3A_1423] : memref<507904x128xf32, #tpu.memory_space<hbm>> -> memref<507904x128xf32, #tpu.memory_space<hbm>>
    %dma_start3A_1425 = tpu.memref_slice %arg8[%dma_start3A_1414] : memref<6x!tpu.dma_semaphore, #tpu.memory_space<semaphore_mem>> -> memref<1x!tpu.dma_semaphore, #tpu.memory_space<semaphore_mem>>
    %dma_start3A_1426 = tpu.memref_squeeze %dma_start3A_1425 : memref<1x!tpu.dma_semaphore, #tpu.memory_space<semaphore_mem>> -> memref<!tpu.dma_semaphore, #tpu.memory_space<semaphore_mem>>
    tpu.enqueue_indirect_dma source(%dma_start3A_1424 : memref<507904x128xf32, #tpu.memory_space<hbm>>) target(%dma_start3A_1418 : memref<128x128xf32, #tpu.memory_space<vmem>>) offsets(%dma_start3A_1421 : memref<128xi32, #tpu.memory_space<vmem>>) semaphore(%dma_start3A_1426 : memref<!tpu.dma_semaphore, #tpu.memory_space<semaphore_mem>>)
    %dma_wait3A_1427 = arith.constant 20 : i32
    %dma_wait3A_1428 = arith.constant 2 : i32
    %dma_wait3A_1429 = arith.constant 2 : i32
    %dma_wait3A_1430 = arith.constant 0 : i32
    %dma_wait3A_1431 = arith.constant 0 : i32
    %dma_wait3A_1432 = tpu.memref_slice %arg6[%dma_wait3A_1428, %dma_wait3A_1430, %dma_wait3A_1431] : memref<6x128x128xf32, #tpu.memory_space<vmem>> -> memref<1x128x128xf32, #tpu.memory_space<vmem>>
    %dma_wait3A_1433 = tpu.memref_squeeze %dma_wait3A_1432 : memref<1x128x128xf32, #tpu.memory_space<vmem>> -> memref<128x128xf32, #tpu.memory_space<vmem>>
    %dma_wait3A_1434 = arith.constant 0 : i32
    %dma_wait3A_1435 = tpu.memref_slice %arg5[%dma_wait3A_1427, %dma_wait3A_1434] : memref<26x128xi32, #tpu.memory_space<vmem>> -> memref<1x128xi32, #tpu.memory_space<vmem>>
    %dma_wait3A_1436 = tpu.memref_squeeze %dma_wait3A_1435 : memref<1x128xi32, #tpu.memory_space<vmem>> -> memref<128xi32, #tpu.memory_space<vmem>>
    %dma_wait3A_1437 = arith.constant 0 : i32
    %dma_wait3A_1438 = arith.constant 0 : i32
    %dma_wait3A_1439 = tpu.memref_slice %arg2[%dma_wait3A_1437, %dma_wait3A_1438] : memref<507904x128xf32, #tpu.memory_space<hbm>> -> memref<507904x128xf32, #tpu.memory_space<hbm>>
    %dma_wait3A_1440 = tpu.memref_slice %arg8[%dma_wait3A_1429] : memref<6x!tpu.dma_semaphore, #tpu.memory_space<semaphore_mem>> -> memref<1x!tpu.dma_semaphore, #tpu.memory_space<semaphore_mem>>
    %dma_wait3A_1441 = tpu.memref_squeeze %dma_wait3A_1440 : memref<1x!tpu.dma_semaphore, #tpu.memory_space<semaphore_mem>> -> memref<!tpu.dma_semaphore, #tpu.memory_space<semaphore_mem>>
    tpu.wait_indirect_dma semaphore(%dma_wait3A_1441 : memref<!tpu.dma_semaphore, #tpu.memory_space<semaphore_mem>>) src(%dma_wait3A_1439 : memref<507904x128xf32, #tpu.memory_space<hbm>>) dst(%dma_wait3A_1433 : memref<128x128xf32, #tpu.memory_space<vmem>>)
    %add3A_1442 = arith.constant 2560 : i32
    %add3A_1443 = arith.addi %mul3A_2, %add3A_1442 : i32
    %dma_start3A_1444 = arith.constant 2 : i32
    %dma_start3A_1445 = arith.constant 2 : i32
    %dma_start3A_1446 = arith.constant 0 : i32
    %dma_start3A_1447 = arith.constant 0 : i32
    %dma_start3A_1448 = tpu.memref_slice %arg6[%dma_start3A_1444, %dma_start3A_1446, %dma_start3A_1447] : memref<6x128x128xf32, #tpu.memory_space<vmem>> -> memref<1x128x128xf32, #tpu.memory_space<vmem>>
    %dma_start3A_1449 = tpu.memref_squeeze %dma_start3A_1448 : memref<1x128x128xf32, #tpu.memory_space<vmem>> -> memref<128x128xf32, #tpu.memory_space<vmem>>
    %dma_start3A_1450 = arith.constant 0 : i32
    %dma_start3A_1451 = tpu.memref_slice %arg4[%add3A_1443, %dma_start3A_1450] : memref<106496x128xf32, #tpu.memory_space<hbm>> -> memref<128x128xf32, #tpu.memory_space<hbm>>
    %dma_start3A_1452 = tpu.memref_slice %arg9[%dma_start3A_1445] : memref<6x!tpu.dma_semaphore, #tpu.memory_space<semaphore_mem>> -> memref<1x!tpu.dma_semaphore, #tpu.memory_space<semaphore_mem>>
    %dma_start3A_1453 = tpu.memref_squeeze %dma_start3A_1452 : memref<1x!tpu.dma_semaphore, #tpu.memory_space<semaphore_mem>> -> memref<!tpu.dma_semaphore, #tpu.memory_space<semaphore_mem>>
    %dma_start3A_1454 = arith.constant 0 : i32
    %dma_start3A_1455 = tpu.memref_slice %arg4[%add3A_1443, %dma_start3A_1454] : memref<106496x128xf32, #tpu.memory_space<hbm>> -> memref<128x128xf32, #tpu.memory_space<hbm>>
    %dma_start3A_1456 = arith.constant 0 : i32
    %dma_start3A_1457 = arith.constant 0 : i32
    %dma_start3A_1458 = tpu.memref_slice %arg6[%dma_start3A_1444, %dma_start3A_1456, %dma_start3A_1457] : memref<6x128x128xf32, #tpu.memory_space<vmem>> -> memref<1x128x128xf32, #tpu.memory_space<vmem>>
    %dma_start3A_1459 = tpu.memref_squeeze %dma_start3A_1458 : memref<1x128x128xf32, #tpu.memory_space<vmem>> -> memref<128x128xf32, #tpu.memory_space<vmem>>
    tpu.enqueue_dma source(%dma_start3A_1459 : memref<128x128xf32, #tpu.memory_space<vmem>>) target(%dma_start3A_1455 : memref<128x128xf32, #tpu.memory_space<hbm>>) target_semaphore(%dma_start3A_1453 : memref<!tpu.dma_semaphore, #tpu.memory_space<semaphore_mem>>)
    %dma_wait3A_1460 = arith.constant 21 : i32
    %dma_wait3A_1461 = arith.constant 3 : i32
    %dma_wait3A_1462 = arith.constant 3 : i32
    %dma_wait3A_1463 = arith.constant 0 : i32
    %dma_wait3A_1464 = arith.constant 0 : i32
    %dma_wait3A_1465 = tpu.memref_slice %arg6[%dma_wait3A_1461, %dma_wait3A_1463, %dma_wait3A_1464] : memref<6x128x128xf32, #tpu.memory_space<vmem>> -> memref<1x128x128xf32, #tpu.memory_space<vmem>>
    %dma_wait3A_1466 = tpu.memref_squeeze %dma_wait3A_1465 : memref<1x128x128xf32, #tpu.memory_space<vmem>> -> memref<128x128xf32, #tpu.memory_space<vmem>>
    %dma_wait3A_1467 = arith.constant 0 : i32
    %dma_wait3A_1468 = tpu.memref_slice %arg5[%dma_wait3A_1460, %dma_wait3A_1467] : memref<26x128xi32, #tpu.memory_space<vmem>> -> memref<1x128xi32, #tpu.memory_space<vmem>>
    %dma_wait3A_1469 = tpu.memref_squeeze %dma_wait3A_1468 : memref<1x128xi32, #tpu.memory_space<vmem>> -> memref<128xi32, #tpu.memory_space<vmem>>
    %dma_wait3A_1470 = arith.constant 0 : i32
    %dma_wait3A_1471 = arith.constant 0 : i32
    %dma_wait3A_1472 = tpu.memref_slice %arg2[%dma_wait3A_1470, %dma_wait3A_1471] : memref<507904x128xf32, #tpu.memory_space<hbm>> -> memref<507904x128xf32, #tpu.memory_space<hbm>>
    %dma_wait3A_1473 = tpu.memref_slice %arg8[%dma_wait3A_1462] : memref<6x!tpu.dma_semaphore, #tpu.memory_space<semaphore_mem>> -> memref<1x!tpu.dma_semaphore, #tpu.memory_space<semaphore_mem>>
    %dma_wait3A_1474 = tpu.memref_squeeze %dma_wait3A_1473 : memref<1x!tpu.dma_semaphore, #tpu.memory_space<semaphore_mem>> -> memref<!tpu.dma_semaphore, #tpu.memory_space<semaphore_mem>>
    tpu.wait_indirect_dma semaphore(%dma_wait3A_1474 : memref<!tpu.dma_semaphore, #tpu.memory_space<semaphore_mem>>) src(%dma_wait3A_1472 : memref<507904x128xf32, #tpu.memory_space<hbm>>) dst(%dma_wait3A_1466 : memref<128x128xf32, #tpu.memory_space<vmem>>)
    %add3A_1475 = arith.constant 2688 : i32
    %add3A_1476 = arith.addi %mul3A_2, %add3A_1475 : i32
    %dma_start3A_1477 = arith.constant 3 : i32
    %dma_start3A_1478 = arith.constant 3 : i32
    %dma_start3A_1479 = arith.constant 0 : i32
    %dma_start3A_1480 = arith.constant 0 : i32
    %dma_start3A_1481 = tpu.memref_slice %arg6[%dma_start3A_1477, %dma_start3A_1479, %dma_start3A_1480] : memref<6x128x128xf32, #tpu.memory_space<vmem>> -> memref<1x128x128xf32, #tpu.memory_space<vmem>>
    %dma_start3A_1482 = tpu.memref_squeeze %dma_start3A_1481 : memref<1x128x128xf32, #tpu.memory_space<vmem>> -> memref<128x128xf32, #tpu.memory_space<vmem>>
    %dma_start3A_1483 = arith.constant 0 : i32
    %dma_start3A_1484 = tpu.memref_slice %arg4[%add3A_1476, %dma_start3A_1483] : memref<106496x128xf32, #tpu.memory_space<hbm>> -> memref<128x128xf32, #tpu.memory_space<hbm>>
    %dma_start3A_1485 = tpu.memref_slice %arg9[%dma_start3A_1478] : memref<6x!tpu.dma_semaphore, #tpu.memory_space<semaphore_mem>> -> memref<1x!tpu.dma_semaphore, #tpu.memory_space<semaphore_mem>>
    %dma_start3A_1486 = tpu.memref_squeeze %dma_start3A_1485 : memref<1x!tpu.dma_semaphore, #tpu.memory_space<semaphore_mem>> -> memref<!tpu.dma_semaphore, #tpu.memory_space<semaphore_mem>>
    %dma_start3A_1487 = arith.constant 0 : i32
    %dma_start3A_1488 = tpu.memref_slice %arg4[%add3A_1476, %dma_start3A_1487] : memref<106496x128xf32, #tpu.memory_space<hbm>> -> memref<128x128xf32, #tpu.memory_space<hbm>>
    %dma_start3A_1489 = arith.constant 0 : i32
    %dma_start3A_1490 = arith.constant 0 : i32
    %dma_start3A_1491 = tpu.memref_slice %arg6[%dma_start3A_1477, %dma_start3A_1489, %dma_start3A_1490] : memref<6x128x128xf32, #tpu.memory_space<vmem>> -> memref<1x128x128xf32, #tpu.memory_space<vmem>>
    %dma_start3A_1492 = tpu.memref_squeeze %dma_start3A_1491 : memref<1x128x128xf32, #tpu.memory_space<vmem>> -> memref<128x128xf32, #tpu.memory_space<vmem>>
    tpu.enqueue_dma source(%dma_start3A_1492 : memref<128x128xf32, #tpu.memory_space<vmem>>) target(%dma_start3A_1488 : memref<128x128xf32, #tpu.memory_space<hbm>>) target_semaphore(%dma_start3A_1486 : memref<!tpu.dma_semaphore, #tpu.memory_space<semaphore_mem>>)
    %dma_wait3A_1493 = arith.constant 22 : i32
    %dma_wait3A_1494 = arith.constant 4 : i32
    %dma_wait3A_1495 = arith.constant 4 : i32
    %dma_wait3A_1496 = arith.constant 0 : i32
    %dma_wait3A_1497 = arith.constant 0 : i32
    %dma_wait3A_1498 = tpu.memref_slice %arg6[%dma_wait3A_1494, %dma_wait3A_1496, %dma_wait3A_1497] : memref<6x128x128xf32, #tpu.memory_space<vmem>> -> memref<1x128x128xf32, #tpu.memory_space<vmem>>
    %dma_wait3A_1499 = tpu.memref_squeeze %dma_wait3A_1498 : memref<1x128x128xf32, #tpu.memory_space<vmem>> -> memref<128x128xf32, #tpu.memory_space<vmem>>
    %dma_wait3A_1500 = arith.constant 0 : i32
    %dma_wait3A_1501 = tpu.memref_slice %arg5[%dma_wait3A_1493, %dma_wait3A_1500] : memref<26x128xi32, #tpu.memory_space<vmem>> -> memref<1x128xi32, #tpu.memory_space<vmem>>
    %dma_wait3A_1502 = tpu.memref_squeeze %dma_wait3A_1501 : memref<1x128xi32, #tpu.memory_space<vmem>> -> memref<128xi32, #tpu.memory_space<vmem>>
    %dma_wait3A_1503 = arith.constant 0 : i32
    %dma_wait3A_1504 = arith.constant 0 : i32
    %dma_wait3A_1505 = tpu.memref_slice %arg2[%dma_wait3A_1503, %dma_wait3A_1504] : memref<507904x128xf32, #tpu.memory_space<hbm>> -> memref<507904x128xf32, #tpu.memory_space<hbm>>
    %dma_wait3A_1506 = tpu.memref_slice %arg8[%dma_wait3A_1495] : memref<6x!tpu.dma_semaphore, #tpu.memory_space<semaphore_mem>> -> memref<1x!tpu.dma_semaphore, #tpu.memory_space<semaphore_mem>>
    %dma_wait3A_1507 = tpu.memref_squeeze %dma_wait3A_1506 : memref<1x!tpu.dma_semaphore, #tpu.memory_space<semaphore_mem>> -> memref<!tpu.dma_semaphore, #tpu.memory_space<semaphore_mem>>
    tpu.wait_indirect_dma semaphore(%dma_wait3A_1507 : memref<!tpu.dma_semaphore, #tpu.memory_space<semaphore_mem>>) src(%dma_wait3A_1505 : memref<507904x128xf32, #tpu.memory_space<hbm>>) dst(%dma_wait3A_1499 : memref<128x128xf32, #tpu.memory_space<vmem>>)
    %add3A_1508 = arith.constant 2816 : i32
    %add3A_1509 = arith.addi %mul3A_2, %add3A_1508 : i32
    %dma_start3A_1510 = arith.constant 4 : i32
    %dma_start3A_1511 = arith.constant 4 : i32
    %dma_start3A_1512 = arith.constant 0 : i32
    %dma_start3A_1513 = arith.constant 0 : i32
    %dma_start3A_1514 = tpu.memref_slice %arg6[%dma_start3A_1510, %dma_start3A_1512, %dma_start3A_1513] : memref<6x128x128xf32, #tpu.memory_space<vmem>> -> memref<1x128x128xf32, #tpu.memory_space<vmem>>
    %dma_start3A_1515 = tpu.memref_squeeze %dma_start3A_1514 : memref<1x128x128xf32, #tpu.memory_space<vmem>> -> memref<128x128xf32, #tpu.memory_space<vmem>>
    %dma_start3A_1516 = arith.constant 0 : i32
    %dma_start3A_1517 = tpu.memref_slice %arg4[%add3A_1509, %dma_start3A_1516] : memref<106496x128xf32, #tpu.memory_space<hbm>> -> memref<128x128xf32, #tpu.memory_space<hbm>>
    %dma_start3A_1518 = tpu.memref_slice %arg9[%dma_start3A_1511] : memref<6x!tpu.dma_semaphore, #tpu.memory_space<semaphore_mem>> -> memref<1x!tpu.dma_semaphore, #tpu.memory_space<semaphore_mem>>
    %dma_start3A_1519 = tpu.memref_squeeze %dma_start3A_1518 : memref<1x!tpu.dma_semaphore, #tpu.memory_space<semaphore_mem>> -> memref<!tpu.dma_semaphore, #tpu.memory_space<semaphore_mem>>
    %dma_start3A_1520 = arith.constant 0 : i32
    %dma_start3A_1521 = tpu.memref_slice %arg4[%add3A_1509, %dma_start3A_1520] : memref<106496x128xf32, #tpu.memory_space<hbm>> -> memref<128x128xf32, #tpu.memory_space<hbm>>
    %dma_start3A_1522 = arith.constant 0 : i32
    %dma_start3A_1523 = arith.constant 0 : i32
    %dma_start3A_1524 = tpu.memref_slice %arg6[%dma_start3A_1510, %dma_start3A_1522, %dma_start3A_1523] : memref<6x128x128xf32, #tpu.memory_space<vmem>> -> memref<1x128x128xf32, #tpu.memory_space<vmem>>
    %dma_start3A_1525 = tpu.memref_squeeze %dma_start3A_1524 : memref<1x128x128xf32, #tpu.memory_space<vmem>> -> memref<128x128xf32, #tpu.memory_space<vmem>>
    tpu.enqueue_dma source(%dma_start3A_1525 : memref<128x128xf32, #tpu.memory_space<vmem>>) target(%dma_start3A_1521 : memref<128x128xf32, #tpu.memory_space<hbm>>) target_semaphore(%dma_start3A_1519 : memref<!tpu.dma_semaphore, #tpu.memory_space<semaphore_mem>>)
    %dma_wait3A_1526 = arith.constant 23 : i32
    %dma_wait3A_1527 = arith.constant 5 : i32
    %dma_wait3A_1528 = arith.constant 5 : i32
    %dma_wait3A_1529 = arith.constant 0 : i32
    %dma_wait3A_1530 = arith.constant 0 : i32
    %dma_wait3A_1531 = tpu.memref_slice %arg6[%dma_wait3A_1527, %dma_wait3A_1529, %dma_wait3A_1530] : memref<6x128x128xf32, #tpu.memory_space<vmem>> -> memref<1x128x128xf32, #tpu.memory_space<vmem>>
    %dma_wait3A_1532 = tpu.memref_squeeze %dma_wait3A_1531 : memref<1x128x128xf32, #tpu.memory_space<vmem>> -> memref<128x128xf32, #tpu.memory_space<vmem>>
    %dma_wait3A_1533 = arith.constant 0 : i32
    %dma_wait3A_1534 = tpu.memref_slice %arg5[%dma_wait3A_1526, %dma_wait3A_1533] : memref<26x128xi32, #tpu.memory_space<vmem>> -> memref<1x128xi32, #tpu.memory_space<vmem>>
    %dma_wait3A_1535 = tpu.memref_squeeze %dma_wait3A_1534 : memref<1x128xi32, #tpu.memory_space<vmem>> -> memref<128xi32, #tpu.memory_space<vmem>>
    %dma_wait3A_1536 = arith.constant 0 : i32
    %dma_wait3A_1537 = arith.constant 0 : i32
    %dma_wait3A_1538 = tpu.memref_slice %arg2[%dma_wait3A_1536, %dma_wait3A_1537] : memref<507904x128xf32, #tpu.memory_space<hbm>> -> memref<507904x128xf32, #tpu.memory_space<hbm>>
    %dma_wait3A_1539 = tpu.memref_slice %arg8[%dma_wait3A_1528] : memref<6x!tpu.dma_semaphore, #tpu.memory_space<semaphore_mem>> -> memref<1x!tpu.dma_semaphore, #tpu.memory_space<semaphore_mem>>
    %dma_wait3A_1540 = tpu.memref_squeeze %dma_wait3A_1539 : memref<1x!tpu.dma_semaphore, #tpu.memory_space<semaphore_mem>> -> memref<!tpu.dma_semaphore, #tpu.memory_space<semaphore_mem>>
    tpu.wait_indirect_dma semaphore(%dma_wait3A_1540 : memref<!tpu.dma_semaphore, #tpu.memory_space<semaphore_mem>>) src(%dma_wait3A_1538 : memref<507904x128xf32, #tpu.memory_space<hbm>>) dst(%dma_wait3A_1532 : memref<128x128xf32, #tpu.memory_space<vmem>>)
    %add3A_1541 = arith.constant 2944 : i32
    %add3A_1542 = arith.addi %mul3A_2, %add3A_1541 : i32
    %dma_start3A_1543 = arith.constant 5 : i32
    %dma_start3A_1544 = arith.constant 5 : i32
    %dma_start3A_1545 = arith.constant 0 : i32
    %dma_start3A_1546 = arith.constant 0 : i32
    %dma_start3A_1547 = tpu.memref_slice %arg6[%dma_start3A_1543, %dma_start3A_1545, %dma_start3A_1546] : memref<6x128x128xf32, #tpu.memory_space<vmem>> -> memref<1x128x128xf32, #tpu.memory_space<vmem>>
    %dma_start3A_1548 = tpu.memref_squeeze %dma_start3A_1547 : memref<1x128x128xf32, #tpu.memory_space<vmem>> -> memref<128x128xf32, #tpu.memory_space<vmem>>
    %dma_start3A_1549 = arith.constant 0 : i32
    %dma_start3A_1550 = tpu.memref_slice %arg4[%add3A_1542, %dma_start3A_1549] : memref<106496x128xf32, #tpu.memory_space<hbm>> -> memref<128x128xf32, #tpu.memory_space<hbm>>
    %dma_start3A_1551 = tpu.memref_slice %arg9[%dma_start3A_1544] : memref<6x!tpu.dma_semaphore, #tpu.memory_space<semaphore_mem>> -> memref<1x!tpu.dma_semaphore, #tpu.memory_space<semaphore_mem>>
    %dma_start3A_1552 = tpu.memref_squeeze %dma_start3A_1551 : memref<1x!tpu.dma_semaphore, #tpu.memory_space<semaphore_mem>> -> memref<!tpu.dma_semaphore, #tpu.memory_space<semaphore_mem>>
    %dma_start3A_1553 = arith.constant 0 : i32
    %dma_start3A_1554 = tpu.memref_slice %arg4[%add3A_1542, %dma_start3A_1553] : memref<106496x128xf32, #tpu.memory_space<hbm>> -> memref<128x128xf32, #tpu.memory_space<hbm>>
    %dma_start3A_1555 = arith.constant 0 : i32
    %dma_start3A_1556 = arith.constant 0 : i32
    %dma_start3A_1557 = tpu.memref_slice %arg6[%dma_start3A_1543, %dma_start3A_1555, %dma_start3A_1556] : memref<6x128x128xf32, #tpu.memory_space<vmem>> -> memref<1x128x128xf32, #tpu.memory_space<vmem>>
    %dma_start3A_1558 = tpu.memref_squeeze %dma_start3A_1557 : memref<1x128x128xf32, #tpu.memory_space<vmem>> -> memref<128x128xf32, #tpu.memory_space<vmem>>
    tpu.enqueue_dma source(%dma_start3A_1558 : memref<128x128xf32, #tpu.memory_space<vmem>>) target(%dma_start3A_1554 : memref<128x128xf32, #tpu.memory_space<hbm>>) target_semaphore(%dma_start3A_1552 : memref<!tpu.dma_semaphore, #tpu.memory_space<semaphore_mem>>)
    %dma_wait3A_1559 = arith.constant 24 : i32
    %dma_wait3A_1560 = arith.constant 0 : i32
    %dma_wait3A_1561 = arith.constant 0 : i32
    %dma_wait3A_1562 = arith.constant 0 : i32
    %dma_wait3A_1563 = arith.constant 0 : i32
    %dma_wait3A_1564 = tpu.memref_slice %arg6[%dma_wait3A_1560, %dma_wait3A_1562, %dma_wait3A_1563] : memref<6x128x128xf32, #tpu.memory_space<vmem>> -> memref<1x128x128xf32, #tpu.memory_space<vmem>>
    %dma_wait3A_1565 = tpu.memref_squeeze %dma_wait3A_1564 : memref<1x128x128xf32, #tpu.memory_space<vmem>> -> memref<128x128xf32, #tpu.memory_space<vmem>>
    %dma_wait3A_1566 = arith.constant 0 : i32
    %dma_wait3A_1567 = tpu.memref_slice %arg5[%dma_wait3A_1559, %dma_wait3A_1566] : memref<26x128xi32, #tpu.memory_space<vmem>> -> memref<1x128xi32, #tpu.memory_space<vmem>>
    %dma_wait3A_1568 = tpu.memref_squeeze %dma_wait3A_1567 : memref<1x128xi32, #tpu.memory_space<vmem>> -> memref<128xi32, #tpu.memory_space<vmem>>
    %dma_wait3A_1569 = arith.constant 0 : i32
    %dma_wait3A_1570 = arith.constant 0 : i32
    %dma_wait3A_1571 = tpu.memref_slice %arg2[%dma_wait3A_1569, %dma_wait3A_1570] : memref<507904x128xf32, #tpu.memory_space<hbm>> -> memref<507904x128xf32, #tpu.memory_space<hbm>>
    %dma_wait3A_1572 = tpu.memref_slice %arg8[%dma_wait3A_1561] : memref<6x!tpu.dma_semaphore, #tpu.memory_space<semaphore_mem>> -> memref<1x!tpu.dma_semaphore, #tpu.memory_space<semaphore_mem>>
    %dma_wait3A_1573 = tpu.memref_squeeze %dma_wait3A_1572 : memref<1x!tpu.dma_semaphore, #tpu.memory_space<semaphore_mem>> -> memref<!tpu.dma_semaphore, #tpu.memory_space<semaphore_mem>>
    tpu.wait_indirect_dma semaphore(%dma_wait3A_1573 : memref<!tpu.dma_semaphore, #tpu.memory_space<semaphore_mem>>) src(%dma_wait3A_1571 : memref<507904x128xf32, #tpu.memory_space<hbm>>) dst(%dma_wait3A_1565 : memref<128x128xf32, #tpu.memory_space<vmem>>)
    %add3A_1574 = arith.constant 3072 : i32
    %add3A_1575 = arith.addi %mul3A_2, %add3A_1574 : i32
    %dma_start3A_1576 = arith.constant 0 : i32
    %dma_start3A_1577 = arith.constant 0 : i32
    %dma_start3A_1578 = arith.constant 0 : i32
    %dma_start3A_1579 = arith.constant 0 : i32
    %dma_start3A_1580 = tpu.memref_slice %arg6[%dma_start3A_1576, %dma_start3A_1578, %dma_start3A_1579] : memref<6x128x128xf32, #tpu.memory_space<vmem>> -> memref<1x128x128xf32, #tpu.memory_space<vmem>>
    %dma_start3A_1581 = tpu.memref_squeeze %dma_start3A_1580 : memref<1x128x128xf32, #tpu.memory_space<vmem>> -> memref<128x128xf32, #tpu.memory_space<vmem>>
    %dma_start3A_1582 = arith.constant 0 : i32
    %dma_start3A_1583 = tpu.memref_slice %arg4[%add3A_1575, %dma_start3A_1582] : memref<106496x128xf32, #tpu.memory_space<hbm>> -> memref<128x128xf32, #tpu.memory_space<hbm>>
    %dma_start3A_1584 = tpu.memref_slice %arg9[%dma_start3A_1577] : memref<6x!tpu.dma_semaphore, #tpu.memory_space<semaphore_mem>> -> memref<1x!tpu.dma_semaphore, #tpu.memory_space<semaphore_mem>>
    %dma_start3A_1585 = tpu.memref_squeeze %dma_start3A_1584 : memref<1x!tpu.dma_semaphore, #tpu.memory_space<semaphore_mem>> -> memref<!tpu.dma_semaphore, #tpu.memory_space<semaphore_mem>>
    %dma_start3A_1586 = arith.constant 0 : i32
    %dma_start3A_1587 = tpu.memref_slice %arg4[%add3A_1575, %dma_start3A_1586] : memref<106496x128xf32, #tpu.memory_space<hbm>> -> memref<128x128xf32, #tpu.memory_space<hbm>>
    %dma_start3A_1588 = arith.constant 0 : i32
    %dma_start3A_1589 = arith.constant 0 : i32
    %dma_start3A_1590 = tpu.memref_slice %arg6[%dma_start3A_1576, %dma_start3A_1588, %dma_start3A_1589] : memref<6x128x128xf32, #tpu.memory_space<vmem>> -> memref<1x128x128xf32, #tpu.memory_space<vmem>>
    %dma_start3A_1591 = tpu.memref_squeeze %dma_start3A_1590 : memref<1x128x128xf32, #tpu.memory_space<vmem>> -> memref<128x128xf32, #tpu.memory_space<vmem>>
    tpu.enqueue_dma source(%dma_start3A_1591 : memref<128x128xf32, #tpu.memory_space<vmem>>) target(%dma_start3A_1587 : memref<128x128xf32, #tpu.memory_space<hbm>>) target_semaphore(%dma_start3A_1585 : memref<!tpu.dma_semaphore, #tpu.memory_space<semaphore_mem>>)
    %dma_wait3A_1592 = arith.constant 25 : i32
    %dma_wait3A_1593 = arith.constant 1 : i32
    %dma_wait3A_1594 = arith.constant 1 : i32
    %dma_wait3A_1595 = arith.constant 0 : i32
    %dma_wait3A_1596 = arith.constant 0 : i32
    %dma_wait3A_1597 = tpu.memref_slice %arg6[%dma_wait3A_1593, %dma_wait3A_1595, %dma_wait3A_1596] : memref<6x128x128xf32, #tpu.memory_space<vmem>> -> memref<1x128x128xf32, #tpu.memory_space<vmem>>
    %dma_wait3A_1598 = tpu.memref_squeeze %dma_wait3A_1597 : memref<1x128x128xf32, #tpu.memory_space<vmem>> -> memref<128x128xf32, #tpu.memory_space<vmem>>
    %dma_wait3A_1599 = arith.constant 0 : i32
    %dma_wait3A_1600 = tpu.memref_slice %arg5[%dma_wait3A_1592, %dma_wait3A_1599] : memref<26x128xi32, #tpu.memory_space<vmem>> -> memref<1x128xi32, #tpu.memory_space<vmem>>
    %dma_wait3A_1601 = tpu.memref_squeeze %dma_wait3A_1600 : memref<1x128xi32, #tpu.memory_space<vmem>> -> memref<128xi32, #tpu.memory_space<vmem>>
    %dma_wait3A_1602 = arith.constant 0 : i32
    %dma_wait3A_1603 = arith.constant 0 : i32
    %dma_wait3A_1604 = tpu.memref_slice %arg2[%dma_wait3A_1602, %dma_wait3A_1603] : memref<507904x128xf32, #tpu.memory_space<hbm>> -> memref<507904x128xf32, #tpu.memory_space<hbm>>
    %dma_wait3A_1605 = tpu.memref_slice %arg8[%dma_wait3A_1594] : memref<6x!tpu.dma_semaphore, #tpu.memory_space<semaphore_mem>> -> memref<1x!tpu.dma_semaphore, #tpu.memory_space<semaphore_mem>>
    %dma_wait3A_1606 = tpu.memref_squeeze %dma_wait3A_1605 : memref<1x!tpu.dma_semaphore, #tpu.memory_space<semaphore_mem>> -> memref<!tpu.dma_semaphore, #tpu.memory_space<semaphore_mem>>
    tpu.wait_indirect_dma semaphore(%dma_wait3A_1606 : memref<!tpu.dma_semaphore, #tpu.memory_space<semaphore_mem>>) src(%dma_wait3A_1604 : memref<507904x128xf32, #tpu.memory_space<hbm>>) dst(%dma_wait3A_1598 : memref<128x128xf32, #tpu.memory_space<vmem>>)
    %add3A_1607 = arith.constant 3200 : i32
    %add3A_1608 = arith.addi %mul3A_2, %add3A_1607 : i32
    %dma_start3A_1609 = arith.constant 1 : i32
    %dma_start3A_1610 = arith.constant 1 : i32
    %dma_start3A_1611 = arith.constant 0 : i32
    %dma_start3A_1612 = arith.constant 0 : i32
    %dma_start3A_1613 = tpu.memref_slice %arg6[%dma_start3A_1609, %dma_start3A_1611, %dma_start3A_1612] : memref<6x128x128xf32, #tpu.memory_space<vmem>> -> memref<1x128x128xf32, #tpu.memory_space<vmem>>
    %dma_start3A_1614 = tpu.memref_squeeze %dma_start3A_1613 : memref<1x128x128xf32, #tpu.memory_space<vmem>> -> memref<128x128xf32, #tpu.memory_space<vmem>>
    %dma_start3A_1615 = arith.constant 0 : i32
    %dma_start3A_1616 = tpu.memref_slice %arg4[%add3A_1608, %dma_start3A_1615] : memref<106496x128xf32, #tpu.memory_space<hbm>> -> memref<128x128xf32, #tpu.memory_space<hbm>>
    %dma_start3A_1617 = tpu.memref_slice %arg9[%dma_start3A_1610] : memref<6x!tpu.dma_semaphore, #tpu.memory_space<semaphore_mem>> -> memref<1x!tpu.dma_semaphore, #tpu.memory_space<semaphore_mem>>
    %dma_start3A_1618 = tpu.memref_squeeze %dma_start3A_1617 : memref<1x!tpu.dma_semaphore, #tpu.memory_space<semaphore_mem>> -> memref<!tpu.dma_semaphore, #tpu.memory_space<semaphore_mem>>
    %dma_start3A_1619 = arith.constant 0 : i32
    %dma_start3A_1620 = tpu.memref_slice %arg4[%add3A_1608, %dma_start3A_1619] : memref<106496x128xf32, #tpu.memory_space<hbm>> -> memref<128x128xf32, #tpu.memory_space<hbm>>
    %dma_start3A_1621 = arith.constant 0 : i32
    %dma_start3A_1622 = arith.constant 0 : i32
    %dma_start3A_1623 = tpu.memref_slice %arg6[%dma_start3A_1609, %dma_start3A_1621, %dma_start3A_1622] : memref<6x128x128xf32, #tpu.memory_space<vmem>> -> memref<1x128x128xf32, #tpu.memory_space<vmem>>
    %dma_start3A_1624 = tpu.memref_squeeze %dma_start3A_1623 : memref<1x128x128xf32, #tpu.memory_space<vmem>> -> memref<128x128xf32, #tpu.memory_space<vmem>>
    tpu.enqueue_dma source(%dma_start3A_1624 : memref<128x128xf32, #tpu.memory_space<vmem>>) target(%dma_start3A_1620 : memref<128x128xf32, #tpu.memory_space<hbm>>) target_semaphore(%dma_start3A_1618 : memref<!tpu.dma_semaphore, #tpu.memory_space<semaphore_mem>>)
    %add3A_1625 = arith.constant 2560 : i32
    %add3A_1626 = arith.addi %mul3A_2, %add3A_1625 : i32
    %dma_wait3A_1627 = arith.constant 2 : i32
    %dma_wait3A_1628 = arith.constant 2 : i32
    %dma_wait3A_1629 = arith.constant 0 : i32
    %dma_wait3A_1630 = arith.constant 0 : i32
    %dma_wait3A_1631 = tpu.memref_slice %arg6[%dma_wait3A_1627, %dma_wait3A_1629, %dma_wait3A_1630] : memref<6x128x128xf32, #tpu.memory_space<vmem>> -> memref<1x128x128xf32, #tpu.memory_space<vmem>>
    %dma_wait3A_1632 = tpu.memref_squeeze %dma_wait3A_1631 : memref<1x128x128xf32, #tpu.memory_space<vmem>> -> memref<128x128xf32, #tpu.memory_space<vmem>>
    %dma_wait3A_1633 = arith.constant 0 : i32
    %dma_wait3A_1634 = tpu.memref_slice %arg4[%add3A_1626, %dma_wait3A_1633] : memref<106496x128xf32, #tpu.memory_space<hbm>> -> memref<128x128xf32, #tpu.memory_space<hbm>>
    %dma_wait3A_1635 = tpu.memref_slice %arg9[%dma_wait3A_1628] : memref<6x!tpu.dma_semaphore, #tpu.memory_space<semaphore_mem>> -> memref<1x!tpu.dma_semaphore, #tpu.memory_space<semaphore_mem>>
    %dma_wait3A_1636 = tpu.memref_squeeze %dma_wait3A_1635 : memref<1x!tpu.dma_semaphore, #tpu.memory_space<semaphore_mem>> -> memref<!tpu.dma_semaphore, #tpu.memory_space<semaphore_mem>>
    %dma_wait3A_1637 = arith.constant 0 : i32
    %dma_wait3A_1638 = tpu.memref_slice %arg4[%add3A_1626, %dma_wait3A_1637] : memref<106496x128xf32, #tpu.memory_space<hbm>> -> memref<128x128xf32, #tpu.memory_space<hbm>>
    %dma_wait3A_1639 = arith.constant 0 : i32
    %dma_wait3A_1640 = arith.constant 0 : i32
    %dma_wait3A_1641 = tpu.memref_slice %arg6[%dma_wait3A_1627, %dma_wait3A_1639, %dma_wait3A_1640] : memref<6x128x128xf32, #tpu.memory_space<vmem>> -> memref<1x128x128xf32, #tpu.memory_space<vmem>>
    %dma_wait3A_1642 = tpu.memref_squeeze %dma_wait3A_1641 : memref<1x128x128xf32, #tpu.memory_space<vmem>> -> memref<128x128xf32, #tpu.memory_space<vmem>>
    tpu.wait_dma2 semaphore(%dma_wait3A_1636 : memref<!tpu.dma_semaphore, #tpu.memory_space<semaphore_mem>>) src(%dma_wait3A_1642 : memref<128x128xf32, #tpu.memory_space<vmem>>) dst(%dma_wait3A_1638 : memref<128x128xf32, #tpu.memory_space<hbm>>)
    %add3A_1643 = arith.constant 2688 : i32
    %add3A_1644 = arith.addi %mul3A_2, %add3A_1643 : i32
    %dma_wait3A_1645 = arith.constant 3 : i32
    %dma_wait3A_1646 = arith.constant 3 : i32
    %dma_wait3A_1647 = arith.constant 0 : i32
    %dma_wait3A_1648 = arith.constant 0 : i32
    %dma_wait3A_1649 = tpu.memref_slice %arg6[%dma_wait3A_1645, %dma_wait3A_1647, %dma_wait3A_1648] : memref<6x128x128xf32, #tpu.memory_space<vmem>> -> memref<1x128x128xf32, #tpu.memory_space<vmem>>
    %dma_wait3A_1650 = tpu.memref_squeeze %dma_wait3A_1649 : memref<1x128x128xf32, #tpu.memory_space<vmem>> -> memref<128x128xf32, #tpu.memory_space<vmem>>
    %dma_wait3A_1651 = arith.constant 0 : i32
    %dma_wait3A_1652 = tpu.memref_slice %arg4[%add3A_1644, %dma_wait3A_1651] : memref<106496x128xf32, #tpu.memory_space<hbm>> -> memref<128x128xf32, #tpu.memory_space<hbm>>
    %dma_wait3A_1653 = tpu.memref_slice %arg9[%dma_wait3A_1646] : memref<6x!tpu.dma_semaphore, #tpu.memory_space<semaphore_mem>> -> memref<1x!tpu.dma_semaphore, #tpu.memory_space<semaphore_mem>>
    %dma_wait3A_1654 = tpu.memref_squeeze %dma_wait3A_1653 : memref<1x!tpu.dma_semaphore, #tpu.memory_space<semaphore_mem>> -> memref<!tpu.dma_semaphore, #tpu.memory_space<semaphore_mem>>
    %dma_wait3A_1655 = arith.constant 0 : i32
    %dma_wait3A_1656 = tpu.memref_slice %arg4[%add3A_1644, %dma_wait3A_1655] : memref<106496x128xf32, #tpu.memory_space<hbm>> -> memref<128x128xf32, #tpu.memory_space<hbm>>
    %dma_wait3A_1657 = arith.constant 0 : i32
    %dma_wait3A_1658 = arith.constant 0 : i32
    %dma_wait3A_1659 = tpu.memref_slice %arg6[%dma_wait3A_1645, %dma_wait3A_1657, %dma_wait3A_1658] : memref<6x128x128xf32, #tpu.memory_space<vmem>> -> memref<1x128x128xf32, #tpu.memory_space<vmem>>
    %dma_wait3A_1660 = tpu.memref_squeeze %dma_wait3A_1659 : memref<1x128x128xf32, #tpu.memory_space<vmem>> -> memref<128x128xf32, #tpu.memory_space<vmem>>
    tpu.wait_dma2 semaphore(%dma_wait3A_1654 : memref<!tpu.dma_semaphore, #tpu.memory_space<semaphore_mem>>) src(%dma_wait3A_1660 : memref<128x128xf32, #tpu.memory_space<vmem>>) dst(%dma_wait3A_1656 : memref<128x128xf32, #tpu.memory_space<hbm>>)
    %add3A_1661 = arith.constant 2816 : i32
    %add3A_1662 = arith.addi %mul3A_2, %add3A_1661 : i32
    %dma_wait3A_1663 = arith.constant 4 : i32
    %dma_wait3A_1664 = arith.constant 4 : i32
    %dma_wait3A_1665 = arith.constant 0 : i32
    %dma_wait3A_1666 = arith.constant 0 : i32
    %dma_wait3A_1667 = tpu.memref_slice %arg6[%dma_wait3A_1663, %dma_wait3A_1665, %dma_wait3A_1666] : memref<6x128x128xf32, #tpu.memory_space<vmem>> -> memref<1x128x128xf32, #tpu.memory_space<vmem>>
    %dma_wait3A_1668 = tpu.memref_squeeze %dma_wait3A_1667 : memref<1x128x128xf32, #tpu.memory_space<vmem>> -> memref<128x128xf32, #tpu.memory_space<vmem>>
    %dma_wait3A_1669 = arith.constant 0 : i32
    %dma_wait3A_1670 = tpu.memref_slice %arg4[%add3A_1662, %dma_wait3A_1669] : memref<106496x128xf32, #tpu.memory_space<hbm>> -> memref<128x128xf32, #tpu.memory_space<hbm>>
    %dma_wait3A_1671 = tpu.memref_slice %arg9[%dma_wait3A_1664] : memref<6x!tpu.dma_semaphore, #tpu.memory_space<semaphore_mem>> -> memref<1x!tpu.dma_semaphore, #tpu.memory_space<semaphore_mem>>
    %dma_wait3A_1672 = tpu.memref_squeeze %dma_wait3A_1671 : memref<1x!tpu.dma_semaphore, #tpu.memory_space<semaphore_mem>> -> memref<!tpu.dma_semaphore, #tpu.memory_space<semaphore_mem>>
    %dma_wait3A_1673 = arith.constant 0 : i32
    %dma_wait3A_1674 = tpu.memref_slice %arg4[%add3A_1662, %dma_wait3A_1673] : memref<106496x128xf32, #tpu.memory_space<hbm>> -> memref<128x128xf32, #tpu.memory_space<hbm>>
    %dma_wait3A_1675 = arith.constant 0 : i32
    %dma_wait3A_1676 = arith.constant 0 : i32
    %dma_wait3A_1677 = tpu.memref_slice %arg6[%dma_wait3A_1663, %dma_wait3A_1675, %dma_wait3A_1676] : memref<6x128x128xf32, #tpu.memory_space<vmem>> -> memref<1x128x128xf32, #tpu.memory_space<vmem>>
    %dma_wait3A_1678 = tpu.memref_squeeze %dma_wait3A_1677 : memref<1x128x128xf32, #tpu.memory_space<vmem>> -> memref<128x128xf32, #tpu.memory_space<vmem>>
    tpu.wait_dma2 semaphore(%dma_wait3A_1672 : memref<!tpu.dma_semaphore, #tpu.memory_space<semaphore_mem>>) src(%dma_wait3A_1678 : memref<128x128xf32, #tpu.memory_space<vmem>>) dst(%dma_wait3A_1674 : memref<128x128xf32, #tpu.memory_space<hbm>>)
    %add3A_1679 = arith.constant 2944 : i32
    %add3A_1680 = arith.addi %mul3A_2, %add3A_1679 : i32
    %dma_wait3A_1681 = arith.constant 5 : i32
    %dma_wait3A_1682 = arith.constant 5 : i32
    %dma_wait3A_1683 = arith.constant 0 : i32
    %dma_wait3A_1684 = arith.constant 0 : i32
    %dma_wait3A_1685 = tpu.memref_slice %arg6[%dma_wait3A_1681, %dma_wait3A_1683, %dma_wait3A_1684] : memref<6x128x128xf32, #tpu.memory_space<vmem>> -> memref<1x128x128xf32, #tpu.memory_space<vmem>>
    %dma_wait3A_1686 = tpu.memref_squeeze %dma_wait3A_1685 : memref<1x128x128xf32, #tpu.memory_space<vmem>> -> memref<128x128xf32, #tpu.memory_space<vmem>>
    %dma_wait3A_1687 = arith.constant 0 : i32
    %dma_wait3A_1688 = tpu.memref_slice %arg4[%add3A_1680, %dma_wait3A_1687] : memref<106496x128xf32, #tpu.memory_space<hbm>> -> memref<128x128xf32, #tpu.memory_space<hbm>>
    %dma_wait3A_1689 = tpu.memref_slice %arg9[%dma_wait3A_1682] : memref<6x!tpu.dma_semaphore, #tpu.memory_space<semaphore_mem>> -> memref<1x!tpu.dma_semaphore, #tpu.memory_space<semaphore_mem>>
    %dma_wait3A_1690 = tpu.memref_squeeze %dma_wait3A_1689 : memref<1x!tpu.dma_semaphore, #tpu.memory_space<semaphore_mem>> -> memref<!tpu.dma_semaphore, #tpu.memory_space<semaphore_mem>>
    %dma_wait3A_1691 = arith.constant 0 : i32
    %dma_wait3A_1692 = tpu.memref_slice %arg4[%add3A_1680, %dma_wait3A_1691] : memref<106496x128xf32, #tpu.memory_space<hbm>> -> memref<128x128xf32, #tpu.memory_space<hbm>>
    %dma_wait3A_1693 = arith.constant 0 : i32
    %dma_wait3A_1694 = arith.constant 0 : i32
    %dma_wait3A_1695 = tpu.memref_slice %arg6[%dma_wait3A_1681, %dma_wait3A_1693, %dma_wait3A_1694] : memref<6x128x128xf32, #tpu.memory_space<vmem>> -> memref<1x128x128xf32, #tpu.memory_space<vmem>>
    %dma_wait3A_1696 = tpu.memref_squeeze %dma_wait3A_1695 : memref<1x128x128xf32, #tpu.memory_space<vmem>> -> memref<128x128xf32, #tpu.memory_space<vmem>>
    tpu.wait_dma2 semaphore(%dma_wait3A_1690 : memref<!tpu.dma_semaphore, #tpu.memory_space<semaphore_mem>>) src(%dma_wait3A_1696 : memref<128x128xf32, #tpu.memory_space<vmem>>) dst(%dma_wait3A_1692 : memref<128x128xf32, #tpu.memory_space<hbm>>)
    %add3A_1697 = arith.constant 3072 : i32
    %add3A_1698 = arith.addi %mul3A_2, %add3A_1697 : i32
    %dma_wait3A_1699 = arith.constant 0 : i32
    %dma_wait3A_1700 = arith.constant 0 : i32
    %dma_wait3A_1701 = arith.constant 0 : i32
    %dma_wait3A_1702 = arith.constant 0 : i32
    %dma_wait3A_1703 = tpu.memref_slice %arg6[%dma_wait3A_1699, %dma_wait3A_1701, %dma_wait3A_1702] : memref<6x128x128xf32, #tpu.memory_space<vmem>> -> memref<1x128x128xf32, #tpu.memory_space<vmem>>
    %dma_wait3A_1704 = tpu.memref_squeeze %dma_wait3A_1703 : memref<1x128x128xf32, #tpu.memory_space<vmem>> -> memref<128x128xf32, #tpu.memory_space<vmem>>
    %dma_wait3A_1705 = arith.constant 0 : i32
    %dma_wait3A_1706 = tpu.memref_slice %arg4[%add3A_1698, %dma_wait3A_1705] : memref<106496x128xf32, #tpu.memory_space<hbm>> -> memref<128x128xf32, #tpu.memory_space<hbm>>
    %dma_wait3A_1707 = tpu.memref_slice %arg9[%dma_wait3A_1700] : memref<6x!tpu.dma_semaphore, #tpu.memory_space<semaphore_mem>> -> memref<1x!tpu.dma_semaphore, #tpu.memory_space<semaphore_mem>>
    %dma_wait3A_1708 = tpu.memref_squeeze %dma_wait3A_1707 : memref<1x!tpu.dma_semaphore, #tpu.memory_space<semaphore_mem>> -> memref<!tpu.dma_semaphore, #tpu.memory_space<semaphore_mem>>
    %dma_wait3A_1709 = arith.constant 0 : i32
    %dma_wait3A_1710 = tpu.memref_slice %arg4[%add3A_1698, %dma_wait3A_1709] : memref<106496x128xf32, #tpu.memory_space<hbm>> -> memref<128x128xf32, #tpu.memory_space<hbm>>
    %dma_wait3A_1711 = arith.constant 0 : i32
    %dma_wait3A_1712 = arith.constant 0 : i32
    %dma_wait3A_1713 = tpu.memref_slice %arg6[%dma_wait3A_1699, %dma_wait3A_1711, %dma_wait3A_1712] : memref<6x128x128xf32, #tpu.memory_space<vmem>> -> memref<1x128x128xf32, #tpu.memory_space<vmem>>
    %dma_wait3A_1714 = tpu.memref_squeeze %dma_wait3A_1713 : memref<1x128x128xf32, #tpu.memory_space<vmem>> -> memref<128x128xf32, #tpu.memory_space<vmem>>
    tpu.wait_dma2 semaphore(%dma_wait3A_1708 : memref<!tpu.dma_semaphore, #tpu.memory_space<semaphore_mem>>) src(%dma_wait3A_1714 : memref<128x128xf32, #tpu.memory_space<vmem>>) dst(%dma_wait3A_1710 : memref<128x128xf32, #tpu.memory_space<hbm>>)
    %add3A_1715 = arith.constant 3200 : i32
    %add3A_1716 = arith.addi %mul3A_2, %add3A_1715 : i32
    %dma_wait3A_1717 = arith.constant 1 : i32
    %dma_wait3A_1718 = arith.constant 1 : i32
    %dma_wait3A_1719 = arith.constant 0 : i32
    %dma_wait3A_1720 = arith.constant 0 : i32
    %dma_wait3A_1721 = tpu.memref_slice %arg6[%dma_wait3A_1717, %dma_wait3A_1719, %dma_wait3A_1720] : memref<6x128x128xf32, #tpu.memory_space<vmem>> -> memref<1x128x128xf32, #tpu.memory_space<vmem>>
    %dma_wait3A_1722 = tpu.memref_squeeze %dma_wait3A_1721 : memref<1x128x128xf32, #tpu.memory_space<vmem>> -> memref<128x128xf32, #tpu.memory_space<vmem>>
    %dma_wait3A_1723 = arith.constant 0 : i32
    %dma_wait3A_1724 = tpu.memref_slice %arg4[%add3A_1716, %dma_wait3A_1723] : memref<106496x128xf32, #tpu.memory_space<hbm>> -> memref<128x128xf32, #tpu.memory_space<hbm>>
    %dma_wait3A_1725 = tpu.memref_slice %arg9[%dma_wait3A_1718] : memref<6x!tpu.dma_semaphore, #tpu.memory_space<semaphore_mem>> -> memref<1x!tpu.dma_semaphore, #tpu.memory_space<semaphore_mem>>
    %dma_wait3A_1726 = tpu.memref_squeeze %dma_wait3A_1725 : memref<1x!tpu.dma_semaphore, #tpu.memory_space<semaphore_mem>> -> memref<!tpu.dma_semaphore, #tpu.memory_space<semaphore_mem>>
    %dma_wait3A_1727 = arith.constant 0 : i32
    %dma_wait3A_1728 = tpu.memref_slice %arg4[%add3A_1716, %dma_wait3A_1727] : memref<106496x128xf32, #tpu.memory_space<hbm>> -> memref<128x128xf32, #tpu.memory_space<hbm>>
    %dma_wait3A_1729 = arith.constant 0 : i32
    %dma_wait3A_1730 = arith.constant 0 : i32
    %dma_wait3A_1731 = tpu.memref_slice %arg6[%dma_wait3A_1717, %dma_wait3A_1729, %dma_wait3A_1730] : memref<6x128x128xf32, #tpu.memory_space<vmem>> -> memref<1x128x128xf32, #tpu.memory_space<vmem>>
    %dma_wait3A_1732 = tpu.memref_squeeze %dma_wait3A_1731 : memref<1x128x128xf32, #tpu.memory_space<vmem>> -> memref<128x128xf32, #tpu.memory_space<vmem>>
    tpu.wait_dma2 semaphore(%dma_wait3A_1726 : memref<!tpu.dma_semaphore, #tpu.memory_space<semaphore_mem>>) src(%dma_wait3A_1732 : memref<128x128xf32, #tpu.memory_space<vmem>>) dst(%dma_wait3A_1728 : memref<128x128xf32, #tpu.memory_space<hbm>>)
    return
  }
}

module attributes {stable_mosaic.version = 14 : i64} {
  func.func @_pack_body(%arg0: i32, %arg1: memref<64x8192xf32, #tpu.memory_space<vmem>>, %arg2: memref<64x8192xf32, #tpu.memory_space<vmem>>, %arg3: memref<8192x128xf32, #tpu.memory_space<vmem>>) attributes {dimension_semantics = [#tpu.dimension_semantics<parallel>], iteration_bounds = array<i64: 62>, scalar_prefetch = 0 : i64, scratch_operands = 0 : i64, tpu.core_type = #tpu.core_type<tc>, window_params = [{transform_indices = @transform_0, window_bounds = array<i64: 64, 8192>}, {transform_indices = @transform_1, window_bounds = array<i64: 64, 8192>}, {transform_indices = @transform_2, window_bounds = array<i64: 8192, 128>}]} {
    %get3A = arith.constant 0 : index
    %get3A_0 = arith.constant 0 : index
    %get3A_1 = vector.load %arg1[%get3A, %get3A_0] : memref<64x8192xf32, #tpu.memory_space<vmem>>, vector<64x1024xf32>
    %transpose3A = tpu.transpose %get3A_1, [1, 0] : vector<64x1024xf32> -> vector<1024x64xf32>
    %swap3A = arith.constant 0 : index
    %swap3A_2 = arith.constant 0 : index
    %swap3A_3 = vector.load %arg3[%swap3A, %swap3A_2] : memref<8192x128xf32, #tpu.memory_space<vmem>>, vector<1024x64xf32>
    tpu.vector_store %arg3[%swap3A, %swap3A_2], %transpose3A {strides = array<i32>} : memref<8192x128xf32, #tpu.memory_space<vmem>>, vector<1024x64xf32>,
    %get3A_4 = arith.constant 0 : index
    %get3A_5 = arith.constant 0 : index
    %get3A_6 = vector.load %arg2[%get3A_4, %get3A_5] : memref<64x8192xf32, #tpu.memory_space<vmem>>, vector<64x1024xf32>
    %transpose3A_7 = tpu.transpose %get3A_6, [1, 0] : vector<64x1024xf32> -> vector<1024x64xf32>
    %swap3A_8 = arith.constant 0 : index
    %swap3A_9 = arith.constant 64 : index
    %swap3A_10 = vector.load %arg3[%swap3A_8, %swap3A_9] : memref<8192x128xf32, #tpu.memory_space<vmem>>, vector<1024x64xf32>
    tpu.vector_store %arg3[%swap3A_8, %swap3A_9], %transpose3A_7 {strides = array<i32>} : memref<8192x128xf32, #tpu.memory_space<vmem>>, vector<1024x64xf32>,
    %get3A_11 = arith.constant 0 : index
    %get3A_12 = arith.constant 1024 : index
    %get3A_13 = vector.load %arg1[%get3A_11, %get3A_12] : memref<64x8192xf32, #tpu.memory_space<vmem>>, vector<64x1024xf32>
    %transpose3A_14 = tpu.transpose %get3A_13, [1, 0] : vector<64x1024xf32> -> vector<1024x64xf32>
    %swap3A_15 = arith.constant 1024 : index
    %swap3A_16 = arith.constant 0 : index
    %swap3A_17 = vector.load %arg3[%swap3A_15, %swap3A_16] : memref<8192x128xf32, #tpu.memory_space<vmem>>, vector<1024x64xf32>
    tpu.vector_store %arg3[%swap3A_15, %swap3A_16], %transpose3A_14 {strides = array<i32>} : memref<8192x128xf32, #tpu.memory_space<vmem>>, vector<1024x64xf32>,
    %get3A_18 = arith.constant 0 : index
    %get3A_19 = arith.constant 1024 : index
    %get3A_20 = vector.load %arg2[%get3A_18, %get3A_19] : memref<64x8192xf32, #tpu.memory_space<vmem>>, vector<64x1024xf32>
    %transpose3A_21 = tpu.transpose %get3A_20, [1, 0] : vector<64x1024xf32> -> vector<1024x64xf32>
    %swap3A_22 = arith.constant 1024 : index
    %swap3A_23 = arith.constant 64 : index
    %swap3A_24 = vector.load %arg3[%swap3A_22, %swap3A_23] : memref<8192x128xf32, #tpu.memory_space<vmem>>, vector<1024x64xf32>
    tpu.vector_store %arg3[%swap3A_22, %swap3A_23], %transpose3A_21 {strides = array<i32>} : memref<8192x128xf32, #tpu.memory_space<vmem>>, vector<1024x64xf32>,
    %get3A_25 = arith.constant 0 : index
    %get3A_26 = arith.constant 2048 : index
    %get3A_27 = vector.load %arg1[%get3A_25, %get3A_26] : memref<64x8192xf32, #tpu.memory_space<vmem>>, vector<64x1024xf32>
    %transpose3A_28 = tpu.transpose %get3A_27, [1, 0] : vector<64x1024xf32> -> vector<1024x64xf32>
    %swap3A_29 = arith.constant 2048 : index
    %swap3A_30 = arith.constant 0 : index
    %swap3A_31 = vector.load %arg3[%swap3A_29, %swap3A_30] : memref<8192x128xf32, #tpu.memory_space<vmem>>, vector<1024x64xf32>
    tpu.vector_store %arg3[%swap3A_29, %swap3A_30], %transpose3A_28 {strides = array<i32>} : memref<8192x128xf32, #tpu.memory_space<vmem>>, vector<1024x64xf32>,
    %get3A_32 = arith.constant 0 : index
    %get3A_33 = arith.constant 2048 : index
    %get3A_34 = vector.load %arg2[%get3A_32, %get3A_33] : memref<64x8192xf32, #tpu.memory_space<vmem>>, vector<64x1024xf32>
    %transpose3A_35 = tpu.transpose %get3A_34, [1, 0] : vector<64x1024xf32> -> vector<1024x64xf32>
    %swap3A_36 = arith.constant 2048 : index
    %swap3A_37 = arith.constant 64 : index
    %swap3A_38 = vector.load %arg3[%swap3A_36, %swap3A_37] : memref<8192x128xf32, #tpu.memory_space<vmem>>, vector<1024x64xf32>
    tpu.vector_store %arg3[%swap3A_36, %swap3A_37], %transpose3A_35 {strides = array<i32>} : memref<8192x128xf32, #tpu.memory_space<vmem>>, vector<1024x64xf32>,
    %get3A_39 = arith.constant 0 : index
    %get3A_40 = arith.constant 3072 : index
    %get3A_41 = vector.load %arg1[%get3A_39, %get3A_40] : memref<64x8192xf32, #tpu.memory_space<vmem>>, vector<64x1024xf32>
    %transpose3A_42 = tpu.transpose %get3A_41, [1, 0] : vector<64x1024xf32> -> vector<1024x64xf32>
    %swap3A_43 = arith.constant 3072 : index
    %swap3A_44 = arith.constant 0 : index
    %swap3A_45 = vector.load %arg3[%swap3A_43, %swap3A_44] : memref<8192x128xf32, #tpu.memory_space<vmem>>, vector<1024x64xf32>
    tpu.vector_store %arg3[%swap3A_43, %swap3A_44], %transpose3A_42 {strides = array<i32>} : memref<8192x128xf32, #tpu.memory_space<vmem>>, vector<1024x64xf32>,
    %get3A_46 = arith.constant 0 : index
    %get3A_47 = arith.constant 3072 : index
    %get3A_48 = vector.load %arg2[%get3A_46, %get3A_47] : memref<64x8192xf32, #tpu.memory_space<vmem>>, vector<64x1024xf32>
    %transpose3A_49 = tpu.transpose %get3A_48, [1, 0] : vector<64x1024xf32> -> vector<1024x64xf32>
    %swap3A_50 = arith.constant 3072 : index
    %swap3A_51 = arith.constant 64 : index
    %swap3A_52 = vector.load %arg3[%swap3A_50, %swap3A_51] : memref<8192x128xf32, #tpu.memory_space<vmem>>, vector<1024x64xf32>
    tpu.vector_store %arg3[%swap3A_50, %swap3A_51], %transpose3A_49 {strides = array<i32>} : memref<8192x128xf32, #tpu.memory_space<vmem>>, vector<1024x64xf32>,
    %get3A_53 = arith.constant 0 : index
    %get3A_54 = arith.constant 4096 : index
    %get3A_55 = vector.load %arg1[%get3A_53, %get3A_54] : memref<64x8192xf32, #tpu.memory_space<vmem>>, vector<64x1024xf32>
    %transpose3A_56 = tpu.transpose %get3A_55, [1, 0] : vector<64x1024xf32> -> vector<1024x64xf32>
    %swap3A_57 = arith.constant 4096 : index
    %swap3A_58 = arith.constant 0 : index
    %swap3A_59 = vector.load %arg3[%swap3A_57, %swap3A_58] : memref<8192x128xf32, #tpu.memory_space<vmem>>, vector<1024x64xf32>
    tpu.vector_store %arg3[%swap3A_57, %swap3A_58], %transpose3A_56 {strides = array<i32>} : memref<8192x128xf32, #tpu.memory_space<vmem>>, vector<1024x64xf32>,
    %get3A_60 = arith.constant 0 : index
    %get3A_61 = arith.constant 4096 : index
    %get3A_62 = vector.load %arg2[%get3A_60, %get3A_61] : memref<64x8192xf32, #tpu.memory_space<vmem>>, vector<64x1024xf32>
    %transpose3A_63 = tpu.transpose %get3A_62, [1, 0] : vector<64x1024xf32> -> vector<1024x64xf32>
    %swap3A_64 = arith.constant 4096 : index
    %swap3A_65 = arith.constant 64 : index
    %swap3A_66 = vector.load %arg3[%swap3A_64, %swap3A_65] : memref<8192x128xf32, #tpu.memory_space<vmem>>, vector<1024x64xf32>
    tpu.vector_store %arg3[%swap3A_64, %swap3A_65], %transpose3A_63 {strides = array<i32>} : memref<8192x128xf32, #tpu.memory_space<vmem>>, vector<1024x64xf32>,
    %get3A_67 = arith.constant 0 : index
    %get3A_68 = arith.constant 5120 : index
    %get3A_69 = vector.load %arg1[%get3A_67, %get3A_68] : memref<64x8192xf32, #tpu.memory_space<vmem>>, vector<64x1024xf32>
    %transpose3A_70 = tpu.transpose %get3A_69, [1, 0] : vector<64x1024xf32> -> vector<1024x64xf32>
    %swap3A_71 = arith.constant 5120 : index
    %swap3A_72 = arith.constant 0 : index
    %swap3A_73 = vector.load %arg3[%swap3A_71, %swap3A_72] : memref<8192x128xf32, #tpu.memory_space<vmem>>, vector<1024x64xf32>
    tpu.vector_store %arg3[%swap3A_71, %swap3A_72], %transpose3A_70 {strides = array<i32>} : memref<8192x128xf32, #tpu.memory_space<vmem>>, vector<1024x64xf32>,
    %get3A_74 = arith.constant 0 : index
    %get3A_75 = arith.constant 5120 : index
    %get3A_76 = vector.load %arg2[%get3A_74, %get3A_75] : memref<64x8192xf32, #tpu.memory_space<vmem>>, vector<64x1024xf32>
    %transpose3A_77 = tpu.transpose %get3A_76, [1, 0] : vector<64x1024xf32> -> vector<1024x64xf32>
    %swap3A_78 = arith.constant 5120 : index
    %swap3A_79 = arith.constant 64 : index
    %swap3A_80 = vector.load %arg3[%swap3A_78, %swap3A_79] : memref<8192x128xf32, #tpu.memory_space<vmem>>, vector<1024x64xf32>
    tpu.vector_store %arg3[%swap3A_78, %swap3A_79], %transpose3A_77 {strides = array<i32>} : memref<8192x128xf32, #tpu.memory_space<vmem>>, vector<1024x64xf32>,
    %get3A_81 = arith.constant 0 : index
    %get3A_82 = arith.constant 6144 : index
    %get3A_83 = vector.load %arg1[%get3A_81, %get3A_82] : memref<64x8192xf32, #tpu.memory_space<vmem>>, vector<64x1024xf32>
    %transpose3A_84 = tpu.transpose %get3A_83, [1, 0] : vector<64x1024xf32> -> vector<1024x64xf32>
    %swap3A_85 = arith.constant 6144 : index
    %swap3A_86 = arith.constant 0 : index
    %swap3A_87 = vector.load %arg3[%swap3A_85, %swap3A_86] : memref<8192x128xf32, #tpu.memory_space<vmem>>, vector<1024x64xf32>
    tpu.vector_store %arg3[%swap3A_85, %swap3A_86], %transpose3A_84 {strides = array<i32>} : memref<8192x128xf32, #tpu.memory_space<vmem>>, vector<1024x64xf32>,
    %get3A_88 = arith.constant 0 : index
    %get3A_89 = arith.constant 6144 : index
    %get3A_90 = vector.load %arg2[%get3A_88, %get3A_89] : memref<64x8192xf32, #tpu.memory_space<vmem>>, vector<64x1024xf32>
    %transpose3A_91 = tpu.transpose %get3A_90, [1, 0] : vector<64x1024xf32> -> vector<1024x64xf32>
    %swap3A_92 = arith.constant 6144 : index
    %swap3A_93 = arith.constant 64 : index
    %swap3A_94 = vector.load %arg3[%swap3A_92, %swap3A_93] : memref<8192x128xf32, #tpu.memory_space<vmem>>, vector<1024x64xf32>
    tpu.vector_store %arg3[%swap3A_92, %swap3A_93], %transpose3A_91 {strides = array<i32>} : memref<8192x128xf32, #tpu.memory_space<vmem>>, vector<1024x64xf32>,
    %get3A_95 = arith.constant 0 : index
    %get3A_96 = arith.constant 7168 : index
    %get3A_97 = vector.load %arg1[%get3A_95, %get3A_96] : memref<64x8192xf32, #tpu.memory_space<vmem>>, vector<64x1024xf32>
    %transpose3A_98 = tpu.transpose %get3A_97, [1, 0] : vector<64x1024xf32> -> vector<1024x64xf32>
    %swap3A_99 = arith.constant 7168 : index
    %swap3A_100 = arith.constant 0 : index
    %swap3A_101 = vector.load %arg3[%swap3A_99, %swap3A_100] : memref<8192x128xf32, #tpu.memory_space<vmem>>, vector<1024x64xf32>
    tpu.vector_store %arg3[%swap3A_99, %swap3A_100], %transpose3A_98 {strides = array<i32>} : memref<8192x128xf32, #tpu.memory_space<vmem>>, vector<1024x64xf32>,
    %get3A_102 = arith.constant 0 : index
    %get3A_103 = arith.constant 7168 : index
    %get3A_104 = vector.load %arg2[%get3A_102, %get3A_103] : memref<64x8192xf32, #tpu.memory_space<vmem>>, vector<64x1024xf32>
    %transpose3A_105 = tpu.transpose %get3A_104, [1, 0] : vector<64x1024xf32> -> vector<1024x64xf32>
    %swap3A_106 = arith.constant 7168 : index
    %swap3A_107 = arith.constant 64 : index
    %swap3A_108 = vector.load %arg3[%swap3A_106, %swap3A_107] : memref<8192x128xf32, #tpu.memory_space<vmem>>, vector<1024x64xf32>
    tpu.vector_store %arg3[%swap3A_106, %swap3A_107], %transpose3A_105 {strides = array<i32>} : memref<8192x128xf32, #tpu.memory_space<vmem>>, vector<1024x64xf32>,
    return
  }
  func.func @transform_0(%arg0: i32) -> (i32, i32) {
    %mul3A = arith.constant 2 : i32
    %mul3A_0 = arith.muli %mul3A, %arg0 : i32
    %c0_i32 = arith.constant 0 : i32
    %c0_i32_1 = arith.constant 0 : i32
    return %c0_i32, %mul3A_0 : i32, i32
  }
  func.func @transform_1(%arg0: i32) -> (i32, i32) {
    %mul3A = arith.constant 2 : i32
    %mul3A_0 = arith.muli %mul3A, %arg0 : i32
    %add3A = arith.constant 1 : i32
    %add3A_1 = arith.addi %mul3A_0, %add3A : i32
    %min3A = arith.constant 121 : i32
    %min3A_2 = arith.minsi %add3A_1, %min3A : i32
    %c0_i32 = arith.constant 0 : i32
    %c0_i32_3 = arith.constant 0 : i32
    return %c0_i32, %min3A_2 : i32, i32
  }
  func.func @transform_2(%arg0: i32) -> (i32, i32) {
    %c0_i32 = arith.constant 0 : i32
    %c0_i32_0 = arith.constant 0 : i32
    return %arg0, %c0_i32 : i32, i32
  }
}

module attributes {stable_mosaic.version = 14 : i64} {
  func.func @_select_body(%arg0: i32, %arg1: memref<4096x128xf32, #tpu.memory_space<vmem>>, %arg2: memref<1x1x4096xi32, #tpu.memory_space<vmem>>, %arg3: memref<1x64x4096xf32, #tpu.memory_space<vmem>>) attributes {dimension_semantics = [#tpu.dimension_semantics<parallel>], iteration_bounds = array<i64: 26>, scalar_prefetch = 0 : i64, scratch_operands = 0 : i64, tpu.core_type = #tpu.core_type<tc>, window_params = [{transform_indices = @transform_0, window_bounds = array<i64: 4096, 128>}, {transform_indices = @transform_1, window_bounds = array<i64: 1, 1, 4096>}, {transform_indices = @transform_2, window_bounds = array<i64: 1, 64, 4096>}]} {
    %get3A = arith.constant 0 : index
    %get3A_0 = arith.constant 0 : index
    %get3A_1 = vector.load %arg1[%get3A, %get3A_0] : memref<4096x128xf32, #tpu.memory_space<vmem>>, vector<4096x128xf32>
    %get3A_2 = arith.constant 0 : index
    %get3A_3 = arith.constant 0 : index
    %get3A_4 = arith.constant 0 : index
    %get3A_5 = vector.load %arg2[%get3A_2, %get3A_3, %get3A_4] : memref<1x1x4096xi32, #tpu.memory_space<vmem>>, vector<1x1x4096xi32>
    %squeeze3A = vector.shape_cast %get3A_5 : vector<1x1x4096xi32> to vector<4096xi32>
    %broadcast_in_dim3A = vector.shape_cast %squeeze3A : vector<4096xi32> to vector<4096x1xi32>
    %gt3A = arith.constant 0 : i32
    %gt3A_6 = vector.broadcast %gt3A : i32 to vector<4096x1xi32>
    %gt3A_7 = arith.cmpi sgt, %broadcast_in_dim3A, %gt3A_6 : vector<4096x1xi32>
    %slice3A = vector.extract_strided_slice %get3A_1 {offsets = [0, 64], sizes = [4096, 64], strides = [1, 1]} : vector<4096x128xf32> to vector<4096x64xf32>
    %slice3A_8 = vector.extract_strided_slice %get3A_1 {offsets = [0, 0], sizes = [4096, 64], strides = [1, 1]} : vector<4096x128xf32> to vector<4096x64xf32>
    %broadcast_in_dim3A_9 = vector.shape_cast %gt3A_7 : vector<4096x1xi1> to vector<4096x1xi1>
    %broadcast_in_dim3A_10 = vector.broadcast %broadcast_in_dim3A_9 : vector<4096x1xi1> to vector<4096x64xi1>
    %select_n3A = arith.select %broadcast_in_dim3A_10, %slice3A, %slice3A_8 : vector<4096x64xi1>, vector<4096x64xf32>
    %transpose3A = tpu.transpose %select_n3A, [1, 0] : vector<4096x64xf32> -> vector<64x4096xf32>
    %broadcast_in_dim3A_11 = vector.shape_cast %transpose3A : vector<64x4096xf32> to vector<1x64x4096xf32>
    %swap3A = arith.constant 0 : index
    %swap3A_12 = arith.constant 0 : index
    %swap3A_13 = arith.constant 0 : index
    %swap3A_14 = vector.load %arg3[%swap3A, %swap3A_12, %swap3A_13] : memref<1x64x4096xf32, #tpu.memory_space<vmem>>, vector<1x64x4096xf32>
    tpu.vector_store %arg3[%swap3A, %swap3A_12, %swap3A_13], %broadcast_in_dim3A_11 {strides = array<i32>} : memref<1x64x4096xf32, #tpu.memory_space<vmem>>, vector<1x64x4096xf32>,
    return
  }
  func.func @transform_0(%arg0: i32) -> (i32, i32) {
    %c0_i32 = arith.constant 0 : i32
    %c0_i32_0 = arith.constant 0 : i32
    return %arg0, %c0_i32 : i32, i32
  }
  func.func @transform_1(%arg0: i32) -> (i32, i32, i32) {
    %c0_i32 = arith.constant 0 : i32
    %c0_i32_0 = arith.constant 0 : i32
    %c0_i32_1 = arith.constant 0 : i32
    return %arg0, %c0_i32, %c0_i32_0 : i32, i32, i32
  }
  func.func @transform_2(%arg0: i32) -> (i32, i32, i32) {
    %c0_i32 = arith.constant 0 : i32
    %c0_i32_0 = arith.constant 0 : i32
    %c0_i32_1 = arith.constant 0 : i32
    return %arg0, %c0_i32, %c0_i32_0 : i32, i32, i32
  }
}

</mosaic_0001>

<sc_bundles>
// kernel: kernel.5.cloned.1.call-start
scs
__scs_entry_jumppad:
0x0: {  	(pc) =	sbr.rel $0x88, $3  }
0x1: {  	(tag) =	ssettag $0x0;
	lr =	simm.s32 $0x1  }
0x2: {  	[smem:$0x3F9F] =	sst lr;
	_ =	strace $0xD0000000  }
0x3: {  	_ = 	snop  }
0x4: {  	_ = 	snop  }
0x5: {  	_ = 	snop  }
0x6: {  	_ = 	snop  }
0x7: {  	_ = 	snop  }
__scs_overlays_trampoline_lowered:
0x8: {  	[smem:$0x3FAE] =	sst s0  }
0x9: {  	[smem:$0x3FAF] =	sst s1  }
0xa: {  	[smem:$0x3FB0] =	sst s2  }
0xb: {  	[smem:$0x3FB1] =	sst s3  }
0xc: {  	[smem:$0x3FB2] =	sst s4  }
0xd: {  	[smem:$0x3FB3] =	sst s5  }
0xe: {  	[smem:$0x3FB4] =	sst s6  }
0xf: {  	[smem:$0x3FB5] =	sst s7  }
0x10: {  	[smem:$0x3FB6] =	sst s8  }
0x11: {  	[smem:$0x3FB7] =	sst s9;
	s0 =	simm.s32 @!p0 $0x0  }
0x12: {  	s1 =	sld [smem:$0x3F9D];
	s0 =	simm.s32 @p0 $0x1  }
0x13: {  	[smem:$0x3FB8] =	sst s0;
	s0 =	simm.s32 @!p1 $0x0  }
0x14: {  	s2 =	sld [smem:$0x3F9C];
	s0 =	simm.s32 @p1 $0x1  }
0x15: {  	[smem:$0x3FB9] =	sst s0;
	s0 =	simm.s32 @!p2 $0x0  }
0x16: {  	s3 =	sld [smem:$0x3FDB];
	s0 =	simm.s32 @p2 $0x1  }
0x17: {  	s4 =	simm.s32 $0x1BF5;
	[smem:$0x3FBB] =	sst s0  }
0x18: {  	s0 =	sld [smem:$0x3F9E];
	_ =	swait.ge [sflag:s4], $0x0  }
0x19: {  	s7 =	sld [smem:$0x3F9F]  }
0x1a: {  	s8 =	sadd.s32 $0xFFFFE003, lr  }
0x1b: {  	s9 =	sadd.s32 $0xFFFFFEF7, lr;
	s5 =	simm.s32 $0xFFFFFFFF;
	p2 =	slt.u32 s8, $0xFFFFF086  }
0x1c: {  	p1 =	slt.u32 s9, $0xF7A;
	s5 =	simm.s32 @!p2 $0x0  }
0x1d: {  	s5 =	simm.s32 @p1 $0x1;
	p0 =	seq.s32 s7, s2  }
0x1e: {  	s7 =	smul.u32 @!p0 $0xF7A, s2;
	p2 =	seq.s32 @!p0 s5, $0x0  }
0x1f: {  	s9 =	smul.u32 $0xF7A, s1;
	s8 =	simm.s32 @!p0 $0x1BF5;
	p2 =	por !p2, p0  }
0x20: {  	[sflag:s8] =	ssyncset.s32 @!p0 $0xFFFFF086;
	s6 =	sadd.s32 @!p0 s3, s7;
	s7 =	simm.s32 @!p0 $0x108  }
0x21: {  	s3 =	sadd.s32 s3, s9;
	s6 =	sadd.s32 @!p0 $0x88, s6;
	s7 =	simm.s32 @p2 $0x1082  }
0x22: {  	[simem:s7], [sflag:s8] =	dma.local @!p0 [hbm:s6], $0xF7A  }
0x23: {  	s9 =	sor.u32 $0xD0000000, s2;
	s6 =	simm.s32 $0x108;
	_ =	swait.ge @!p0 [sflag:s8], $0x0  }
0x24: {  	s3 =	sadd.s32 $0x88, s3;
	s6 =	simm.s32 @!p1 $0x1082;
	[sflag:s4] =	ssyncset.s32 $0xFFFFF086  }
0x25: {  	[simem:s6], [sflag:s4] =	dma.local [hbm:s3], $0xF7A  }
0x26: {  	[smem:$0x3F9F] =	sst s1;
	(tag) =	ssettag s2;
	_ =	strace s9  }
0x27: {  	s1 =	sld [smem:$0x3FAF]  }
0x28: {  	s2 =	sld [smem:$0x3FB0]  }
0x29: {  	s4 =	sld [smem:$0x3FB2]  }
0x2a: {  	p0 =	seq.s32 s5, $0x0;
	s5 =	sld [smem:$0x3FB3]  }
0x2b: {  	s6 =	sld [smem:$0x3FB4]  }
0x2c: {  	s7 =	sld [smem:$0x3FB5]  }
0x2d: {  	s3 =	simm.s32 $0x108;
	s8 =	sld [smem:$0x3FB6]  }
0x2e: {  	s3 =	simm.s32 @!p0 $0x1082;
	s9 =	sld [smem:$0x3FB7]  }
0x2f: {  	lr =	sadd.s32 s0, s3;
	s0 =	sld [smem:$0x3FAE]  }
0x30: {  	s3 =	sld [smem:$0x3FB1]  }
0x31: {  	[smem:$0x3FBA] =	sst s10  }
0x32: {  	s10 =	sld [smem:$0x3FB8];
	_ =	sdelay $0x3  }
0x33: {  	p0 =	seq.s32 s10, $0x1;
	s10 =	sld [smem:$0x3FBA];
	_ =	sdelay $0x3  }
0x34: {  	[smem:$0x3FBA] =	sst s10  }
0x35: {  	s10 =	sld [smem:$0x3FB9];
	_ =	sdelay $0x3  }
0x36: {  	p1 =	seq.s32 s10, $0x1;
	s10 =	sld [smem:$0x3FBA];
	_ =	sdelay $0x3  }
0x37: {  	[smem:$0x3FBA] =	sst s10  }
0x38: {  	s10 =	sld [smem:$0x3FBB]  }
0x39: {  	_ = 	snop;
	(pc) =	sbr.ind lr, $3  }
0x3a: {  	_ = 	snop  }
0x3b: {  	_ = 	snop  }
0x3c: {  	p2 =	seq.s32 s10, $0x1;
	s10 =	sld [smem:$0x3FBA]  }
0x3d: {  	_ =	shalt  }
0x3e: {  	_ =	shalt  }
0x3f: {  	_ =	shalt  }
0x40: {  	_ =	shalt  }
0x41: {  	_ =	shalt  }
0x42: {  	_ =	shalt  }
0x43: {  	_ =	shalt  }
0x44: {  	_ =	shalt  }
0x45: {  	_ =	shalt  }
0x46: {  	_ =	shalt  }
0x47: {  	_ =	shalt  }
0x48: {  	_ =	shalt  }
0x49: {  	_ =	shalt  }
0x4a: {  	_ =	shalt  }
0x4b: {  	_ =	shalt  }
0x4c: {  	_ =	shalt  }
0x4d: {  	_ =	shalt  }
0x4e: {  	_ =	shalt  }
0x4f: {  	_ =	shalt  }
0x50: {  	_ =	shalt  }
0x51: {  	_ =	shalt  }
0x52: {  	_ =	shalt  }
0x53: {  	_ =	shalt  }
0x54: {  	_ =	shalt  }
0x55: {  	_ =	shalt  }
0x56: {  	_ =	shalt  }
0x57: {  	_ =	shalt  }
0x58: {  	_ =	shalt  }
0x59: {  	_ =	shalt  }
0x5a: {  	_ =	shalt  }
0x5b: {  	_ =	shalt  }
0x5c: {  	_ =	shalt  }
0x5d: {  	_ =	shalt  }
0x5e: {  	_ =	shalt  }
0x5f: {  	_ =	shalt  }
0x60: {  	_ =	shalt  }
0x61: {  	_ =	shalt  }
0x62: {  	_ =	shalt  }
0x63: {  	_ =	shalt  }
0x64: {  	_ =	shalt  }
0x65: {  	_ =	shalt  }
0x66: {  	_ =	shalt  }
0x67: {  	_ =	shalt  }
0x68: {  	_ =	shalt  }
0x69: {  	_ =	shalt  }
0x6a: {  	_ =	shalt  }
0x6b: {  	_ =	shalt  }
0x6c: {  	_ =	shalt  }
0x6d: {  	_ =	shalt  }
0x6e: {  	_ =	shalt  }
0x6f: {  	_ =	shalt  }
0x70: {  	_ =	shalt  }
0x71: {  	_ =	shalt  }
0x72: {  	_ =	shalt  }
0x73: {  	_ =	shalt  }
0x74: {  	_ =	shalt  }
0x75: {  	_ =	shalt  }
0x76: {  	_ =	shalt  }
0x77: {  	_ =	shalt  }
0x78: {  	_ =	shalt  }
0x79: {  	_ =	shalt  }
0x7a: {  	_ =	shalt  }
0x7b: {  	_ =	shalt  }
0x7c: {  	_ =	shalt  }
0x7d: {  	_ =	shalt  }
0x7e: {  	_ =	shalt  }
0x7f: {  	_ =	shalt  }
0x80: {  	_ =	shalt  }
0x81: {  	_ =	shalt  }
0x82: {  	_ =	shalt  }
0x83: {  	_ =	shalt  }
0x84: {  	_ =	shalt  }
0x85: {  	_ =	shalt  }
0x86: {  	_ =	shalt  }
0x87: {  	_ =	shalt  }
.Lfunc_end0:
.L_simem_size_0:
called_computation_lowered:
.L_overlay_start_0:
0x88: {  	s2 =	sld [smem:$0x3FD9]  }
0x89: {  	s3 =	sld [smem:$0x3FFE];
	_ =	sdelay $0x1  }
0x8a: {  	s1 =	srdreg.scid  }
0x8b: {  	s0 =	sand.u32 $0x1, s1  }
0x8c: {  	s17 =	sshll.u32 s0, $0xA;
	s2 =	sadd.s32 s3, s2  }
0x8d: {  	s2 =	sadd.s32 s2, s17  }
0x8e: {  	[smem:$0x3FC6] =	sst s2  }
0x8f: {  	_ = 	snop  }
0x90: {  	s2 =	sld [smem:$0x3FD0];
	(tm) =	ssettm $0x1  }
0x91: {  	s18 =	sld [smem:$0x3FFB];
	_ =	sdelay $0x3  }
0x92: {  	_ =	strace s18  }
0x93: {  	s3 =	sld [smem:$0x3FFC];
	_ =	sdelay $0x3  }
0x94: {  	_ =	strace s3  }
0x95: {  	s3 =	sld [smem:$0x3FFD];
	_ =	sdelay $0x3  }
0x96: {  	_ =	strace s3  }
0x97: {  	_ =	strace $0x8FFFFFFF  }
0x98: {  	s19 =	sld [smem:$0x3FDB];
	_ =	sdelay $0x1  }
0x99: {  	s4 =	simm.s32 $_scs_section_size  }
0x9a: {  	s5 =	simm.s32 $_size__tile_overlayer_lowered;
	s6 =	simm.s32 $_tile_overlayer_lowered  }
0x9b: {  	s22 =	simm.s32 $0x1BFF;
	s21 =	sshll.u32 s6, $0x1;
	s3 =	sadd.s32 s4, s19  }
0x9c: {  	s7 =	simm.s32 $0x0;
	s20 =	sshll.u32 s5, $0x1;
	s5 =	sadd.s32 s21, s3  }
0x9d: {  	[timem:s7], [sflag:s22] =	dma.local [hbm:s5], s20  }
0x9e: {  	_ =	swait.ge [sflag:s22], s20  }
0x9f: {  	s4 =	ssub.s32 $0x0, s20;
	[sflag:s22] =	ssyncset.done $0x0  }
0xa0: {  	[sflag:s22] =	ssyncadd.s32 s4;
	_ =	sdelay $0x1  }
0xa1: {  	s23 =	simm.s32 $0x1B8B  }
0xa2: {  	_ =	swait.ge [sflag:s23], $0x1  }
0xa3: {  	[sflag:s23] =	ssyncset.done $0x0  }
0xa4: {  	s25 =	simm.s32 $0x1B8E;
	s24 =	sld [smem:$0x3FFE];
	[sflag:s23] =	ssyncadd.s32 $0xFFFFFFFF  }
0xa5: {  	s26 =	simm.s32 $execute0_lowered;
	[smem:$0x3FD2] =	sst s25  }
0xa6: {  	s5 =	sshll.u32 s26, $0x1;
	_ =	strace $0x80000046;
	[dreg:$0x1] =	wrdreg $0xFFFFFFFF  }
0xa7: {  	s28 =	simm.s32 $_size_execute0_lowered;
	s3 =	sadd.s32 s3, s5;
	[dreg:$0x0] =	wrdreg $0x0  }
0xa8: {  	s5 =	sshll.u32 s28, $0x1;
	[dreg:$0x2] =	wrdreg s3  }
0xa9: {  	[dreg:$0x3] =	wrdreg s5  }
0xaa: {  	[dreg:$0x4] =	wrdreg $0xC0  }
0xab: {  	_ =	task [dreg:s7], $0x5FFFF  }
0xac: {  	[dreg:$0x1] =	wrdreg $0xFFFFFFFF  }
0xad: {  	[dreg:$0x0] =	wrdreg $0x60  }
0xae: {  	[dreg:$0x2] =	wrdreg s24  }
0xaf: {  	[dreg:$0x3] =	wrdreg s2  }
0xb0: {  	[dreg:$0x4] =	wrdreg $0x9  }
0xb1: {  	_ =	task.clear_ibuf [dreg:s7], $0x5FFFF;
	_ =	strace $0x90000046  }
0xb2: {  	s29 =	simm.s32 $0x9;
	_ =	strace $0x80000048  }
0xb3: {  	_ =	swait.ge [sflag:s29], $0x1  }
0xb4: {  	[sflag:s29] =	ssyncadd.s32 $0xFFFFFFFF  }
0xb5: {  	_ =	strace $0x90000048  }
0xb6: {  	_ =	sfence  }
0xb7: {  	s30 =	sld [smem:$0x0];
	_ =	sdelay $0x2  }
0xb8: {  	s31 =	sshll.u32 s1, $0xD;
	s1 =	sshrl.u32 s1, $0x2  }
0xb9: {  	s3 =	sand.u32 $0x4000, s31;
	s1 =	sadd.s32 s1, s30  }
0xba: {  	s0 =	sor.u32 s3, s0;
	s1 =	sshll.u32 s1, $0x11  }
0xbb: {  	s0 =	sor.u32 s1, s0  }
0xbc: {  	s0 =	sadd.s32 $0x8F2B, s0  }
0xbd: {  	[sflag:s0] =	ssyncadd.remote.s32 $0x1  }
0xbe: {  	_ =	sfence.sel $0xFFFF  }
0xbf: {  	[dreg:$0x0] =	wrdreg $0xFFFFFFFF;
	(pc) =	sbr.abs _section_cstart, $3  }
0xc0: {  	[dreg:$0x1] =	wrdreg $0xFFFFFFFF  }
0xc1: {  	_ =	task.clear_ibuf [dreg:s7], $0x2FFFF;
	_ =	strace $0x9FFFFFFF  }
0xc2: {  	(tm) =	ssettm $0x7FFFFFFF  }
0xc3: {  	_ =	shalt  }
tec
execute0_lowered:
.L_overlay_start_1:
0x0: {  	(tag) =	ssettag $0x1  }
0x1: {  	s0 =	srdreg.scid;
	s23 =	stileid.u32  }
0x2: {  	s0 =	sand.u32 $0x1, s0;
	s4 =	sshll.u32 s23, $0x1  }
0x3: {  	s4 =	sor.u32 s0, s4  }
0x4: {  	s1 =	rddreg [dreg:$0x0];
	s2 =	simm.s32 $0x0;
	s5 =	smul.u32 $0xD000, s4  }
0x5: {  	[smem:$0x7FF] =	sst s2;
	s7 =	sadd.s32 $0x7C0800, s1;
	s6 =	smul.u32 $0x68000, s4  }
0x6: {  	s3 =	rddreg [dreg:$0x1];
	_ =	strace $0x80000047;
	s4 =	sshll.u32 s4, $0x9  }
0x7: {  	s3 =	sadd.s32 s3, s4;
	s30 =	sadd.s32 s7, s5;
	s12 =	sshrl.u32 s6, $0x3  }
0x8: {  	[dreg:$0x3] =	wrdreg s3;
	s13 =	sadd.s32 $0x800, s30;
	s4 =	sadd.s32 s7, s12  }
0x9: {  	[dreg:$0x4] =	wrdreg s13;
	s14 =	sadd.s32 $0x1000, s4  }
0xa: {  	s15 =	sadd.s32 $0x1800, s4;
	[dreg:$0x5] =	wrdreg s14  }
0xb: {  	s16 =	sadd.s32 $0x2000, s4;
	[dreg:$0x6] =	wrdreg s15  }
0xc: {  	s17 =	sadd.s32 $0x2800, s4;
	[dreg:$0x7] =	wrdreg s16  }
0xd: {  	s18 =	sadd.s32 $0x3000, s4;
	[dreg:$0x8] =	wrdreg s17  }
0xe: {  	s19 =	sadd.s32 $0x3800, s4;
	[dreg:$0x9] =	wrdreg s18  }
0xf: {  	s20 =	sadd.s32 $0x4000, s4;
	[dreg:$0xa] =	wrdreg s19  }
0x10: {  	s21 =	sadd.s32 $0x4800, s4;
	[dreg:$0xb] =	wrdreg s20  }
0x11: {  	s22 =	sadd.s32 $0x5000, s4;
	[dreg:$0xc] =	wrdreg s21  }
0x12: {  	s24 =	sadd.s32 $0x5800, s4;
	[dreg:$0xd] =	wrdreg s22  }
0x13: {  	s25 =	sadd.s32 $0x6000, s4;
	[dreg:$0xe] =	wrdreg s24  }
0x14: {  	s26 =	sadd.s32 $0x6800, s4;
	[dreg:$0xf] =	wrdreg s25  }
0x15: {  	s5 =	sadd.s32 $0x7000, s4;
	[dreg:$0x10] =	wrdreg s26  }
0x16: {  	s6 =	sadd.s32 $0x7800, s4;
	[dreg:$0x11] =	wrdreg s5  }
0x17: {  	s7 =	sadd.s32 $0x8000, s4;
	[dreg:$0x12] =	wrdreg s6  }
0x18: {  	s31 =	simm.s32 $0x1;
	s8 =	sadd.s32 $0x8800, s4;
	[dreg:$0x13] =	wrdreg s7  }
0x19: {  	p0 =	por $0x0, $0x0;
	s9 =	sadd.s32 $0x9000, s4;
	[dreg:$0x14] =	wrdreg s8  }
0x1a: {  	s29 =	simm.s32 $0xA80;
	s10 =	sadd.s32 $0x9800, s4;
	[dreg:$0x15] =	wrdreg s9  }
0x1b: {  	s28 =	simm.s32 $0xB00;
	s11 =	sadd.s32 $0xA000, s4;
	[dreg:$0x16] =	wrdreg s10  }
0x1c: {  	s0 =	ssub.s32 $0x2, s0;
	s12 =	sadd.s32 $0xA800, s4;
	[dreg:$0x17] =	wrdreg s11  }
0x1d: {  	s3 =	simm.s32 $0x5000;
	s13 =	sadd.s32 $0xB000, s4;
	[dreg:$0x18] =	wrdreg s12  }
0x1e: {  	[dreg:$0x19] =	wrdreg s13;
	s14 =	sadd.s32 $0xB800, s4;
	s15 =	sshrl.u32 s0, $0x1  }
0x1f: {  	s16 =	sadd.s32 $0xC000, s4;
	s17 =	sadd.s32 $0xC800, s4;
	[dreg:$0x1a] =	wrdreg s14  }
0x20: {  	s7 =	sadd.s32 $0x800, s1;
	s12 =	simm.s32 $0x80;
	[dreg:$0x1b] =	wrdreg s16  }
0x21: {  	s18 =	simm.s32 $0x100;
	s4 =	simm.s32 $0x1000;
	[dreg:$0x1c] =	wrdreg s17  }
0x22: {  	s19 =	simm.s32 $0x180;
	s20 =	simm.s32 $0x200;
	[dreg:$0x1d] =	wrdreg s18  }
0x23: {  	s21 =	simm.s32 $0x280;
	s13 =	simm.s32 $0xD000;
	[dreg:$0x1e] =	wrdreg s19  }
0x24: {  	s22 =	simm.s32 $0x300;
	s11 =	simm.s32 $0x11000;
	[dreg:$0x1f] =	wrdreg s20  }
0x25: {  	s24 =	simm.s32 $0x380;
	s9 =	simm.s32 $0x15000;
	[smem:$0x7EF] =	sst s21  }
0x26: {  	s25 =	simm.s32 $0x400;
	s8 =	simm.s32 $0x2;
	[smem:$0x7F0] =	sst s22  }
0x27: {  	s26 =	simm.s32 $0x480;
	s5 =	simm.s32 $0x8;
	[smem:$0x7F1] =	sst s24  }
0x28: {  	s6 =	simm.s32 $0x500;
	s10 =	simm.s32 $0x3;
	[smem:$0x7F2] =	sst s25  }
0x29: {  	s0 =	ssub.s32 s0, s15;
	s15 =	simm.s32 $0x9000;
	[smem:$0x7F3] =	sst s26  }
0x2a: {  	[smem:$0x7F4] =	sst s6;
	s14 =	simm.s32 $0x580;
	s6 =	simm.s32 $0x9  }
0x2b: {  	s16 =	simm.s32 $0x600;
	s19 =	simm.s32 $0x4;
	[smem:$0x7F5] =	sst s14  }
0x2c: {  	s17 =	simm.s32 $0x680;
	s18 =	simm.s32 $0x700;
	[smem:$0x7F6] =	sst s16  }
0x2d: {  	s20 =	simm.s32 $0x5;
	s21 =	simm.s32 $0x780;
	[smem:$0x7F7] =	sst s17  }
0x2e: {  	s22 =	simm.s32 $0x800;
	s24 =	simm.s32 $0x880;
	[smem:$0x7F8] =	sst s18  }
0x2f: {  	s25 =	simm.s32 $0x900;
	s0 =	smax.u32 s0, $0x1;
	[smem:$0x7F9] =	sst s21  }
0x30: {  	s26 =	simm.s32 $0x980;
	[smem:$0x7FA] =	sst s22;
	p1 =	sne.s32 s0, $0x1  }
.Ltmp0:
0x31: {  	s14 =	simm.s32 $0xA;
	[smem:$0x7FB] =	sst s24;
	(pc) =	sbr.rel @!p1 .LBB2_1-.Ltmp0, $4  }
0x32: {  	s16 =	simm.s32 $0xB;
	s21 =	simm.s32 $0x6;
	[smem:$0x7FC] =	sst s25  }
0x33: {  	s17 =	simm.s32 $0xC;
	s22 =	simm.s32 $0x7;
	[smem:$0x7FD] =	sst s26  }
0x34: {  	s18 =	simm.s32 $0xD;
	s26 =	simm.s32 $0xB80;
	s25 =	simm.s32 $0xC00  }
0x35: {  	s24 =	simm.s32 $0xC80;
	s1 =	sadd.s32 $0xFFFFFFFF, s0;
	s0 =	rddreg [dreg:$0x3]  }
0x36: {  	[tilespmem:s2], [sflag:$0x1] =	stream.linear.gather [hbm4b:s0+s2], $0xD00, $0x38;
	[tilespmem:$0x19000] =	vst v63  }
0x37: {  	_ =	swait.ge [sflag:s31], $0xD00  }
0x38: {  	[sflag:s31] =	ssyncset.done $0x0  }
0x39: {  	[sflag:s31] =	ssyncadd.s32 $0xFFFFF300  }
0x3a: {  	[tilespmem:s4], [sflag:$0x2] =	stream.indirect.gather [hbm4b:s7+s12], $0x80, s2, s12, $0xb8;
	[tilespmem:$0x19000] =	vst v63  }
0x3b: {  	s0 =	rddreg [dreg:$0x1d]  }
0x3c: {  	[tilespmem:s3], [sflag:$0x3] =	stream.indirect.gather [hbm4b:s7+s12], $0x80, s12, s12, $0xb8;
	[tilespmem:$0x19000] =	vst v63  }
0x3d: {  	s23 =	smov.u32 s1;
	s1 =	rddreg [dreg:$0x1e]  }
0x3e: {  	[tilespmem:s15], [sflag:$0x4] =	stream.indirect.gather [hbm4b:s7+s12], $0x80, s0, s12, $0xb8;
	[tilespmem:$0x19000] =	vst v63  }
0x3f: {  	s0 =	rddreg [dreg:$0x1f]  }
0x40: {  	[tilespmem:s13], [sflag:$0x5] =	stream.indirect.gather [hbm4b:s7+s12], $0x80, s1, s12, $0xb8;
	[tilespmem:$0x19000] =	vst v63  }
0x41: {  	s1 =	sld [smem:$0x7EF]  }
0x42: {  	[tilespmem:s11], [sflag:$0x6] =	stream.indirect.gather [hbm4b:s7+s12], $0x80, s0, s12, $0xb8;
	[tilespmem:$0x19000] =	vst v63  }
0x43: {  	_ = 	snop  }
0x44: {  	[tilespmem:s9], [sflag:$0x7] =	stream.indirect.gather [hbm4b:s7+s12], $0x80, s1, s12, $0xb8;
	[tilespmem:$0x19000] =	vst v63  }
0x45: {  	_ =	swait.ge [sflag:s8], $0x4000  }
0x46: {  	[sflag:s8] =	ssyncset.done $0x0  }
0x47: {  	[sflag:s8] =	ssyncadd.s32 $0xFFFFC000  }
0x48: {  	[hbm4b:s30+s2] =	stream.linear.scatter [tilespmem:s4], [sflag:$0x8], $0x4000, $0x38;
	[tilespmem:$0x19000] =	vst v63  }
0x49: {  	_ =	swait.ge [sflag:s5], $0x4000  }
0x4a: {  	s1 =	sld [smem:$0x7F0]  }
0x4b: {  	[sflag:s5] =	ssyncset.done $0x0  }
0x4c: {  	[sflag:s5] =	ssyncadd.s32 $0xFFFFC000  }
0x4d: {  	[tilespmem:s4], [sflag:$0x2] =	stream.indirect.gather [hbm4b:s7+s12], $0x80, s1, s12, $0xb8;
	[tilespmem:$0x19000] =	vst v63  }
0x4e: {  	_ =	swait.ge [sflag:s10], $0x4000  }
0x4f: {  	[sflag:s10] =	ssyncset.done $0x0  }
0x50: {  	s1 =	rddreg [dreg:$0x4];
	[sflag:s10] =	ssyncadd.s32 $0xFFFFC000  }
0x51: {  	[hbm4b:s1+s2] =	stream.linear.scatter [tilespmem:s3], [sflag:$0x9], $0x4000, $0x38;
	[tilespmem:$0x19000] =	vst v63  }
0x52: {  	_ =	swait.ge [sflag:s6], $0x4000  }
0x53: {  	s1 =	sld [smem:$0x7F1]  }
0x54: {  	[sflag:s6] =	ssyncset.done $0x0  }
0x55: {  	[sflag:s6] =	ssyncadd.s32 $0xFFFFC000  }
0x56: {  	[tilespmem:s3], [sflag:$0x3] =	stream.indirect.gather [hbm4b:s7+s12], $0x80, s1, s12, $0xb8;
	[tilespmem:$0x19000] =	vst v63  }
0x57: {  	_ =	swait.ge [sflag:s19], $0x4000  }
0x58: {  	[sflag:s19] =	ssyncset.done $0x0  }
0x59: {  	s1 =	rddreg [dreg:$0x5];
	[sflag:s19] =	ssyncadd.s32 $0xFFFFC000  }
0x5a: {  	[hbm4b:s1+s2] =	stream.linear.scatter [tilespmem:s15], [sflag:$0xA], $0x4000, $0x38;
	[tilespmem:$0x19000] =	vst v63  }
0x5b: {  	_ =	swait.ge [sflag:s14], $0x4000  }
0x5c: {  	s1 =	sld [smem:$0x7F2]  }
0x5d: {  	[sflag:s14] =	ssyncset.done $0x0  }
0x5e: {  	[sflag:s14] =	ssyncadd.s32 $0xFFFFC000  }
0x5f: {  	[tilespmem:s15], [sflag:$0x4] =	stream.indirect.gather [hbm4b:s7+s12], $0x80, s1, s12, $0xb8;
	[tilespmem:$0x19000] =	vst v63  }
0x60: {  	_ =	swait.ge [sflag:s20], $0x4000  }
0x61: {  	[sflag:s20] =	ssyncset.done $0x0  }
0x62: {  	s1 =	rddreg [dreg:$0x6];
	[sflag:s20] =	ssyncadd.s32 $0xFFFFC000  }
0x63: {  	[hbm4b:s1+s2] =	stream.linear.scatter [tilespmem:s13], [sflag:$0xB], $0x4000, $0x38;
	[tilespmem:$0x19000] =	vst v63  }
0x64: {  	_ =	swait.ge [sflag:s16], $0x4000  }
0x65: {  	s1 =	sld [smem:$0x7F3]  }
0x66: {  	[sflag:s16] =	ssyncset.done $0x0  }
0x67: {  	[sflag:s16] =	ssyncadd.s32 $0xFFFFC000  }
0x68: {  	[tilespmem:s13], [sflag:$0x5] =	stream.indirect.gather [hbm4b:s7+s12], $0x80, s1, s12, $0xb8;
	[tilespmem:$0x19000] =	vst v63  }
0x69: {  	_ =	swait.ge [sflag:s21], $0x4000  }
0x6a: {  	[sflag:s21] =	ssyncset.done $0x0  }
0x6b: {  	s1 =	rddreg [dreg:$0x7];
	[sflag:s21] =	ssyncadd.s32 $0xFFFFC000  }
0x6c: {  	[hbm4b:s1+s2] =	stream.linear.scatter [tilespmem:s11], [sflag:$0xC], $0x4000, $0x38;
	[tilespmem:$0x19000] =	vst v63  }
0x6d: {  	_ =	swait.ge [sflag:s17], $0x4000  }
0x6e: {  	s1 =	sld [smem:$0x7F4]  }
0x6f: {  	[sflag:s17] =	ssyncset.done $0x0  }
0x70: {  	[sflag:s17] =	ssyncadd.s32 $0xFFFFC000  }
0x71: {  	[tilespmem:s11], [sflag:$0x6] =	stream.indirect.gather [hbm4b:s7+s12], $0x80, s1, s12, $0xb8;
	[tilespmem:$0x19000] =	vst v63  }
0x72: {  	_ =	swait.ge [sflag:s22], $0x4000  }
0x73: {  	[sflag:s22] =	ssyncset.done $0x0  }
0x74: {  	s1 =	rddreg [dreg:$0x8];
	[sflag:s22] =	ssyncadd.s32 $0xFFFFC000  }
0x75: {  	[hbm4b:s1+s2] =	stream.linear.scatter [tilespmem:s9], [sflag:$0xD], $0x4000, $0x38;
	[tilespmem:$0x19000] =	vst v63  }
0x76: {  	_ =	swait.ge [sflag:s18], $0x4000  }
0x77: {  	s1 =	sld [smem:$0x7F5]  }
0x78: {  	[sflag:s18] =	ssyncset.done $0x0  }
0x79: {  	[sflag:s18] =	ssyncadd.s32 $0xFFFFC000  }
0x7a: {  	[tilespmem:s9], [sflag:$0x7] =	stream.indirect.gather [hbm4b:s7+s12], $0x80, s1, s12, $0xb8;
	[tilespmem:$0x19000] =	vst v63  }
0x7b: {  	_ =	swait.ge [sflag:s8], $0x4000  }
0x7c: {  	[sflag:s8] =	ssyncset.done $0x0  }
0x7d: {  	s1 =	rddreg [dreg:$0x9];
	[sflag:s8] =	ssyncadd.s32 $0xFFFFC000  }
0x7e: {  	[hbm4b:s1+s2] =	stream.linear.scatter [tilespmem:s4], [sflag:$0x8], $0x4000, $0x38;
	[tilespmem:$0x19000] =	vst v63  }
0x7f: {  	_ =	swait.ge [sflag:s5], $0x4000  }
0x80: {  	s1 =	sld [smem:$0x7F6]  }
0x81: {  	[sflag:s5] =	ssyncset.done $0x0  }
0x82: {  	[sflag:s5] =	ssyncadd.s32 $0xFFFFC000  }
0x83: {  	[tilespmem:s4], [sflag:$0x2] =	stream.indirect.gather [hbm4b:s7+s12], $0x80, s1, s12, $0xb8;
	[tilespmem:$0x19000] =	vst v63  }
0x84: {  	_ =	swait.ge [sflag:s10], $0x4000  }
0x85: {  	[sflag:s10] =	ssyncset.done $0x0  }
0x86: {  	s1 =	rddreg [dreg:$0xa];
	[sflag:s10] =	ssyncadd.s32 $0xFFFFC000  }
0x87: {  	[hbm4b:s1+s2] =	stream.linear.scatter [tilespmem:s3], [sflag:$0x9], $0x4000, $0x38;
	[tilespmem:$0x19000] =	vst v63  }
0x88: {  	_ =	swait.ge [sflag:s6], $0x4000  }
0x89: {  	s1 =	sld [smem:$0x7F7]  }
0x8a: {  	[sflag:s6] =	ssyncset.done $0x0  }
0x8b: {  	[sflag:s6] =	ssyncadd.s32 $0xFFFFC000  }
0x8c: {  	[tilespmem:s3], [sflag:$0x3] =	stream.indirect.gather [hbm4b:s7+s12], $0x80, s1, s12, $0xb8;
	[tilespmem:$0x19000] =	vst v63  }
0x8d: {  	_ =	swait.ge [sflag:s19], $0x4000  }
0x8e: {  	[sflag:s19] =	ssyncset.done $0x0  }
0x8f: {  	s1 =	rddreg [dreg:$0xb];
	[sflag:s19] =	ssyncadd.s32 $0xFFFFC000  }
0x90: {  	[hbm4b:s1+s2] =	stream.linear.scatter [tilespmem:s15], [sflag:$0xA], $0x4000, $0x38;
	[tilespmem:$0x19000] =	vst v63  }
0x91: {  	_ =	swait.ge [sflag:s14], $0x4000  }
0x92: {  	s1 =	sld [smem:$0x7F8]  }
0x93: {  	[sflag:s14] =	ssyncset.done $0x0  }
0x94: {  	[sflag:s14] =	ssyncadd.s32 $0xFFFFC000  }
0x95: {  	[tilespmem:s15], [sflag:$0x4] =	stream.indirect.gather [hbm4b:s7+s12], $0x80, s1, s12, $0xb8;
	[tilespmem:$0x19000] =	vst v63  }
0x96: {  	_ =	swait.ge [sflag:s20], $0x4000  }
0x97: {  	[sflag:s20] =	ssyncset.done $0x0  }
0x98: {  	s1 =	rddreg [dreg:$0xc];
	[sflag:s20] =	ssyncadd.s32 $0xFFFFC000  }
0x99: {  	[hbm4b:s1+s2] =	stream.linear.scatter [tilespmem:s13], [sflag:$0xB], $0x4000, $0x38;
	[tilespmem:$0x19000] =	vst v63  }
0x9a: {  	_ =	swait.ge [sflag:s16], $0x4000  }
0x9b: {  	s1 =	sld [smem:$0x7F9]  }
0x9c: {  	[sflag:s16] =	ssyncset.done $0x0  }
0x9d: {  	[sflag:s16] =	ssyncadd.s32 $0xFFFFC000  }
0x9e: {  	[tilespmem:s13], [sflag:$0x5] =	stream.indirect.gather [hbm4b:s7+s12], $0x80, s1, s12, $0xb8;
	[tilespmem:$0x19000] =	vst v63  }
0x9f: {  	_ =	swait.ge [sflag:s21], $0x4000  }
0xa0: {  	[sflag:s21] =	ssyncset.done $0x0  }
0xa1: {  	s1 =	rddreg [dreg:$0xd];
	[sflag:s21] =	ssyncadd.s32 $0xFFFFC000  }
0xa2: {  	[hbm4b:s1+s2] =	stream.linear.scatter [tilespmem:s11], [sflag:$0xC], $0x4000, $0x38;
	[tilespmem:$0x19000] =	vst v63  }
0xa3: {  	_ =	swait.ge [sflag:s17], $0x4000  }
0xa4: {  	s1 =	sld [smem:$0x7FA]  }
0xa5: {  	[sflag:s17] =	ssyncset.done $0x0  }
0xa6: {  	[sflag:s17] =	ssyncadd.s32 $0xFFFFC000  }
0xa7: {  	[tilespmem:s11], [sflag:$0x6] =	stream.indirect.gather [hbm4b:s7+s12], $0x80, s1, s12, $0xb8;
	[tilespmem:$0x19000] =	vst v63  }
0xa8: {  	_ =	swait.ge [sflag:s22], $0x4000  }
0xa9: {  	[sflag:s22] =	ssyncset.done $0x0  }
0xaa: {  	s1 =	rddreg [dreg:$0xe];
	[sflag:s22] =	ssyncadd.s32 $0xFFFFC000  }
0xab: {  	[hbm4b:s1+s2] =	stream.linear.scatter [tilespmem:s9], [sflag:$0xD], $0x4000, $0x38;
	[tilespmem:$0x19000] =	vst v63  }
0xac: {  	_ =	swait.ge [sflag:s18], $0x4000  }
0xad: {  	s1 =	sld [smem:$0x7FB]  }
0xae: {  	[sflag:s18] =	ssyncset.done $0x0  }
0xaf: {  	[sflag:s18] =	ssyncadd.s32 $0xFFFFC000  }
0xb0: {  	[tilespmem:s9], [sflag:$0x7] =	stream.indirect.gather [hbm4b:s7+s12], $0x80, s1, s12, $0xb8;
	[tilespmem:$0x19000] =	vst v63  }
0xb1: {  	_ =	swait.ge [sflag:s8], $0x4000  }
0xb2: {  	[sflag:s8] =	ssyncset.done $0x0  }
0xb3: {  	s1 =	rddreg [dreg:$0xf];
	[sflag:s8] =	ssyncadd.s32 $0xFFFFC000  }
0xb4: {  	[hbm4b:s1+s2] =	stream.linear.scatter [tilespmem:s4], [sflag:$0x8], $0x4000, $0x38;
	[tilespmem:$0x19000] =	vst v63  }
0xb5: {  	_ =	swait.ge [sflag:s5], $0x4000  }
0xb6: {  	s1 =	sld [smem:$0x7FC]  }
0xb7: {  	[sflag:s5] =	ssyncset.done $0x0  }
0xb8: {  	[sflag:s5] =	ssyncadd.s32 $0xFFFFC000  }
0xb9: {  	[tilespmem:s4], [sflag:$0x2] =	stream.indirect.gather [hbm4b:s7+s12], $0x80, s1, s12, $0xb8;
	[tilespmem:$0x19000] =	vst v63  }
0xba: {  	_ =	swait.ge [sflag:s10], $0x4000  }
0xbb: {  	[sflag:s10] =	ssyncset.done $0x0  }
0xbc: {  	s1 =	rddreg [dreg:$0x10];
	[sflag:s10] =	ssyncadd.s32 $0xFFFFC000  }
0xbd: {  	[hbm4b:s1+s2] =	stream.linear.scatter [tilespmem:s3], [sflag:$0x9], $0x4000, $0x38;
	[tilespmem:$0x19000] =	vst v63  }
0xbe: {  	_ =	swait.ge [sflag:s6], $0x4000  }
0xbf: {  	s1 =	sld [smem:$0x7FD]  }
0xc0: {  	[sflag:s6] =	ssyncset.done $0x0  }
0xc1: {  	[sflag:s6] =	ssyncadd.s32 $0xFFFFC000  }
0xc2: {  	[tilespmem:s3], [sflag:$0x3] =	stream.indirect.gather [hbm4b:s7+s12], $0x80, s1, s12, $0xb8;
	[tilespmem:$0x19000] =	vst v63  }
0xc3: {  	_ =	swait.ge [sflag:s19], $0x4000  }
0xc4: {  	[sflag:s19] =	ssyncset.done $0x0  }
0xc5: {  	s1 =	rddreg [dreg:$0x11];
	[sflag:s19] =	ssyncadd.s32 $0xFFFFC000  }
0xc6: {  	[hbm4b:s1+s2] =	stream.linear.scatter [tilespmem:s15], [sflag:$0xA], $0x4000, $0x38;
	[tilespmem:$0x19000] =	vst v63  }
0xc7: {  	_ =	swait.ge [sflag:s14], $0x4000  }
0xc8: {  	[sflag:s14] =	ssyncset.done $0x0  }
0xc9: {  	s1 =	simm.s32 $0xA00;
	[sflag:s14] =	ssyncadd.s32 $0xFFFFC000  }
0xca: {  	[tilespmem:s15], [sflag:$0x4] =	stream.indirect.gather [hbm4b:s7+s12], $0x80, s1, s12, $0xb8;
	[tilespmem:$0x19000] =	vst v63  }
0xcb: {  	_ =	swait.ge [sflag:s20], $0x4000  }
0xcc: {  	[sflag:s20] =	ssyncset.done $0x0  }
0xcd: {  	s1 =	rddreg [dreg:$0x12];
	[sflag:s20] =	ssyncadd.s32 $0xFFFFC000  }
0xce: {  	[hbm4b:s1+s2] =	stream.linear.scatter [tilespmem:s13], [sflag:$0xB], $0x4000, $0x38;
	[tilespmem:$0x19000] =	vst v63  }
0xcf: {  	_ =	swait.ge [sflag:s16], $0x4000  }
0xd0: {  	[sflag:s16] =	ssyncset.done $0x0  }
0xd1: {  	[sflag:s16] =	ssyncadd.s32 $0xFFFFC000  }
0xd2: {  	[tilespmem:s13], [sflag:$0x5] =	stream.indirect.gather [hbm4b:s7+s12], $0x80, s29, s12, $0xb8;
	[tilespmem:$0x19000] =	vst v63  }
0xd3: {  	_ =	swait.ge [sflag:s21], $0x4000  }
0xd4: {  	[sflag:s21] =	ssyncset.done $0x0  }
0xd5: {  	s1 =	rddreg [dreg:$0x13];
	[sflag:s21] =	ssyncadd.s32 $0xFFFFC000  }
0xd6: {  	[hbm4b:s1+s2] =	stream.linear.scatter [tilespmem:s11], [sflag:$0xC], $0x4000, $0x38;
	[tilespmem:$0x19000] =	vst v63  }
0xd7: {  	_ =	swait.ge [sflag:s17], $0x4000  }
0xd8: {  	[sflag:s17] =	ssyncset.done $0x0  }
0xd9: {  	[sflag:s17] =	ssyncadd.s32 $0xFFFFC000  }
0xda: {  	[tilespmem:s11], [sflag:$0x6] =	stream.indirect.gather [hbm4b:s7+s12], $0x80, s28, s12, $0xb8;
	[tilespmem:$0x19000] =	vst v63  }
0xdb: {  	_ =	swait.ge [sflag:s22], $0x4000  }
0xdc: {  	[sflag:s22] =	ssyncset.done $0x0  }
0xdd: {  	s1 =	rddreg [dreg:$0x14];
	[sflag:s22] =	ssyncadd.s32 $0xFFFFC000  }
0xde: {  	[hbm4b:s1+s2] =	stream.linear.scatter [tilespmem:s9], [sflag:$0xD], $0x4000, $0x38;
	[tilespmem:$0x19000] =	vst v63  }
0xdf: {  	_ =	swait.ge [sflag:s18], $0x4000  }
0xe0: {  	[sflag:s18] =	ssyncset.done $0x0  }
0xe1: {  	[sflag:s18] =	ssyncadd.s32 $0xFFFFC000  }
0xe2: {  	[tilespmem:s9], [sflag:$0x7] =	stream.indirect.gather [hbm4b:s7+s12], $0x80, s26, s12, $0xb8;
	[tilespmem:$0x19000] =	vst v63  }
0xe3: {  	_ =	swait.ge [sflag:s8], $0x4000  }
0xe4: {  	[sflag:s8] =	ssyncset.done $0x0  }
0xe5: {  	s1 =	rddreg [dreg:$0x15];
	[sflag:s8] =	ssyncadd.s32 $0xFFFFC000  }
0xe6: {  	[hbm4b:s1+s2] =	stream.linear.scatter [tilespmem:s4], [sflag:$0x8], $0x4000, $0x38;
	[tilespmem:$0x19000] =	vst v63  }
0xe7: {  	_ =	swait.ge [sflag:s5], $0x4000  }
0xe8: {  	[sflag:s5] =	ssyncset.done $0x0  }
0xe9: {  	[sflag:s5] =	ssyncadd.s32 $0xFFFFC000  }
0xea: {  	[tilespmem:s4], [sflag:$0x2] =	stream.indirect.gather [hbm4b:s7+s12], $0x80, s25, s12, $0xb8;
	[tilespmem:$0x19000] =	vst v63  }
0xeb: {  	_ =	swait.ge [sflag:s10], $0x4000  }
0xec: {  	[sflag:s10] =	ssyncset.done $0x0  }
0xed: {  	s1 =	rddreg [dreg:$0x16];
	[sflag:s10] =	ssyncadd.s32 $0xFFFFC000  }
0xee: {  	[hbm4b:s1+s2] =	stream.linear.scatter [tilespmem:s3], [sflag:$0x9], $0x4000, $0x38;
	[tilespmem:$0x19000] =	vst v63  }
0xef: {  	_ =	swait.ge [sflag:s6], $0x4000  }
0xf0: {  	[sflag:s6] =	ssyncset.done $0x0  }
0xf1: {  	[sflag:s6] =	ssyncadd.s32 $0xFFFFC000  }
0xf2: {  	[tilespmem:s3], [sflag:$0x3] =	stream.indirect.gather [hbm4b:s7+s12], $0x80, s24, s12, $0xb8;
	[tilespmem:$0x19000] =	vst v63  }
0xf3: {  	_ =	swait.ge [sflag:s19], $0x4000  }
0xf4: {  	[sflag:s19] =	ssyncset.done $0x0  }
0xf5: {  	s1 =	rddreg [dreg:$0x17];
	[sflag:s19] =	ssyncadd.s32 $0xFFFFC000  }
0xf6: {  	[hbm4b:s1+s2] =	stream.linear.scatter [tilespmem:s15], [sflag:$0xA], $0x4000, $0x38;
	[tilespmem:$0x19000] =	vst v63  }
0xf7: {  	_ =	swait.ge [sflag:s20], $0x4000  }
0xf8: {  	[sflag:s20] =	ssyncset.done $0x0  }
0xf9: {  	s1 =	rddreg [dreg:$0x18];
	[sflag:s20] =	ssyncadd.s32 $0xFFFFC000  }
0xfa: {  	[hbm4b:s1+s2] =	stream.linear.scatter [tilespmem:s13], [sflag:$0xB], $0x4000, $0x38;
	[tilespmem:$0x19000] =	vst v63  }
0xfb: {  	_ =	swait.ge [sflag:s21], $0x4000  }
0xfc: {  	[sflag:s21] =	ssyncset.done $0x0  }
0xfd: {  	s1 =	rddreg [dreg:$0x19];
	[sflag:s21] =	ssyncadd.s32 $0xFFFFC000  }
0xfe: {  	[hbm4b:s1+s2] =	stream.linear.scatter [tilespmem:s11], [sflag:$0xC], $0x4000, $0x38;
	[tilespmem:$0x19000] =	vst v63  }
0xff: {  	_ =	swait.ge [sflag:s22], $0x4000  }
0x100: {  	[sflag:s22] =	ssyncset.done $0x0  }
0x101: {  	s1 =	rddreg [dreg:$0x1a];
	[sflag:s22] =	ssyncadd.s32 $0xFFFFC000  }
0x102: {  	[hbm4b:s1+s2] =	stream.linear.scatter [tilespmem:s9], [sflag:$0xD], $0x4000, $0x38;
	[tilespmem:$0x19000] =	vst v63  }
0x103: {  	_ =	swait.ge [sflag:s8], $0x4000  }
0x104: {  	[sflag:s8] =	ssyncset.done $0x0  }
0x105: {  	s1 =	rddreg [dreg:$0x1b];
	[sflag:s8] =	ssyncadd.s32 $0xFFFFC000  }
0x106: {  	[hbm4b:s1+s2] =	stream.linear.scatter [tilespmem:s4], [sflag:$0x8], $0x4000, $0x38;
	[tilespmem:$0x19000] =	vst v63  }
0x107: {  	_ =	swait.ge [sflag:s10], $0x4000  }
0x108: {  	[sflag:s10] =	ssyncset.done $0x0  }
0x109: {  	s1 =	rddreg [dreg:$0x1c];
	[sflag:s10] =	ssyncadd.s32 $0xFFFFC000  }
0x10a: {  	[hbm4b:s1+s2] =	stream.linear.scatter [tilespmem:s3], [sflag:$0x9], $0x4000, $0x38;
	[tilespmem:$0x19000] =	vst v63  }
0x10b: {  	_ =	swait.ge [sflag:s14], $0x4000  }
0x10c: {  	[sflag:s14] =	ssyncset.done $0x0  }
0x10d: {  	[sflag:s14] =	ssyncadd.s32 $0xFFFFC000  }
0x10e: {  	_ =	swait.ge [sflag:s16], $0x4000  }
0x10f: {  	[sflag:s16] =	ssyncset.done $0x0  }
0x110: {  	[sflag:s16] =	ssyncadd.s32 $0xFFFFC000  }
0x111: {  	_ =	swait.ge [sflag:s17], $0x4000  }
0x112: {  	[sflag:s17] =	ssyncset.done $0x0  }
0x113: {  	[sflag:s17] =	ssyncadd.s32 $0xFFFFC000  }
0x114: {  	_ =	swait.ge [sflag:s18], $0x4000  }
0x115: {  	[sflag:s18] =	ssyncset.done $0x0  }
0x116: {  	p1 =	sne.s32 s23, $0x1;
	[sflag:s18] =	ssyncadd.s32 $0xFFFFC000  }
.Ltmp1:
0x117: {  	_ =	swait.ge [sflag:s5], $0x4000;
	(pc) =	sbr.rel @!p1 .LBB2_3-.Ltmp1, $4  }
0x118: {  	[sflag:s5] =	ssyncset.done $0x0  }
0x119: {  	[sflag:s5] =	ssyncadd.s32 $0xFFFFC000  }
0x11a: {  	p0 =	por $0x1, $0x1;
	_ =	swait.ge [sflag:s6], $0x4000  }
0x11b: {  	s1 =	sadd.s32 $0xFFFFFFFF, s23;
	s0 =	rddreg [dreg:$0x3];
	[sflag:s6] =	ssyncset.done $0x0  }
.LBB2_4:
0x11c: {  	[sflag:s6] =	ssyncadd.s32 $0xFFFFC000  }
0x11d: {  	[tilespmem:s2], [sflag:$0x1] =	stream.linear.gather [hbm4b:s0+s2], $0xD00, $0x38;
	[tilespmem:$0x19000] =	vst v63  }
0x11e: {  	_ =	swait.ge [sflag:s31], $0xD00  }
0x11f: {  	[sflag:s31] =	ssyncset.done $0x0  }
0x120: {  	[sflag:s31] =	ssyncadd.s32 $0xFFFFF300  }
0x121: {  	[tilespmem:s4], [sflag:$0x2] =	stream.indirect.gather [hbm4b:s7+s12], $0x80, s2, s12, $0xb8;
	[tilespmem:$0x19000] =	vst v63  }
0x122: {  	s0 =	rddreg [dreg:$0x1d]  }
0x123: {  	[tilespmem:s3], [sflag:$0x3] =	stream.indirect.gather [hbm4b:s7+s12], $0x80, s12, s12, $0xb8;
	[tilespmem:$0x19000] =	vst v63  }
0x124: {  	s23 =	rddreg [dreg:$0x1e]  }
0x125: {  	[tilespmem:s15], [sflag:$0x4] =	stream.indirect.gather [hbm4b:s7+s12], $0x80, s0, s12, $0xb8;
	[tilespmem:$0x19000] =	vst v63  }
0x126: {  	s0 =	rddreg [dreg:$0x1f]  }
0x127: {  	[tilespmem:s13], [sflag:$0x5] =	stream.indirect.gather [hbm4b:s7+s12], $0x80, s23, s12, $0xb8;
	[tilespmem:$0x19000] =	vst v63  }
0x128: {  	s23 =	sld [smem:$0x7EF]  }
0x129: {  	[tilespmem:s11], [sflag:$0x6] =	stream.indirect.gather [hbm4b:s7+s12], $0x80, s0, s12, $0xb8;
	[tilespmem:$0x19000] =	vst v63  }
0x12a: {  	_ = 	snop  }
0x12b: {  	[tilespmem:s9], [sflag:$0x7] =	stream.indirect.gather [hbm4b:s7+s12], $0x80, s23, s12, $0xb8;
	[tilespmem:$0x19000] =	vst v63  }
0x12c: {  	_ =	swait.ge [sflag:s8], $0x4000  }
0x12d: {  	[sflag:s8] =	ssyncset.done $0x0  }
0x12e: {  	[sflag:s8] =	ssyncadd.s32 $0xFFFFC000  }
0x12f: {  	[hbm4b:s30+s2] =	stream.linear.scatter [tilespmem:s4], [sflag:$0x8], $0x4000, $0x38;
	[tilespmem:$0x19000] =	vst v63  }
0x130: {  	_ =	swait.ge [sflag:s5], $0x4000  }
0x131: {  	s23 =	sld [smem:$0x7F0]  }
0x132: {  	[sflag:s5] =	ssyncset.done $0x0  }
0x133: {  	[sflag:s5] =	ssyncadd.s32 $0xFFFFC000  }
0x134: {  	[tilespmem:s4], [sflag:$0x2] =	stream.indirect.gather [hbm4b:s7+s12], $0x80, s23, s12, $0xb8;
	[tilespmem:$0x19000] =	vst v63  }
0x135: {  	_ =	swait.ge [sflag:s10], $0x4000  }
0x136: {  	[sflag:s10] =	ssyncset.done $0x0  }
0x137: {  	s23 =	rddreg [dreg:$0x4];
	[sflag:s10] =	ssyncadd.s32 $0xFFFFC000  }
0x138: {  	[hbm4b:s23+s2] =	stream.linear.scatter [tilespmem:s3], [sflag:$0x9], $0x4000, $0x38;
	[tilespmem:$0x19000] =	vst v63  }
0x139: {  	_ =	swait.ge [sflag:s6], $0x4000  }
0x13a: {  	s23 =	sld [smem:$0x7F1]  }
0x13b: {  	[sflag:s6] =	ssyncset.done $0x0  }
0x13c: {  	[sflag:s6] =	ssyncadd.s32 $0xFFFFC000  }
0x13d: {  	[tilespmem:s3], [sflag:$0x3] =	stream.indirect.gather [hbm4b:s7+s12], $0x80, s23, s12, $0xb8;
	[tilespmem:$0x19000] =	vst v63  }
0x13e: {  	_ =	swait.ge [sflag:s19], $0x4000  }
0x13f: {  	[sflag:s19] =	ssyncset.done $0x0  }
0x140: {  	s23 =	rddreg [dreg:$0x5];
	[sflag:s19] =	ssyncadd.s32 $0xFFFFC000  }
0x141: {  	[hbm4b:s23+s2] =	stream.linear.scatter [tilespmem:s15], [sflag:$0xA], $0x4000, $0x38;
	[tilespmem:$0x19000] =	vst v63  }
0x142: {  	_ =	swait.ge [sflag:s14], $0x4000  }
0x143: {  	s23 =	sld [smem:$0x7F2]  }
0x144: {  	[sflag:s14] =	ssyncset.done $0x0  }
0x145: {  	[sflag:s14] =	ssyncadd.s32 $0xFFFFC000  }
0x146: {  	[tilespmem:s15], [sflag:$0x4] =	stream.indirect.gather [hbm4b:s7+s12], $0x80, s23, s12, $0xb8;
	[tilespmem:$0x19000] =	vst v63  }
0x147: {  	_ =	swait.ge [sflag:s20], $0x4000  }
0x148: {  	[sflag:s20] =	ssyncset.done $0x0  }
0x149: {  	s23 =	rddreg [dreg:$0x6];
	[sflag:s20] =	ssyncadd.s32 $0xFFFFC000  }
0x14a: {  	[hbm4b:s23+s2] =	stream.linear.scatter [tilespmem:s13], [sflag:$0xB], $0x4000, $0x38;
	[tilespmem:$0x19000] =	vst v63  }
0x14b: {  	_ =	swait.ge [sflag:s16], $0x4000  }
0x14c: {  	s23 =	sld [smem:$0x7F3]  }
0x14d: {  	[sflag:s16] =	ssyncset.done $0x0  }
0x14e: {  	[sflag:s16] =	ssyncadd.s32 $0xFFFFC000  }
0x14f: {  	[tilespmem:s13], [sflag:$0x5] =	stream.indirect.gather [hbm4b:s7+s12], $0x80, s23, s12, $0xb8;
	[tilespmem:$0x19000] =	vst v63  }
0x150: {  	_ =	swait.ge [sflag:s21], $0x4000  }
0x151: {  	[sflag:s21] =	ssyncset.done $0x0  }
0x152: {  	s23 =	rddreg [dreg:$0x7];
	[sflag:s21] =	ssyncadd.s32 $0xFFFFC000  }
0x153: {  	[hbm4b:s23+s2] =	stream.linear.scatter [tilespmem:s11], [sflag:$0xC], $0x4000, $0x38;
	[tilespmem:$0x19000] =	vst v63  }
0x154: {  	_ =	swait.ge [sflag:s17], $0x4000  }
0x155: {  	s23 =	sld [smem:$0x7F4]  }
0x156: {  	[sflag:s17] =	ssyncset.done $0x0  }
0x157: {  	[sflag:s17] =	ssyncadd.s32 $0xFFFFC000  }
0x158: {  	[tilespmem:s11], [sflag:$0x6] =	stream.indirect.gather [hbm4b:s7+s12], $0x80, s23, s12, $0xb8;
	[tilespmem:$0x19000] =	vst v63  }
0x159: {  	_ =	swait.ge [sflag:s22], $0x4000  }
0x15a: {  	[sflag:s22] =	ssyncset.done $0x0  }
0x15b: {  	s23 =	rddreg [dreg:$0x8];
	[sflag:s22] =	ssyncadd.s32 $0xFFFFC000  }
0x15c: {  	[hbm4b:s23+s2] =	stream.linear.scatter [tilespmem:s9], [sflag:$0xD], $0x4000, $0x38;
	[tilespmem:$0x19000] =	vst v63  }
0x15d: {  	_ =	swait.ge [sflag:s18], $0x4000  }
0x15e: {  	s23 =	sld [smem:$0x7F5]  }
0x15f: {  	[sflag:s18] =	ssyncset.done $0x0  }
0x160: {  	[sflag:s18] =	ssyncadd.s32 $0xFFFFC000  }
0x161: {  	[tilespmem:s9], [sflag:$0x7] =	stream.indirect.gather [hbm4b:s7+s12], $0x80, s23, s12, $0xb8;
	[tilespmem:$0x19000] =	vst v63  }
0x162: {  	_ =	swait.ge [sflag:s8], $0x4000  }
0x163: {  	[sflag:s8] =	ssyncset.done $0x0  }
0x164: {  	s23 =	rddreg [dreg:$0x9];
	[sflag:s8] =	ssyncadd.s32 $0xFFFFC000  }
0x165: {  	[hbm4b:s23+s2] =	stream.linear.scatter [tilespmem:s4], [sflag:$0x8], $0x4000, $0x38;
	[tilespmem:$0x19000] =	vst v63  }
0x166: {  	_ =	swait.ge [sflag:s5], $0x4000  }
0x167: {  	s23 =	sld [smem:$0x7F6]  }
0x168: {  	[sflag:s5] =	ssyncset.done $0x0  }
0x169: {  	[sflag:s5] =	ssyncadd.s32 $0xFFFFC000  }
0x16a: {  	[tilespmem:s4], [sflag:$0x2] =	stream.indirect.gather [hbm4b:s7+s12], $0x80, s23, s12, $0xb8;
	[tilespmem:$0x19000] =	vst v63  }
0x16b: {  	_ =	swait.ge [sflag:s10], $0x4000  }
0x16c: {  	[sflag:s10] =	ssyncset.done $0x0  }
0x16d: {  	s23 =	rddreg [dreg:$0xa];
	[sflag:s10] =	ssyncadd.s32 $0xFFFFC000  }
0x16e: {  	[hbm4b:s23+s2] =	stream.linear.scatter [tilespmem:s3], [sflag:$0x9], $0x4000, $0x38;
	[tilespmem:$0x19000] =	vst v63  }
0x16f: {  	_ =	swait.ge [sflag:s6], $0x4000  }
0x170: {  	s23 =	sld [smem:$0x7F7]  }
0x171: {  	[sflag:s6] =	ssyncset.done $0x0  }
0x172: {  	[sflag:s6] =	ssyncadd.s32 $0xFFFFC000  }
0x173: {  	[tilespmem:s3], [sflag:$0x3] =	stream.indirect.gather [hbm4b:s7+s12], $0x80, s23, s12, $0xb8;
	[tilespmem:$0x19000] =	vst v63  }
0x174: {  	_ =	swait.ge [sflag:s19], $0x4000  }
0x175: {  	[sflag:s19] =	ssyncset.done $0x0  }
0x176: {  	s23 =	rddreg [dreg:$0xb];
	[sflag:s19] =	ssyncadd.s32 $0xFFFFC000  }
0x177: {  	[hbm4b:s23+s2] =	stream.linear.scatter [tilespmem:s15], [sflag:$0xA], $0x4000, $0x38;
	[tilespmem:$0x19000] =	vst v63  }
0x178: {  	_ =	swait.ge [sflag:s14], $0x4000  }
0x179: {  	s23 =	sld [smem:$0x7F8]  }
0x17a: {  	[sflag:s14] =	ssyncset.done $0x0  }
0x17b: {  	[sflag:s14] =	ssyncadd.s32 $0xFFFFC000  }
0x17c: {  	[tilespmem:s15], [sflag:$0x4] =	stream.indirect.gather [hbm4b:s7+s12], $0x80, s23, s12, $0xb8;
	[tilespmem:$0x19000] =	vst v63  }
0x17d: {  	_ =	swait.ge [sflag:s20], $0x4000  }
0x17e: {  	[sflag:s20] =	ssyncset.done $0x0  }
0x17f: {  	s23 =	rddreg [dreg:$0xc];
	[sflag:s20] =	ssyncadd.s32 $0xFFFFC000  }
0x180: {  	[hbm4b:s23+s2] =	stream.linear.scatter [tilespmem:s13], [sflag:$0xB], $0x4000, $0x38;
	[tilespmem:$0x19000] =	vst v63  }
0x181: {  	_ =	swait.ge [sflag:s16], $0x4000  }
0x182: {  	s23 =	sld [smem:$0x7F9]  }
0x183: {  	[sflag:s16] =	ssyncset.done $0x0  }
0x184: {  	[sflag:s16] =	ssyncadd.s32 $0xFFFFC000  }
0x185: {  	[tilespmem:s13], [sflag:$0x5] =	stream.indirect.gather [hbm4b:s7+s12], $0x80, s23, s12, $0xb8;
	[tilespmem:$0x19000] =	vst v63  }
0x186: {  	_ =	swait.ge [sflag:s21], $0x4000  }
0x187: {  	[sflag:s21] =	ssyncset.done $0x0  }
0x188: {  	s23 =	rddreg [dreg:$0xd];
	[sflag:s21] =	ssyncadd.s32 $0xFFFFC000  }
0x189: {  	[hbm4b:s23+s2] =	stream.linear.scatter [tilespmem:s11], [sflag:$0xC], $0x4000, $0x38;
	[tilespmem:$0x19000] =	vst v63  }
0x18a: {  	_ =	swait.ge [sflag:s17], $0x4000  }
0x18b: {  	s23 =	sld [smem:$0x7FA]  }
0x18c: {  	[sflag:s17] =	ssyncset.done $0x0  }
0x18d: {  	[sflag:s17] =	ssyncadd.s32 $0xFFFFC000  }
0x18e: {  	[tilespmem:s11], [sflag:$0x6] =	stream.indirect.gather [hbm4b:s7+s12], $0x80, s23, s12, $0xb8;
	[tilespmem:$0x19000] =	vst v63  }
0x18f: {  	_ =	swait.ge [sflag:s22], $0x4000  }
0x190: {  	[sflag:s22] =	ssyncset.done $0x0  }
0x191: {  	s23 =	rddreg [dreg:$0xe];
	[sflag:s22] =	ssyncadd.s32 $0xFFFFC000  }
0x192: {  	[hbm4b:s23+s2] =	stream.linear.scatter [tilespmem:s9], [sflag:$0xD], $0x4000, $0x38;
	[tilespmem:$0x19000] =	vst v63  }
0x193: {  	_ =	swait.ge [sflag:s18], $0x4000  }
0x194: {  	s23 =	sld [smem:$0x7FB]  }
0x195: {  	[sflag:s18] =	ssyncset.done $0x0  }
0x196: {  	[sflag:s18] =	ssyncadd.s32 $0xFFFFC000  }
0x197: {  	[tilespmem:s9], [sflag:$0x7] =	stream.indirect.gather [hbm4b:s7+s12], $0x80, s23, s12, $0xb8;
	[tilespmem:$0x19000] =	vst v63  }
0x198: {  	_ =	swait.ge [sflag:s8], $0x4000  }
0x199: {  	[sflag:s8] =	ssyncset.done $0x0  }
0x19a: {  	s23 =	rddreg [dreg:$0xf];
	[sflag:s8] =	ssyncadd.s32 $0xFFFFC000  }
0x19b: {  	[hbm4b:s23+s2] =	stream.linear.scatter [tilespmem:s4], [sflag:$0x8], $0x4000, $0x38;
	[tilespmem:$0x19000] =	vst v63  }
0x19c: {  	_ =	swait.ge [sflag:s5], $0x4000  }
0x19d: {  	s23 =	sld [smem:$0x7FC]  }
0x19e: {  	[sflag:s5] =	ssyncset.done $0x0  }
0x19f: {  	[sflag:s5] =	ssyncadd.s32 $0xFFFFC000  }
0x1a0: {  	[tilespmem:s4], [sflag:$0x2] =	stream.indirect.gather [hbm4b:s7+s12], $0x80, s23, s12, $0xb8;
	[tilespmem:$0x19000] =	vst v63  }
0x1a1: {  	_ =	swait.ge [sflag:s10], $0x4000  }
0x1a2: {  	[sflag:s10] =	ssyncset.done $0x0  }
0x1a3: {  	s23 =	rddreg [dreg:$0x10];
	[sflag:s10] =	ssyncadd.s32 $0xFFFFC000  }
0x1a4: {  	[hbm4b:s23+s2] =	stream.linear.scatter [tilespmem:s3], [sflag:$0x9], $0x4000, $0x38;
	[tilespmem:$0x19000] =	vst v63  }
0x1a5: {  	_ =	swait.ge [sflag:s6], $0x4000  }
0x1a6: {  	s23 =	sld [smem:$0x7FD]  }
0x1a7: {  	[sflag:s6] =	ssyncset.done $0x0  }
0x1a8: {  	[sflag:s6] =	ssyncadd.s32 $0xFFFFC000  }
0x1a9: {  	[tilespmem:s3], [sflag:$0x3] =	stream.indirect.gather [hbm4b:s7+s12], $0x80, s23, s12, $0xb8;
	[tilespmem:$0x19000] =	vst v63  }
0x1aa: {  	_ =	swait.ge [sflag:s19], $0x4000  }
0x1ab: {  	[sflag:s19] =	ssyncset.done $0x0  }
0x1ac: {  	s23 =	rddreg [dreg:$0x11];
	[sflag:s19] =	ssyncadd.s32 $0xFFFFC000  }
0x1ad: {  	[hbm4b:s23+s2] =	stream.linear.scatter [tilespmem:s15], [sflag:$0xA], $0x4000, $0x38;
	[tilespmem:$0x19000] =	vst v63  }
0x1ae: {  	_ =	swait.ge [sflag:s14], $0x4000  }
0x1af: {  	[sflag:s14] =	ssyncset.done $0x0  }
0x1b0: {  	s23 =	simm.s32 $0xA00;
	[sflag:s14] =	ssyncadd.s32 $0xFFFFC000  }
0x1b1: {  	[tilespmem:s15], [sflag:$0x4] =	stream.indirect.gather [hbm4b:s7+s12], $0x80, s23, s12, $0xb8;
	[tilespmem:$0x19000] =	vst v63  }
0x1b2: {  	_ =	swait.ge [sflag:s20], $0x4000  }
0x1b3: {  	[sflag:s20] =	ssyncset.done $0x0  }
0x1b4: {  	s23 =	rddreg [dreg:$0x12];
	[sflag:s20] =	ssyncadd.s32 $0xFFFFC000  }
0x1b5: {  	[hbm4b:s23+s2] =	stream.linear.scatter [tilespmem:s13], [sflag:$0xB], $0x4000, $0x38;
	[tilespmem:$0x19000] =	vst v63  }
0x1b6: {  	_ =	swait.ge [sflag:s16], $0x4000  }
0x1b7: {  	[sflag:s16] =	ssyncset.done $0x0  }
0x1b8: {  	[sflag:s16] =	ssyncadd.s32 $0xFFFFC000  }
0x1b9: {  	[tilespmem:s13], [sflag:$0x5] =	stream.indirect.gather [hbm4b:s7+s12], $0x80, s29, s12, $0xb8;
	[tilespmem:$0x19000] =	vst v63  }
0x1ba: {  	_ =	swait.ge [sflag:s21], $0x4000  }
0x1bb: {  	[sflag:s21] =	ssyncset.done $0x0  }
0x1bc: {  	s23 =	rddreg [dreg:$0x13];
	[sflag:s21] =	ssyncadd.s32 $0xFFFFC000  }
0x1bd: {  	[hbm4b:s23+s2] =	stream.linear.scatter [tilespmem:s11], [sflag:$0xC], $0x4000, $0x38;
	[tilespmem:$0x19000] =	vst v63  }
0x1be: {  	_ =	swait.ge [sflag:s17], $0x4000  }
0x1bf: {  	[sflag:s17] =	ssyncset.done $0x0  }
0x1c0: {  	[sflag:s17] =	ssyncadd.s32 $0xFFFFC000  }
0x1c1: {  	[tilespmem:s11], [sflag:$0x6] =	stream.indirect.gather [hbm4b:s7+s12], $0x80, s28, s12, $0xb8;
	[tilespmem:$0x19000] =	vst v63  }
0x1c2: {  	_ =	swait.ge [sflag:s22], $0x4000  }
0x1c3: {  	[sflag:s22] =	ssyncset.done $0x0  }
0x1c4: {  	s23 =	rddreg [dreg:$0x14];
	[sflag:s22] =	ssyncadd.s32 $0xFFFFC000  }
0x1c5: {  	[hbm4b:s23+s2] =	stream.linear.scatter [tilespmem:s9], [sflag:$0xD], $0x4000, $0x38;
	[tilespmem:$0x19000] =	vst v63  }
0x1c6: {  	_ =	swait.ge [sflag:s18], $0x4000  }
0x1c7: {  	[sflag:s18] =	ssyncset.done $0x0  }
0x1c8: {  	[sflag:s18] =	ssyncadd.s32 $0xFFFFC000  }
0x1c9: {  	[tilespmem:s9], [sflag:$0x7] =	stream.indirect.gather [hbm4b:s7+s12], $0x80, s26, s12, $0xb8;
	[tilespmem:$0x19000] =	vst v63  }
0x1ca: {  	_ =	swait.ge [sflag:s8], $0x4000  }
0x1cb: {  	[sflag:s8] =	ssyncset.done $0x0  }
0x1cc: {  	s23 =	rddreg [dreg:$0x15];
	[sflag:s8] =	ssyncadd.s32 $0xFFFFC000  }
0x1cd: {  	[hbm4b:s23+s2] =	stream.linear.scatter [tilespmem:s4], [sflag:$0x8], $0x4000, $0x38;
	[tilespmem:$0x19000] =	vst v63  }
0x1ce: {  	_ =	swait.ge [sflag:s5], $0x4000  }
0x1cf: {  	[sflag:s5] =	ssyncset.done $0x0  }
0x1d0: {  	[sflag:s5] =	ssyncadd.s32 $0xFFFFC000  }
0x1d1: {  	[tilespmem:s4], [sflag:$0x2] =	stream.indirect.gather [hbm4b:s7+s12], $0x80, s25, s12, $0xb8;
	[tilespmem:$0x19000] =	vst v63  }
0x1d2: {  	_ =	swait.ge [sflag:s10], $0x4000  }
0x1d3: {  	[sflag:s10] =	ssyncset.done $0x0  }
0x1d4: {  	s23 =	rddreg [dreg:$0x16];
	[sflag:s10] =	ssyncadd.s32 $0xFFFFC000  }
0x1d5: {  	[hbm4b:s23+s2] =	stream.linear.scatter [tilespmem:s3], [sflag:$0x9], $0x4000, $0x38;
	[tilespmem:$0x19000] =	vst v63  }
0x1d6: {  	_ =	swait.ge [sflag:s6], $0x4000  }
0x1d7: {  	[sflag:s6] =	ssyncset.done $0x0  }
0x1d8: {  	[sflag:s6] =	ssyncadd.s32 $0xFFFFC000  }
0x1d9: {  	[tilespmem:s3], [sflag:$0x3] =	stream.indirect.gather [hbm4b:s7+s12], $0x80, s24, s12, $0xb8;
	[tilespmem:$0x19000] =	vst v63  }
0x1da: {  	_ =	swait.ge [sflag:s19], $0x4000  }
0x1db: {  	[sflag:s19] =	ssyncset.done $0x0  }
0x1dc: {  	s23 =	rddreg [dreg:$0x17];
	[sflag:s19] =	ssyncadd.s32 $0xFFFFC000  }
0x1dd: {  	[hbm4b:s23+s2] =	stream.linear.scatter [tilespmem:s15], [sflag:$0xA], $0x4000, $0x38;
	[tilespmem:$0x19000] =	vst v63  }
0x1de: {  	_ =	swait.ge [sflag:s20], $0x4000  }
0x1df: {  	[sflag:s20] =	ssyncset.done $0x0  }
0x1e0: {  	s23 =	rddreg [dreg:$0x18];
	[sflag:s20] =	ssyncadd.s32 $0xFFFFC000  }
0x1e1: {  	[hbm4b:s23+s2] =	stream.linear.scatter [tilespmem:s13], [sflag:$0xB], $0x4000, $0x38;
	[tilespmem:$0x19000] =	vst v63  }
0x1e2: {  	_ =	swait.ge [sflag:s21], $0x4000  }
0x1e3: {  	[sflag:s21] =	ssyncset.done $0x0  }
0x1e4: {  	s23 =	rddreg [dreg:$0x19];
	[sflag:s21] =	ssyncadd.s32 $0xFFFFC000  }
0x1e5: {  	[hbm4b:s23+s2] =	stream.linear.scatter [tilespmem:s11], [sflag:$0xC], $0x4000, $0x38;
	[tilespmem:$0x19000] =	vst v63  }
0x1e6: {  	_ =	swait.ge [sflag:s22], $0x4000  }
0x1e7: {  	[sflag:s22] =	ssyncset.done $0x0  }
0x1e8: {  	s23 =	rddreg [dreg:$0x1a];
	[sflag:s22] =	ssyncadd.s32 $0xFFFFC000  }
0x1e9: {  	[hbm4b:s23+s2] =	stream.linear.scatter [tilespmem:s9], [sflag:$0xD], $0x4000, $0x38;
	[tilespmem:$0x19000] =	vst v63  }
0x1ea: {  	_ =	swait.ge [sflag:s8], $0x4000  }
0x1eb: {  	[sflag:s8] =	ssyncset.done $0x0  }
0x1ec: {  	s23 =	rddreg [dreg:$0x1b];
	[sflag:s8] =	ssyncadd.s32 $0xFFFFC000  }
0x1ed: {  	[hbm4b:s23+s2] =	stream.linear.scatter [tilespmem:s4], [sflag:$0x8], $0x4000, $0x38;
	[tilespmem:$0x19000] =	vst v63  }
0x1ee: {  	_ =	swait.ge [sflag:s10], $0x4000  }
0x1ef: {  	[sflag:s10] =	ssyncset.done $0x0  }
0x1f0: {  	s23 =	rddreg [dreg:$0x1c];
	[sflag:s10] =	ssyncadd.s32 $0xFFFFC000  }
0x1f1: {  	[hbm4b:s23+s2] =	stream.linear.scatter [tilespmem:s3], [sflag:$0x9], $0x4000, $0x38;
	[tilespmem:$0x19000] =	vst v63  }
0x1f2: {  	_ =	swait.ge [sflag:s14], $0x4000  }
0x1f3: {  	[sflag:s14] =	ssyncset.done $0x0  }
0x1f4: {  	[sflag:s14] =	ssyncadd.s32 $0xFFFFC000  }
0x1f5: {  	_ =	swait.ge [sflag:s16], $0x4000  }
0x1f6: {  	[sflag:s16] =	ssyncset.done $0x0  }
0x1f7: {  	[sflag:s16] =	ssyncadd.s32 $0xFFFFC000  }
0x1f8: {  	_ =	swait.ge [sflag:s17], $0x4000  }
0x1f9: {  	[sflag:s17] =	ssyncset.done $0x0  }
0x1fa: {  	[sflag:s17] =	ssyncadd.s32 $0xFFFFC000  }
0x1fb: {  	_ =	swait.ge [sflag:s18], $0x4000  }
0x1fc: {  	[sflag:s18] =	ssyncset.done $0x0  }
0x1fd: {  	p1 =	sne.s32 s1, $0x1;
	[sflag:s18] =	ssyncadd.s32 $0xFFFFC000  }
.Ltmp2:
0x1fe: {  	_ =	swait.ge [sflag:s5], $0x4000;
	(pc) =	sbr.rel @p1 .LBB2_4-.Ltmp2, $4  }
0x1ff: {  	[sflag:s5] =	ssyncset.done $0x0  }
0x200: {  	[sflag:s5] =	ssyncadd.s32 $0xFFFFC000  }
0x201: {  	_ =	swait.ge [sflag:s6], $0x4000  }
0x202: {  	s1 =	sadd.s32 $0xFFFFFFFF, s1;
	s0 =	rddreg [dreg:$0x3];
	[sflag:s6] =	ssyncset.done $0x0  }
0x203: {  	s24 =	simm.s32 $0xA00;
	s29 =	simm.s32 $0xA80;
	s28 =	simm.s32 $0xB00  }
0x204: {  	s26 =	simm.s32 $0xB80;
	s25 =	simm.s32 $0xC00;
	s23 =	stileid.u32  }
.LBB2_6:
0x205: {  	[sflag:s6] =	ssyncadd.s32 @p0 $0xFFFFC000  }
0x206: {  	[tilespmem:s2], [sflag:$0x1] =	stream.linear.gather [hbm4b:s0+s2], $0xD00, $0x38;
	[tilespmem:$0x19000] =	vst v63  }
0x207: {  	_ =	swait.ge [sflag:s31], $0xD00  }
0x208: {  	[sflag:s31] =	ssyncset.done $0x0  }
0x209: {  	[sflag:s31] =	ssyncadd.s32 $0xFFFFF300  }
0x20a: {  	[tilespmem:s4], [sflag:$0x2] =	stream.indirect.gather [hbm4b:s7+s12], $0x80, s2, s12, $0xb8;
	[tilespmem:$0x19000] =	vst v63  }
0x20b: {  	s1 =	rddreg [dreg:$0x1e]  }
0x20c: {  	[tilespmem:s3], [sflag:$0x3] =	stream.indirect.gather [hbm4b:s7+s12], $0x80, s12, s12, $0xb8;
	[tilespmem:$0x19000] =	vst v63  }
0x20d: {  	s31 =	rddreg [dreg:$0x1d]  }
0x20e: {  	[tilespmem:s15], [sflag:$0x4] =	stream.indirect.gather [hbm4b:s7+s12], $0x80, s31, s12, $0xb8;
	[tilespmem:$0x19000] =	vst v63  }
0x20f: {  	s0 =	rddreg [dreg:$0x1f]  }
0x210: {  	[tilespmem:s13], [sflag:$0x5] =	stream.indirect.gather [hbm4b:s7+s12], $0x80, s1, s12, $0xb8;
	[tilespmem:$0x19000] =	vst v63  }
0x211: {  	s31 =	sld [smem:$0x7EF]  }
0x212: {  	[tilespmem:s11], [sflag:$0x6] =	stream.indirect.gather [hbm4b:s7+s12], $0x80, s0, s12, $0xb8;
	[tilespmem:$0x19000] =	vst v63  }
0x213: {  	_ = 	snop  }
0x214: {  	[tilespmem:s9], [sflag:$0x7] =	stream.indirect.gather [hbm4b:s7+s12], $0x80, s31, s12, $0xb8;
	[tilespmem:$0x19000] =	vst v63  }
0x215: {  	_ =	swait.ge [sflag:s8], $0x4000  }
0x216: {  	[sflag:s8] =	ssyncset.done $0x0  }
0x217: {  	[sflag:s8] =	ssyncadd.s32 $0xFFFFC000  }
0x218: {  	[hbm4b:s30+s2] =	stream.linear.scatter [tilespmem:s4], [sflag:$0x8], $0x4000, $0x38;
	[tilespmem:$0x19000] =	vst v63  }
0x219: {  	_ =	swait.ge [sflag:s5], $0x4000  }
0x21a: {  	s1 =	sld [smem:$0x7F0]  }
0x21b: {  	[sflag:s5] =	ssyncset.done $0x0  }
0x21c: {  	[sflag:s5] =	ssyncadd.s32 $0xFFFFC000  }
0x21d: {  	[tilespmem:s4], [sflag:$0x2] =	stream.indirect.gather [hbm4b:s7+s12], $0x80, s1, s12, $0xb8;
	[tilespmem:$0x19000] =	vst v63  }
0x21e: {  	_ =	swait.ge [sflag:s10], $0x4000  }
0x21f: {  	[sflag:s10] =	ssyncset.done $0x0  }
0x220: {  	s30 =	rddreg [dreg:$0x4];
	[sflag:s10] =	ssyncadd.s32 $0xFFFFC000  }
0x221: {  	[hbm4b:s30+s2] =	stream.linear.scatter [tilespmem:s3], [sflag:$0x9], $0x4000, $0x38;
	[tilespmem:$0x19000] =	vst v63  }
0x222: {  	_ =	swait.ge [sflag:s6], $0x4000  }
0x223: {  	s31 =	sld [smem:$0x7F1]  }
0x224: {  	[sflag:s6] =	ssyncset.done $0x0  }
0x225: {  	[sflag:s6] =	ssyncadd.s32 $0xFFFFC000  }
0x226: {  	[tilespmem:s3], [sflag:$0x3] =	stream.indirect.gather [hbm4b:s7+s12], $0x80, s31, s12, $0xb8;
	[tilespmem:$0x19000] =	vst v63  }
0x227: {  	_ =	swait.ge [sflag:s19], $0x4000  }
0x228: {  	[sflag:s19] =	ssyncset.done $0x0  }
0x229: {  	s1 =	rddreg [dreg:$0x5];
	[sflag:s19] =	ssyncadd.s32 $0xFFFFC000  }
0x22a: {  	[hbm4b:s1+s2] =	stream.linear.scatter [tilespmem:s15], [sflag:$0xA], $0x4000, $0x38;
	[tilespmem:$0x19000] =	vst v63  }
0x22b: {  	_ =	swait.ge [sflag:s14], $0x4000  }
0x22c: {  	s30 =	sld [smem:$0x7F2]  }
0x22d: {  	[sflag:s14] =	ssyncset.done $0x0  }
0x22e: {  	[sflag:s14] =	ssyncadd.s32 $0xFFFFC000  }
0x22f: {  	[tilespmem:s15], [sflag:$0x4] =	stream.indirect.gather [hbm4b:s7+s12], $0x80, s30, s12, $0xb8;
	[tilespmem:$0x19000] =	vst v63  }
0x230: {  	_ =	swait.ge [sflag:s20], $0x4000  }
0x231: {  	[sflag:s20] =	ssyncset.done $0x0  }
0x232: {  	s31 =	rddreg [dreg:$0x6];
	[sflag:s20] =	ssyncadd.s32 $0xFFFFC000  }
0x233: {  	[hbm4b:s31+s2] =	stream.linear.scatter [tilespmem:s13], [sflag:$0xB], $0x4000, $0x38;
	[tilespmem:$0x19000] =	vst v63  }
0x234: {  	_ =	swait.ge [sflag:s16], $0x4000  }
0x235: {  	s1 =	sld [smem:$0x7F3]  }
0x236: {  	[sflag:s16] =	ssyncset.done $0x0  }
0x237: {  	[sflag:s16] =	ssyncadd.s32 $0xFFFFC000  }
0x238: {  	[tilespmem:s13], [sflag:$0x5] =	stream.indirect.gather [hbm4b:s7+s12], $0x80, s1, s12, $0xb8;
	[tilespmem:$0x19000] =	vst v63  }
0x239: {  	_ =	swait.ge [sflag:s21], $0x4000  }
0x23a: {  	[sflag:s21] =	ssyncset.done $0x0  }
0x23b: {  	s30 =	rddreg [dreg:$0x7];
	[sflag:s21] =	ssyncadd.s32 $0xFFFFC000  }
0x23c: {  	[hbm4b:s30+s2] =	stream.linear.scatter [tilespmem:s11], [sflag:$0xC], $0x4000, $0x38;
	[tilespmem:$0x19000] =	vst v63  }
0x23d: {  	_ =	swait.ge [sflag:s17], $0x4000  }
0x23e: {  	s31 =	sld [smem:$0x7F4]  }
0x23f: {  	[sflag:s17] =	ssyncset.done $0x0  }
0x240: {  	[sflag:s17] =	ssyncadd.s32 $0xFFFFC000  }
0x241: {  	[tilespmem:s11], [sflag:$0x6] =	stream.indirect.gather [hbm4b:s7+s12], $0x80, s31, s12, $0xb8;
	[tilespmem:$0x19000] =	vst v63  }
0x242: {  	_ =	swait.ge [sflag:s22], $0x4000  }
0x243: {  	[sflag:s22] =	ssyncset.done $0x0  }
0x244: {  	s1 =	rddreg [dreg:$0x8];
	[sflag:s22] =	ssyncadd.s32 $0xFFFFC000  }
0x245: {  	[hbm4b:s1+s2] =	stream.linear.scatter [tilespmem:s9], [sflag:$0xD], $0x4000, $0x38;
	[tilespmem:$0x19000] =	vst v63  }
0x246: {  	_ =	swait.ge [sflag:s18], $0x4000  }
0x247: {  	s30 =	sld [smem:$0x7F5]  }
0x248: {  	[sflag:s18] =	ssyncset.done $0x0  }
0x249: {  	[sflag:s18] =	ssyncadd.s32 $0xFFFFC000  }
0x24a: {  	[tilespmem:s9], [sflag:$0x7] =	stream.indirect.gather [hbm4b:s7+s12], $0x80, s30, s12, $0xb8;
	[tilespmem:$0x19000] =	vst v63  }
0x24b: {  	_ =	swait.ge [sflag:s8], $0x4000  }
0x24c: {  	[sflag:s8] =	ssyncset.done $0x0  }
0x24d: {  	s31 =	rddreg [dreg:$0x9];
	[sflag:s8] =	ssyncadd.s32 $0xFFFFC000  }
0x24e: {  	[hbm4b:s31+s2] =	stream.linear.scatter [tilespmem:s4], [sflag:$0x8], $0x4000, $0x38;
	[tilespmem:$0x19000] =	vst v63  }
0x24f: {  	_ =	swait.ge [sflag:s5], $0x4000  }
0x250: {  	s1 =	sld [smem:$0x7F6]  }
0x251: {  	[sflag:s5] =	ssyncset.done $0x0  }
0x252: {  	[sflag:s5] =	ssyncadd.s32 $0xFFFFC000  }
0x253: {  	[tilespmem:s4], [sflag:$0x2] =	stream.indirect.gather [hbm4b:s7+s12], $0x80, s1, s12, $0xb8;
	[tilespmem:$0x19000] =	vst v63  }
0x254: {  	_ =	swait.ge [sflag:s10], $0x4000  }
0x255: {  	[sflag:s10] =	ssyncset.done $0x0  }
0x256: {  	s30 =	rddreg [dreg:$0xa];
	[sflag:s10] =	ssyncadd.s32 $0xFFFFC000  }
0x257: {  	[hbm4b:s30+s2] =	stream.linear.scatter [tilespmem:s3], [sflag:$0x9], $0x4000, $0x38;
	[tilespmem:$0x19000] =	vst v63  }
0x258: {  	_ =	swait.ge [sflag:s6], $0x4000  }
0x259: {  	s31 =	sld [smem:$0x7F7]  }
0x25a: {  	[sflag:s6] =	ssyncset.done $0x0  }
0x25b: {  	[sflag:s6] =	ssyncadd.s32 $0xFFFFC000  }
0x25c: {  	[tilespmem:s3], [sflag:$0x3] =	stream.indirect.gather [hbm4b:s7+s12], $0x80, s31, s12, $0xb8;
	[tilespmem:$0x19000] =	vst v63  }
0x25d: {  	_ =	swait.ge [sflag:s19], $0x4000  }
0x25e: {  	[sflag:s19] =	ssyncset.done $0x0  }
0x25f: {  	s1 =	rddreg [dreg:$0xb];
	[sflag:s19] =	ssyncadd.s32 $0xFFFFC000  }
0x260: {  	[hbm4b:s1+s2] =	stream.linear.scatter [tilespmem:s15], [sflag:$0xA], $0x4000, $0x38;
	[tilespmem:$0x19000] =	vst v63  }
0x261: {  	_ =	swait.ge [sflag:s14], $0x4000  }
0x262: {  	s30 =	sld [smem:$0x7F8]  }
0x263: {  	[sflag:s14] =	ssyncset.done $0x0  }
0x264: {  	[sflag:s14] =	ssyncadd.s32 $0xFFFFC000  }
0x265: {  	[tilespmem:s15], [sflag:$0x4] =	stream.indirect.gather [hbm4b:s7+s12], $0x80, s30, s12, $0xb8;
	[tilespmem:$0x19000] =	vst v63  }
0x266: {  	_ =	swait.ge [sflag:s20], $0x4000  }
0x267: {  	[sflag:s20] =	ssyncset.done $0x0  }
0x268: {  	s31 =	rddreg [dreg:$0xc];
	[sflag:s20] =	ssyncadd.s32 $0xFFFFC000  }
0x269: {  	[hbm4b:s31+s2] =	stream.linear.scatter [tilespmem:s13], [sflag:$0xB], $0x4000, $0x38;
	[tilespmem:$0x19000] =	vst v63  }
0x26a: {  	_ =	swait.ge [sflag:s16], $0x4000  }
0x26b: {  	s1 =	sld [smem:$0x7F9]  }
0x26c: {  	[sflag:s16] =	ssyncset.done $0x0  }
0x26d: {  	[sflag:s16] =	ssyncadd.s32 $0xFFFFC000  }
0x26e: {  	[tilespmem:s13], [sflag:$0x5] =	stream.indirect.gather [hbm4b:s7+s12], $0x80, s1, s12, $0xb8;
	[tilespmem:$0x19000] =	vst v63  }
0x26f: {  	_ =	swait.ge [sflag:s21], $0x4000  }
0x270: {  	[sflag:s21] =	ssyncset.done $0x0  }
0x271: {  	s30 =	rddreg [dreg:$0xd];
	[sflag:s21] =	ssyncadd.s32 $0xFFFFC000  }
0x272: {  	[hbm4b:s30+s2] =	stream.linear.scatter [tilespmem:s11], [sflag:$0xC], $0x4000, $0x38;
	[tilespmem:$0x19000] =	vst v63  }
0x273: {  	_ =	swait.ge [sflag:s17], $0x4000  }
0x274: {  	s31 =	sld [smem:$0x7FA]  }
0x275: {  	[sflag:s17] =	ssyncset.done $0x0  }
0x276: {  	[sflag:s17] =	ssyncadd.s32 $0xFFFFC000  }
0x277: {  	[tilespmem:s11], [sflag:$0x6] =	stream.indirect.gather [hbm4b:s7+s12], $0x80, s31, s12, $0xb8;
	[tilespmem:$0x19000] =	vst v63  }
0x278: {  	_ =	swait.ge [sflag:s22], $0x4000  }
0x279: {  	[sflag:s22] =	ssyncset.done $0x0  }
0x27a: {  	s1 =	rddreg [dreg:$0xe];
	[sflag:s22] =	ssyncadd.s32 $0xFFFFC000  }
0x27b: {  	[hbm4b:s1+s2] =	stream.linear.scatter [tilespmem:s9], [sflag:$0xD], $0x4000, $0x38;
	[tilespmem:$0x19000] =	vst v63  }
0x27c: {  	_ =	swait.ge [sflag:s18], $0x4000  }
0x27d: {  	s30 =	sld [smem:$0x7FB]  }
0x27e: {  	[sflag:s18] =	ssyncset.done $0x0  }
0x27f: {  	[sflag:s18] =	ssyncadd.s32 $0xFFFFC000  }
0x280: {  	[tilespmem:s9], [sflag:$0x7] =	stream.indirect.gather [hbm4b:s7+s12], $0x80, s30, s12, $0xb8;
	[tilespmem:$0x19000] =	vst v63  }
0x281: {  	_ =	swait.ge [sflag:s8], $0x4000  }
0x282: {  	[sflag:s8] =	ssyncset.done $0x0  }
0x283: {  	s31 =	rddreg [dreg:$0xf];
	[sflag:s8] =	ssyncadd.s32 $0xFFFFC000  }
0x284: {  	[hbm4b:s31+s2] =	stream.linear.scatter [tilespmem:s4], [sflag:$0x8], $0x4000, $0x38;
	[tilespmem:$0x19000] =	vst v63  }
0x285: {  	_ =	swait.ge [sflag:s5], $0x4000  }
0x286: {  	s1 =	sld [smem:$0x7FC]  }
0x287: {  	[sflag:s5] =	ssyncset.done $0x0  }
0x288: {  	[sflag:s5] =	ssyncadd.s32 $0xFFFFC000  }
0x289: {  	[tilespmem:s4], [sflag:$0x2] =	stream.indirect.gather [hbm4b:s7+s12], $0x80, s1, s12, $0xb8;
	[tilespmem:$0x19000] =	vst v63  }
0x28a: {  	_ =	swait.ge [sflag:s10], $0x4000  }
0x28b: {  	[sflag:s10] =	ssyncset.done $0x0  }
0x28c: {  	s30 =	rddreg [dreg:$0x10];
	[sflag:s10] =	ssyncadd.s32 $0xFFFFC000  }
0x28d: {  	[hbm4b:s30+s2] =	stream.linear.scatter [tilespmem:s3], [sflag:$0x9], $0x4000, $0x38;
	[tilespmem:$0x19000] =	vst v63  }
0x28e: {  	_ =	swait.ge [sflag:s6], $0x4000  }
0x28f: {  	s31 =	sld [smem:$0x7FD]  }
0x290: {  	[sflag:s6] =	ssyncset.done $0x0  }
0x291: {  	[sflag:s6] =	ssyncadd.s32 $0xFFFFC000  }
0x292: {  	[tilespmem:s3], [sflag:$0x3] =	stream.indirect.gather [hbm4b:s7+s12], $0x80, s31, s12, $0xb8;
	[tilespmem:$0x19000] =	vst v63  }
0x293: {  	_ =	swait.ge [sflag:s19], $0x4000  }
0x294: {  	[sflag:s19] =	ssyncset.done $0x0  }
0x295: {  	s1 =	rddreg [dreg:$0x11];
	[sflag:s19] =	ssyncadd.s32 $0xFFFFC000  }
0x296: {  	[hbm4b:s1+s2] =	stream.linear.scatter [tilespmem:s15], [sflag:$0xA], $0x4000, $0x38;
	[tilespmem:$0x19000] =	vst v63  }
0x297: {  	_ =	swait.ge [sflag:s14], $0x4000  }
0x298: {  	[sflag:s14] =	ssyncset.done $0x0  }
0x299: {  	[sflag:s14] =	ssyncadd.s32 $0xFFFFC000  }
0x29a: {  	[tilespmem:s15], [sflag:$0x4] =	stream.indirect.gather [hbm4b:s7+s12], $0x80, s24, s12, $0xb8;
	[tilespmem:$0x19000] =	vst v63  }
0x29b: {  	_ =	swait.ge [sflag:s20], $0x4000  }
0x29c: {  	[sflag:s20] =	ssyncset.done $0x0  }
0x29d: {  	s24 =	rddreg [dreg:$0x12];
	[sflag:s20] =	ssyncadd.s32 $0xFFFFC000  }
0x29e: {  	[hbm4b:s24+s2] =	stream.linear.scatter [tilespmem:s13], [sflag:$0xB], $0x4000, $0x38;
	[tilespmem:$0x19000] =	vst v63  }
0x29f: {  	_ =	swait.ge [sflag:s16], $0x4000  }
0x2a0: {  	[sflag:s16] =	ssyncset.done $0x0  }
0x2a1: {  	[sflag:s16] =	ssyncadd.s32 $0xFFFFC000  }
0x2a2: {  	[tilespmem:s13], [sflag:$0x5] =	stream.indirect.gather [hbm4b:s7+s12], $0x80, s29, s12, $0xb8;
	[tilespmem:$0x19000] =	vst v63  }
0x2a3: {  	_ =	swait.ge [sflag:s21], $0x4000  }
0x2a4: {  	[sflag:s21] =	ssyncset.done $0x0  }
0x2a5: {  	s29 =	rddreg [dreg:$0x13];
	[sflag:s21] =	ssyncadd.s32 $0xFFFFC000  }
0x2a6: {  	[hbm4b:s29+s2] =	stream.linear.scatter [tilespmem:s11], [sflag:$0xC], $0x4000, $0x38;
	[tilespmem:$0x19000] =	vst v63  }
0x2a7: {  	_ =	swait.ge [sflag:s17], $0x4000  }
0x2a8: {  	[sflag:s17] =	ssyncset.done $0x0  }
0x2a9: {  	[sflag:s17] =	ssyncadd.s32 $0xFFFFC000  }
0x2aa: {  	[tilespmem:s11], [sflag:$0x6] =	stream.indirect.gather [hbm4b:s7+s12], $0x80, s28, s12, $0xb8;
	[tilespmem:$0x19000] =	vst v63  }
0x2ab: {  	_ =	swait.ge [sflag:s22], $0x4000  }
0x2ac: {  	[sflag:s22] =	ssyncset.done $0x0  }
0x2ad: {  	s30 =	rddreg [dreg:$0x14];
	[sflag:s22] =	ssyncadd.s32 $0xFFFFC000  }
0x2ae: {  	[hbm4b:s30+s2] =	stream.linear.scatter [tilespmem:s9], [sflag:$0xD], $0x4000, $0x38;
	[tilespmem:$0x19000] =	vst v63  }
0x2af: {  	_ =	swait.ge [sflag:s18], $0x4000  }
0x2b0: {  	[sflag:s18] =	ssyncset.done $0x0  }
0x2b1: {  	[sflag:s18] =	ssyncadd.s32 $0xFFFFC000  }
0x2b2: {  	[tilespmem:s9], [sflag:$0x7] =	stream.indirect.gather [hbm4b:s7+s12], $0x80, s26, s12, $0xb8;
	[tilespmem:$0x19000] =	vst v63  }
0x2b3: {  	_ =	swait.ge [sflag:s8], $0x4000  }
0x2b4: {  	[sflag:s8] =	ssyncset.done $0x0  }
0x2b5: {  	s31 =	rddreg [dreg:$0x15];
	[sflag:s8] =	ssyncadd.s32 $0xFFFFC000  }
0x2b6: {  	[hbm4b:s31+s2] =	stream.linear.scatter [tilespmem:s4], [sflag:$0x8], $0x4000, $0x38;
	[tilespmem:$0x19000] =	vst v63  }
0x2b7: {  	_ =	swait.ge [sflag:s5], $0x4000  }
0x2b8: {  	[sflag:s5] =	ssyncset.done $0x0  }
0x2b9: {  	[sflag:s5] =	ssyncadd.s32 $0xFFFFC000  }
0x2ba: {  	[tilespmem:s4], [sflag:$0x2] =	stream.indirect.gather [hbm4b:s7+s12], $0x80, s25, s12, $0xb8;
	[tilespmem:$0x19000] =	vst v63  }
0x2bb: {  	_ =	swait.ge [sflag:s10], $0x4000  }
0x2bc: {  	[sflag:s10] =	ssyncset.done $0x0  }
0x2bd: {  	s1 =	rddreg [dreg:$0x16];
	[sflag:s10] =	ssyncadd.s32 $0xFFFFC000  }
0x2be: {  	[hbm4b:s1+s2] =	stream.linear.scatter [tilespmem:s3], [sflag:$0x9], $0x4000, $0x38;
	[tilespmem:$0x19000] =	vst v63  }
0x2bf: {  	_ =	swait.ge [sflag:s6], $0x4000  }
0x2c0: {  	[sflag:s6] =	ssyncset.done $0x0  }
0x2c1: {  	s24 =	simm.s32 $0xC80;
	[sflag:s6] =	ssyncadd.s32 $0xFFFFC000  }
0x2c2: {  	[tilespmem:s3], [sflag:$0x3] =	stream.indirect.gather [hbm4b:s7+s12], $0x80, s24, s12, $0xb8;
	[tilespmem:$0x19000] =	vst v63  }
0x2c3: {  	_ =	swait.ge [sflag:s19], $0x4000  }
0x2c4: {  	[sflag:s19] =	ssyncset.done $0x0  }
0x2c5: {  	s25 =	rddreg [dreg:$0x17];
	[sflag:s19] =	ssyncadd.s32 $0xFFFFC000  }
0x2c6: {  	[hbm4b:s25+s2] =	stream.linear.scatter [tilespmem:s15], [sflag:$0xA], $0x4000, $0x38;
	[tilespmem:$0x19000] =	vst v63  }
0x2c7: {  	_ =	swait.ge [sflag:s20], $0x4000  }
0x2c8: {  	[sflag:s20] =	ssyncset.done $0x0  }
0x2c9: {  	s26 =	rddreg [dreg:$0x18];
	[sflag:s20] =	ssyncadd.s32 $0xFFFFC000  }
0x2ca: {  	[hbm4b:s26+s2] =	stream.linear.scatter [tilespmem:s13], [sflag:$0xB], $0x4000, $0x38;
	[tilespmem:$0x19000] =	vst v63  }
0x2cb: {  	_ =	swait.ge [sflag:s21], $0x4000  }
0x2cc: {  	[sflag:s21] =	ssyncset.done $0x0  }
0x2cd: {  	s28 =	rddreg [dreg:$0x19];
	[sflag:s21] =	ssyncadd.s32 $0xFFFFC000  }
0x2ce: {  	[hbm4b:s28+s2] =	stream.linear.scatter [tilespmem:s11], [sflag:$0xC], $0x4000, $0x38;
	[tilespmem:$0x19000] =	vst v63  }
0x2cf: {  	_ =	swait.ge [sflag:s22], $0x4000  }
0x2d0: {  	[sflag:s22] =	ssyncset.done $0x0  }
0x2d1: {  	s29 =	rddreg [dreg:$0x1a];
	[sflag:s22] =	ssyncadd.s32 $0xFFFFC000  }
0x2d2: {  	[hbm4b:s29+s2] =	stream.linear.scatter [tilespmem:s9], [sflag:$0xD], $0x4000, $0x38;
	[tilespmem:$0x19000] =	vst v63  }
0x2d3: {  	_ =	swait.ge [sflag:s8], $0x4000  }
0x2d4: {  	[sflag:s8] =	ssyncset.done $0x0  }
0x2d5: {  	s30 =	rddreg [dreg:$0x1b];
	[sflag:s8] =	ssyncadd.s32 $0xFFFFC000  }
0x2d6: {  	[hbm4b:s30+s2] =	stream.linear.scatter [tilespmem:s4], [sflag:$0x8], $0x4000, $0x38;
	[tilespmem:$0x19000] =	vst v63  }
0x2d7: {  	_ =	swait.ge [sflag:s10], $0x4000  }
0x2d8: {  	[sflag:s10] =	ssyncset.done $0x0  }
0x2d9: {  	s31 =	rddreg [dreg:$0x1c];
	[sflag:s10] =	ssyncadd.s32 $0xFFFFC000  }
0x2da: {  	[hbm4b:s31+s2] =	stream.linear.scatter [tilespmem:s3], [sflag:$0x9], $0x4000, $0x38;
	[tilespmem:$0x19000] =	vst v63  }
0x2db: {  	_ =	swait.ge [sflag:s14], $0x4000  }
0x2dc: {  	[sflag:s14] =	ssyncset.done $0x0  }
0x2dd: {  	[sflag:s14] =	ssyncadd.s32 $0xFFFFC000  }
0x2de: {  	_ =	swait.ge [sflag:s16], $0x4000  }
0x2df: {  	[sflag:s16] =	ssyncset.done $0x0  }
0x2e0: {  	[sflag:s16] =	ssyncadd.s32 $0xFFFFC000  }
0x2e1: {  	_ =	swait.ge [sflag:s17], $0x4000  }
0x2e2: {  	[sflag:s17] =	ssyncset.done $0x0  }
0x2e3: {  	[sflag:s17] =	ssyncadd.s32 $0xFFFFC000  }
0x2e4: {  	_ =	swait.ge [sflag:s18], $0x4000  }
0x2e5: {  	[sflag:s18] =	ssyncset.done $0x0  }
0x2e6: {  	[sflag:s18] =	ssyncadd.s32 $0xFFFFC000  }
0x2e7: {  	_ =	swait.ge [sflag:s5], $0x4000  }
0x2e8: {  	[sflag:s5] =	ssyncset.done $0x0  }
0x2e9: {  	[sflag:s5] =	ssyncadd.s32 $0xFFFFC000  }
0x2ea: {  	_ =	swait.ge [sflag:s6], $0x4000  }
0x2eb: {  	[sflag:s6] =	ssyncset.done $0x0  }
0x2ec: {  	[sflag:s6] =	ssyncadd.s32 $0xFFFFC000  }
0x2ed: {  	_ =	sfence.sel $0x180000  }
0x2ee: {  	[bflag:$0x0] =	sbarrier.arrive $0xFFFF  }
0x2ef: {  	_ =	strace $0x90000047  }
0x2f0: {  	[bflag:$0x2] =	sbarrier.arrive $0xFFFF  }
0x2f1: {  	p0 =	sne.s32 s23, $0x0;
	s0 =	rddreg [dreg:$0x2]  }
0x2f2: {  	s0 =	sadd.s32 @!p0 $0x100000, s0  }
0x2f3: {  	[sflag:s0] =	ssyncadd.tile.s32 @!p0 $0x1;
	_ =	shalt  }
.LBB2_1:
.Ltmp3:
0x2f4: {  	(pc) =	sbr.rel .LBB2_6-.Ltmp3, $3  }
0x2f5: {  	_ =	sdelay $0x1  }
0x2f6: {  	s24 =	simm.s32 $0xA00;
	s29 =	simm.s32 $0xA80  }
0x2f7: {  	s28 =	simm.s32 $0xB00;
	s26 =	simm.s32 $0xB80;
	s25 =	simm.s32 $0xC00  }
.LBB2_3:
.Ltmp4:
0x2f8: {  	(pc) =	sbr.rel .LBB2_6-.Ltmp4, $3  }
0x2f9: {  	_ =	sdelay $0x1  }
0x2fa: {  	s24 =	simm.s32 $0xA00;
	s29 =	simm.s32 $0xA80;
	s28 =	simm.s32 $0xB00  }
0x2fb: {  	s26 =	simm.s32 $0xB80;
	s25 =	simm.s32 $0xC00;
	s23 =	stileid.u32  }
.Lfunc_end2:
_tile_overlayer_lowered:
.L_overlay_start_2:
0x2fc: {  	(tag) =	ssettag $0x2  }
0x2fd: {  	s0 =	rddreg [dreg:$0x0];
	s2 =	stileid.u32  }
0x2fe: {  	s1 =	rddreg [dreg:$0x1];
	p0 =	sne.s32 s2, $0x0  }
0x2ff: {  	s3 =	rddreg [dreg:$0x2];
	[bflag:$0x3] =	sbarrier.arrive $0xFFFF;
	s2 =	simm.s32 @!p0 $0x1C0E  }
0x300: {  	[timem:s3], [sflag:s2] =	dma.local @!p0 [hbm:s0], s1  }
0x301: {  	s0 =	simm.s32 @!p0 $0xE  }
0x302: {  	_ =	swait.ge @!p0 [sflag:s0], s1  }
0x303: {  	s1 =	ssub.s32 @!p0 $0x0, s1;
	[sflag:s0] =	ssyncset.done @!p0 $0x0  }
0x304: {  	[sflag:s0] =	ssyncadd.s32 @!p0 s1  }
0x305: {  	[bflag:$0x3] =	sbarrier.arrive $0xFFFF  }
0x306: {  	_ =	shalt  }

</sc_bundles>
